<compile_context>
chip_gen: v7x
topology: tpu7x:2x2x1
jax: 0.10.2.dev20260603
libtpu: 0.0.44.dev20260713+nightly
codegen_flags: <defaults>
</compile_context>

<pallas_src>
import functools

import jax
import jax.numpy as jnp
from jax import lax
from jax.experimental import pallas as pl
from jax.experimental.pallas import tpu as pltpu
from jax.experimental.pallas import tpu_sc as plsc

N = 10000
E = 160000
D = 256
H = 256
C = 7
B = 2048
EPS = 1e-3

NC = 2
NS = 16
CH = 80
EPW = E // NS
NCHUNK = EPW // CH
NP = 10240
RPW = NP // NS
BPW = B // (NC * NS)

_PREC = lax.Precision.DEFAULT


def _mm(a, b):
    return jnp.dot(a, b, precision=_PREC, preferred_element_type=jnp.float32)


def _gelu(x):
    return 0.5 * x * (1.0 + lax.erf(x * (2.0 ** -0.5)))


def _fold(g, b, W, wb):
    s = 1.0 / jnp.sqrt(1.0 + EPS)
    return W * (g * s)[:, None], (b @ W + wb)[None, :]



def _ffn2_body(nf, W1, b1, W2, b2, x_out, y_out):
    x = _gelu(_mm(nf[...], W1[...]) + b1[...])
    x_out[...] = x
    y = _gelu(_mm(x, W2[...]) + b2[...])
    y_out[0, :, :] = y[:, :128]
    y_out[1, :, :] = y[:, 128:]


def _upd_body(x, s2, c16, Wx, Wa0, Wa1, bu, Wp, bp, x1_out, y_out):
    cnt = c16[0, :, 0:1] + c16[1, :, 0:1]
    inv = 1.0 / jnp.maximum(cnt, 1.0)
    m = _mm(s2[0, :, :], Wa0[...]) + _mm(s2[1, :, :], Wa1[...])
    x1 = _gelu(_mm(x[...], Wx[...]) + inv * m + bu[...])
    x1_out[...] = x1
    y = _gelu(_mm(x1, Wp[...]) + bp[...])
    y_out[0, :, :] = y[:, :128]
    y_out[1, :, :] = y[:, 128:]


def _upd_last_body(x, s2, c16, Wx, Wa0, Wa1, bu, x1_out):
    cnt = c16[0, :, 0:1] + c16[1, :, 0:1]
    inv = 1.0 / jnp.maximum(cnt, 1.0)
    m = _mm(s2[0, :, :], Wa0[...]) + _mm(s2[1, :, :], Wa1[...])
    x1_out[...] = _gelu(_mm(x[...], Wx[...]) + inv * m + bu[...])


def _head_body(sel, Wp, bp, Wo, bo, out):
    z = _gelu(_mm(sel[...], Wp[...]) + bp[...])
    out[...] = _mm(z, Wo[...]) + bo[...]


_RB = 2000


def _full(shape):
    ndim = len(shape)
    return pl.BlockSpec(shape, lambda *_, _n=ndim: (0,) * _n)


def _ffn2(nf, W1, b1, W2, b2):
    return pl.pallas_call(
        _ffn2_body,
        grid=(N // _RB,),
        in_specs=[
            pl.BlockSpec((_RB, D), lambda i: (i, 0)),
            _full(W1.shape), _full(b1.shape), _full(W2.shape), _full(b2.shape),
        ],
        out_specs=[
            pl.BlockSpec((_RB, H), lambda i: (i, 0)),
            pl.BlockSpec((2, _RB, 128), lambda i: (0, i, 0)),
        ],
        out_shape=[
            jax.ShapeDtypeStruct((N, H), jnp.float32),
            jax.ShapeDtypeStruct((2, N, 128), jnp.float32),
        ],
    )(nf, W1, b1, W2, b2)


def _upd(x, sums, c16, Wx, Wa0, Wa1, bu, Wp, bp):
    return pl.pallas_call(
        _upd_body,
        grid=(N // _RB,),
        in_specs=[
            pl.BlockSpec((_RB, H), lambda i: (i, 0)),
            pl.BlockSpec((2, _RB, 128), lambda i: (0, i, 0)),
            pl.BlockSpec((2, _RB, 16), lambda i: (0, i, 0)),
            _full(Wx.shape), _full(Wa0.shape), _full(Wa1.shape), _full(bu.shape),
            _full(Wp.shape), _full(bp.shape),
        ],
        out_specs=[
            pl.BlockSpec((_RB, H), lambda i: (i, 0)),
            pl.BlockSpec((2, _RB, 128), lambda i: (0, i, 0)),
        ],
        out_shape=[
            jax.ShapeDtypeStruct((N, H), jnp.float32),
            jax.ShapeDtypeStruct((2, N, 128), jnp.float32),
        ],
    )(x, sums, c16, Wx, Wa0, Wa1, bu, Wp, bp)


def _upd_last(x, sums, c16, Wx, Wa0, Wa1, bu):
    return pl.pallas_call(
        _upd_last_body,
        grid=(N // _RB,),
        in_specs=[
            pl.BlockSpec((_RB, H), lambda i: (i, 0)),
            pl.BlockSpec((2, _RB, 128), lambda i: (0, i, 0)),
            pl.BlockSpec((2, _RB, 16), lambda i: (0, i, 0)),
            _full(Wx.shape), _full(Wa0.shape), _full(Wa1.shape), _full(bu.shape),
        ],
        out_specs=pl.BlockSpec((_RB, H), lambda i: (i, 0)),
        out_shape=jax.ShapeDtypeStruct((N, H), jnp.float32),
    )(x, sums, c16, Wx, Wa0, Wa1, bu)


def _head(sel, Wp, bp, Wo, bo):
    return pl.pallas_call(
        _head_body,
        in_specs=[_full((B, H)), _full(Wp.shape), _full(bp.shape),
                  _full(Wo.shape), _full(bo.shape)],
        out_specs=_full((B, C)),
        out_shape=jax.ShapeDtypeStruct((B, C), jnp.float32),
    )(sel, Wp, bp, Wo, bo)



@functools.cache
def _sc_mesh():
    return plsc.VectorSubcoreMesh(core_axis_name="c", subcore_axis_name="s")


def _seg_body(y_hbm, dst_hbm, src_hbm, z128_hbm, sums_hbm,
              idx_d0, idx_s0, rows0, idx_d1, idx_s1, rows1, acc, sem0, sem1):
    c = lax.axis_index("c")
    s = lax.axis_index("s")

    pltpu.sync_copy(z128_hbm, rows0)

    @pl.loop(0, RPW // CH)
    def _(k):
        pltpu.sync_copy(rows0, acc.at[pl.ds(s * RPW + k * CH, CH)])

    plsc.subcore_barrier()

    yoff = c * N

    def start(i, idx_d, idx_s, rows, sem):
        base = s * EPW + i * CH
        pltpu.sync_copy(dst_hbm.at[pl.ds(base, CH)], idx_d)
        pltpu.sync_copy(src_hbm.at[pl.ds(base, CH)], idx_s)
        for j in range(0, CH, 16):
            sl = pl.ds(j, 16)
            idx_s[sl] = idx_s[sl] + yoff
        pltpu.async_copy(y_hbm.at[idx_s], rows, sem)

    def drain(idx_d, idx_s, rows, sem):
        pltpu.make_async_copy(y_hbm.at[idx_s], rows, sem).wait()
        pltpu.sync_copy(rows, acc.at[idx_d], add=True)

    start(0, idx_d0, idx_s0, rows0, sem0)

    @pl.loop(0, (NCHUNK - 1) // 2)
    def _(k):
        i = 2 * k
        start(i + 1, idx_d1, idx_s1, rows1, sem1)
        drain(idx_d0, idx_s0, rows0, sem0)
        start(i + 2, idx_d0, idx_s0, rows0, sem0)
        drain(idx_d1, idx_s1, rows1, sem1)

    drain(idx_d0, idx_s0, rows0, sem0)

    plsc.subcore_barrier()

    @pl.loop(0, RPW // CH)
    def _(k):
        off = s * RPW + k * CH
        pltpu.sync_copy(acc.at[pl.ds(off, CH)], rows0)
        pltpu.sync_copy(rows0, sums_hbm.at[pl.ds(c * NP + off, CH)])


def _segment_sum(y2, dst, src):
    z128 = jnp.zeros((CH, 128), jnp.float32)
    y2 = y2.reshape(2 * N, 128)
    k = pl.kernel(
        _seg_body,
        out_type=jax.ShapeDtypeStruct((2 * NP, 128), jnp.float32),
        mesh=_sc_mesh(),
        scratch_types=[
            pltpu.VMEM((CH,), jnp.int32),
            pltpu.VMEM((CH,), jnp.int32),
            pltpu.VMEM((CH, 128), jnp.float32),
            pltpu.VMEM((CH,), jnp.int32),
            pltpu.VMEM((CH,), jnp.int32),
            pltpu.VMEM((CH, 128), jnp.float32),
            pltpu.VMEM_SHARED((NP, 128), jnp.float32),
            pltpu.SemaphoreType.DMA,
            pltpu.SemaphoreType.DMA,
        ],
    )
    return k(y2, dst, src, z128).reshape(2, NP, 128)


CH2 = 40
EPW2 = E // NC // NS
NCHUNK2 = EPW2 // CH2


def _cnt_body(dst_hbm, z128_hbm, ones_hbm, cnt_hbm,
              idx_d0, idx_d1, zrows, ones_v, acc, sem0, sem1):
    c = lax.axis_index("c")
    s = lax.axis_index("s")

    pltpu.sync_copy(z128_hbm, zrows)
    pltpu.sync_copy(ones_hbm, ones_v)

    @pl.loop(0, RPW // CH)
    def _(k):
        pltpu.sync_copy(zrows, acc.at[pl.ds(s * RPW + k * CH, CH)])

    plsc.subcore_barrier()

    ebase = (c * NS + s) * EPW2

    def cstart(i, idx_d, sem):
        pltpu.async_copy(dst_hbm.at[pl.ds(ebase + i * CH2, CH2)], idx_d, sem)

    def cdrain(i, idx_d, sem):
        pltpu.make_async_copy(dst_hbm.at[pl.ds(ebase + i * CH2, CH2)],
                              idx_d, sem).wait()
        pltpu.sync_copy(ones_v, acc.at[idx_d], add=True)

    cstart(0, idx_d0, sem0)

    @pl.loop(0, (NCHUNK2 - 1) // 2)
    def _(k):
        i = 2 * k
        cstart(i + 1, idx_d1, sem1)
        cdrain(i, idx_d0, sem0)
        cstart(i + 2, idx_d0, sem0)
        cdrain(i + 1, idx_d1, sem1)

    cdrain(NCHUNK2 - 1, idx_d0, sem0)

    plsc.subcore_barrier()

    @pl.loop(0, RPW // CH)
    def _(k):
        off = s * RPW + k * CH
        pltpu.sync_copy(acc.at[pl.ds(off, CH)], zrows)
        pltpu.sync_copy(zrows, cnt_hbm.at[pl.ds(c * NP + off, CH)])


def _edge_counts(dst):
    z128 = jnp.zeros((CH, 128), jnp.float32)
    ones = jnp.ones((CH2, 128), jnp.float32)
    k = pl.kernel(
        _cnt_body,
        out_type=jax.ShapeDtypeStruct((2 * NP, 128), jnp.float32),
        mesh=_sc_mesh(),
        scratch_types=[
            pltpu.VMEM((CH2,), jnp.int32),
            pltpu.VMEM((CH2,), jnp.int32),
            pltpu.VMEM((CH, 128), jnp.float32),
            pltpu.VMEM((CH2, 128), jnp.float32),
            pltpu.VMEM_SHARED((NP, 128), jnp.float32),
            pltpu.SemaphoreType.DMA,
            pltpu.SemaphoreType.DMA,
        ],
    )
    cnt = k(dst, z128, ones)
    return cnt.reshape(2, NP, 128)[:, :, :16]


def _gather_body(x_hbm, idx_hbm, out_hbm, idx_v, rows_v, sem):
    wid = lax.axis_index("s") * NC + lax.axis_index("c")
    base = wid * BPW
    pltpu.sync_copy(idx_hbm.at[pl.ds(base, BPW)], idx_v)
    pltpu.async_copy(x_hbm.at[idx_v], rows_v, sem).wait()
    pltpu.sync_copy(rows_v, out_hbm.at[pl.ds(base, BPW)])


def _gather_rows(x, idx):
    k = pl.kernel(
        _gather_body,
        out_type=jax.ShapeDtypeStruct((B, H), jnp.float32),
        mesh=_sc_mesh(),
        scratch_types=[
            pltpu.VMEM((BPW,), jnp.int32),
            pltpu.VMEM((BPW, H), jnp.float32),
            pltpu.SemaphoreType.DMA,
        ],
    )
    return k(x, idx)



def kernel(node_features, edges, input_node_indices,
           pre_g, pre_b, pre_W, pre_wb,
           c1p_g, c1p_b, c1p_W, c1p_wb, c1u_g, c1u_b, c1u_W, c1u_wb,
           c2p_g, c2p_b, c2p_W, c2p_wb, c2u_g, c2u_b, c2u_W, c2u_wb,
           post_g, post_b, post_W, post_wb, out_W, out_b):
    W1, b1 = _fold(pre_g, pre_b, pre_W, pre_wb)
    W1p, b1p = _fold(c1p_g, c1p_b, c1p_W, c1p_wb)
    W1u, b1u = _fold(c1u_g, c1u_b, c1u_W, c1u_wb)
    W2p, b2p = _fold(c2p_g, c2p_b, c2p_W, c2p_wb)
    W2u, b2u = _fold(c2u_g, c2u_b, c2u_W, c2u_wb)
    Wpost, bpost = _fold(post_g, post_b, post_W, post_wb)

    dst = edges[0]
    src = edges[1]

    c16 = _edge_counts(dst)
    x, y1 = _ffn2(node_features, W1, b1, W1p, b1p)
    sums1 = _segment_sum(y1, dst, src)
    x1, y2 = _upd(x, sums1, c16,
                  W1u[:H], W1u[H:H + 128], W1u[H + 128:], b1u, W2p, b2p)
    sums2 = _segment_sum(y2, dst, src)
    x2 = _upd_last(x1, sums2, c16,
                   W2u[:H], W2u[H:H + 128], W2u[H + 128:], b2u)
    sel = _gather_rows(x2, input_node_indices)
    return _head(sel, Wpost, bpost, out_W, out_b[None, :])

# --- scband reference (transcript-rebuilt; emitter-appended) ---
"""Pipeline reference for scband-gnnnode-classifier-78915729097303 (READ-ONLY COPY).

The authoritative reference and input builder live on the scoring server;
editing this copy changes nothing except your own understanding.
"""

import jax, jax.numpy as jnp
import numpy as np

N = 10000
E = 160000
D = 256
H = 256
C = 7
B = 2048
EPS = 1e-3  # keras BatchNormalization default epsilon


def setup_inputs(seed: int = 0) -> dict:
    key = jax.random.key(seed)
    ks = jax.random.split(key, 40)
    def w(k, shape):
        return jax.random.normal(k, shape, dtype=jnp.float32) * 0.05
    inp = {}
    inp['node_features'] = jax.random.normal(ks[0], (N, D), dtype=jnp.float32)
    inp['edges'] = jax.random.randint(ks[1], (2, E), 0, N, dtype=jnp.int32)
    inp['input_node_indices'] = jax.random.randint(ks[2], (B,), 0, N, dtype=jnp.int32)
    # preprocess ffn: BN(D) + Dense(D->H, gelu)
    inp['pre_g'] = 1.0 + w(ks[3], (D,)); inp['pre_b'] = w(ks[4], (D,))
    inp['pre_W'] = w(ks[5], (D, H)); inp['pre_wb'] = w(ks[6], (H,))
    # conv1 ffn_prepare: BN(H) + Dense(H->H)
    inp['c1p_g'] = 1.0 + w(ks[7], (H,)); inp['c1p_b'] = w(ks[8], (H,))
    inp['c1p_W'] = w(ks[9], (H, H)); inp['c1p_wb'] = w(ks[10], (H,))
    # conv1 update_fn: BN(2H) + Dense(2H->H)
    inp['c1u_g'] = 1.0 + w(ks[11], (2 * H,)); inp['c1u_b'] = w(ks[12], (2 * H,))
    inp['c1u_W'] = w(ks[13], (2 * H, H)); inp['c1u_wb'] = w(ks[14], (H,))
    # conv2 ffn_prepare
    inp['c2p_g'] = 1.0 + w(ks[15], (H,)); inp['c2p_b'] = w(ks[16], (H,))
    inp['c2p_W'] = w(ks[17], (H, H)); inp['c2p_wb'] = w(ks[18], (H,))
    # conv2 update_fn
    inp['c2u_g'] = 1.0 + w(ks[19], (2 * H,)); inp['c2u_b'] = w(ks[20], (2 * H,))
    inp['c2u_W'] = w(ks[21], (2 * H, H)); inp['c2u_wb'] = w(ks[22], (H,))
    # postprocess ffn
    inp['post_g'] = 1.0 + w(ks[23], (H,)); inp['post_b'] = w(ks[24], (H,))
    inp['post_W'] = w(ks[25], (H, H)); inp['post_wb'] = w(ks[26], (H,))
    # output head
    inp['out_W'] = w(ks[27], (H, C)); inp['out_b'] = w(ks[28], (C,))
    return inp


def _bn(x, g, b):
    # inference-mode BatchNorm with moving_mean=0, moving_var=1
    return x / jnp.sqrt(1.0 + EPS) * g + b


def _ffn(x, g, b, W, wb):
    # BN -> (Dropout is identity at inference) -> Dense(gelu)
    return jax.nn.gelu(_bn(x, g, b) @ W + wb, approximate=False)


def _graph_conv(x, edges, pg, pb, pW, pwb, ug, ub, uW, uwb):
    node_indices = edges[0]
    neighbour_indices = edges[1]
    neighbour_reps = jnp.take(x, neighbour_indices, axis=0)
    messages = _ffn(neighbour_reps, pg, pb, pW, pwb)
    sums = jax.ops.segment_sum(messages, node_indices, num_segments=N)
    counts = jax.ops.segment_sum(jnp.ones((E, 1), jnp.float32), node_indices, num_segments=N)
    aggregated = sums / jnp.maximum(counts, 1.0)  # unsorted_segment_mean (0 for empty segments)
    h = jnp.concatenate([x, aggregated], axis=1)
    return _ffn(h, ug, ub, uW, uwb)


def reference(node_features, edges, input_node_indices,
              pre_g, pre_b, pre_W, pre_wb,
              c1p_g, c1p_b, c1p_W, c1p_wb, c1u_g, c1u_b, c1u_W, c1u_wb,
              c2p_g, c2p_b, c2p_W, c2p_wb, c2u_g, c2u_b, c2u_W, c2u_wb,
              post_g, post_b, post_W, post_wb, out_W, out_b):
    x = _ffn(node_features, pre_g, pre_b, pre_W, pre_wb)
    x1 = _graph_conv(x, edges, c1p_g, c1p_b, c1p_W, c1p_wb, c1u_g, c1u_b, c1u_W, c1u_wb)
    x2 = _graph_conv(x1, edges, c2p_g, c2p_b, c2p_W, c2p_wb, c2u_g, c2u_b, c2u_W, c2u_wb)
    x = _ffn(x2, post_g, post_b, post_W, post_wb)
    node_embeddings = jnp.take(x, input_node_indices, axis=0)
    logits = node_embeddings @ out_W + out_b
    return logits

if __name__ == "__main__":
    import jax
    _d = setup_inputs()
    print(jax.jit(kernel)(*tuple(_d.values())))

</pallas_src>

<mosaic_0001>
#map = affine_map<(d0, d1) -> (0, 0)>
#map1 = affine_map<(d0, d1) -> (0)>
module attributes {stable_mosaic.version = 14 : i64} {
  func.func @_seg_body(%arg0: i32, %arg1: i32, %arg2: memref<20000x128xf32, #tpu.memory_space<hbm>>, %arg3: memref<160000xi32, #tpu.memory_space<hbm>>, %arg4: memref<160000xi32, #tpu.memory_space<hbm>>, %arg5: memref<80x128xf32, #tpu.memory_space<hbm>>, %arg6: memref<20480x128xf32, #tpu.memory_space<hbm>>, %arg7: memref<80xi32, #tpu.memory_space<vmem>>, %arg8: memref<80xi32, #tpu.memory_space<vmem>>, %arg9: memref<80x128xf32, #tpu.memory_space<vmem>>, %arg10: memref<80xi32, #tpu.memory_space<vmem>>, %arg11: memref<80xi32, #tpu.memory_space<vmem>>, %arg12: memref<80x128xf32, #tpu.memory_space<vmem>>, %arg13: memref<10240x128xf32, #tpu.memory_space<vmem_shared>>, %arg14: memref<!tpu.dma_semaphore, #tpu.memory_space<semaphore_mem>>, %arg15: memref<!tpu.dma_semaphore, #tpu.memory_space<semaphore_mem>>) attributes {dimension_semantics = [#tpu.dimension_semantics<core_parallel>, #tpu.dimension_semantics<subcore_parallel>], iteration_bounds = array<i64: 2, 16>, scalar_prefetch = 0 : i64, scratch_operands = 9 : i64, tpu.core_type = #tpu.core_type<sc_vector_subcore>, window_params = [{transform_indices = #map}, {transform_indices = #map1}, {transform_indices = #map1}, {transform_indices = #map}, {transform_indices = #map}]} {
    "tpu.region"() ({
      %run_scoped3A = tpu.sem_alloc : memref<!tpu.dma_semaphore, #tpu.memory_space<semaphore_mem>>
      tpu.enqueue_dma source(%arg5 : memref<80x128xf32, #tpu.memory_space<hbm>>) target(%arg9 : memref<80x128xf32, #tpu.memory_space<vmem>>) target_semaphore(%run_scoped3A : memref<!tpu.dma_semaphore, #tpu.memory_space<semaphore_mem>>)
      tpu.wait_dma2 semaphore(%run_scoped3A : memref<!tpu.dma_semaphore, #tpu.memory_space<semaphore_mem>>) src(%arg5 : memref<80x128xf32, #tpu.memory_space<hbm>>) dst(%arg9 : memref<80x128xf32, #tpu.memory_space<vmem>>)
      tpu.yield
    }) : () -> ()
    %scan3A = arith.constant 0 : i32
    %scan3A_0 = arith.constant 8 : i32
    %scan3A_1 = arith.addi %scan3A, %scan3A_0 : i32
    %scan3A_2 = arith.constant 1 : i32
    scf.for %scan3A_66 = %scan3A to %scan3A_1 step %scan3A_2  : i32 {
      %mul3A_67 = arith.constant 1 : i32
      %mul3A_68 = arith.muli %scan3A_66, %mul3A_67 : i32
      %add3A_69 = arith.constant 0 : i32
      %add3A_70 = arith.addi %add3A_69, %mul3A_68 : i32
      %mul3A_71 = arith.constant 640 : i32
      %mul3A_72 = arith.muli %arg1, %mul3A_71 : i32
      %mul3A_73 = arith.constant 80 : i32
      %mul3A_74 = arith.muli %add3A_70, %mul3A_73 : i32
      %add3A_75 = arith.addi %mul3A_72, %mul3A_74 : i32
      "tpu.region"() ({
        %run_scoped3A = tpu.sem_alloc : memref<!tpu.dma_semaphore, #tpu.memory_space<semaphore_mem>>
        %dma_start3A_76 = arith.constant 0 : i32
        %dma_start3A_77 = tpu.memref_slice %arg13[%add3A_75, %dma_start3A_76] : memref<10240x128xf32, #tpu.memory_space<vmem_shared>> -> memref<80x128xf32, #tpu.memory_space<vmem_shared>>
        %dma_start3A_78 = arith.constant 0 : i32
        %dma_start3A_79 = tpu.memref_slice %arg13[%add3A_75, %dma_start3A_78] : memref<10240x128xf32, #tpu.memory_space<vmem_shared>> -> memref<80x128xf32, #tpu.memory_space<vmem_shared>>
        tpu.enqueue_dma source(%arg9 : memref<80x128xf32, #tpu.memory_space<vmem>>) target(%dma_start3A_79 : memref<80x128xf32, #tpu.memory_space<vmem_shared>>) target_semaphore(%run_scoped3A : memref<!tpu.dma_semaphore, #tpu.memory_space<semaphore_mem>>)
        %dma_wait3A_80 = arith.constant 0 : i32
        %dma_wait3A_81 = tpu.memref_slice %arg13[%add3A_75, %dma_wait3A_80] : memref<10240x128xf32, #tpu.memory_space<vmem_shared>> -> memref<80x128xf32, #tpu.memory_space<vmem_shared>>
        %dma_wait3A_82 = arith.constant 0 : i32
        %dma_wait3A_83 = tpu.memref_slice %arg13[%add3A_75, %dma_wait3A_82] : memref<10240x128xf32, #tpu.memory_space<vmem_shared>> -> memref<80x128xf32, #tpu.memory_space<vmem_shared>>
        tpu.wait_dma2 semaphore(%run_scoped3A : memref<!tpu.dma_semaphore, #tpu.memory_space<semaphore_mem>>) src(%arg9 : memref<80x128xf32, #tpu.memory_space<vmem>>) dst(%dma_wait3A_83 : memref<80x128xf32, #tpu.memory_space<vmem_shared>>)
        tpu.yield
      }) : () -> ()
    }
    %scan3A_3 = arith.constant 8 : i32
    %barrier3A = arith.constant 0 : index
    tpu.barrier barrier_id(%barrier3A)
    %mul3A = arith.constant 10000 : i32
    %mul3A_4 = arith.muli %arg0, %mul3A : i32
    %mul3A_5 = arith.constant 10000 : i32
    %mul3A_6 = arith.muli %arg1, %mul3A_5 : i32
    %add3A = arith.constant 0 : i32
    %add3A_7 = arith.addi %mul3A_6, %add3A : i32
    "tpu.region"() ({
      %run_scoped3A = tpu.sem_alloc : memref<!tpu.dma_semaphore, #tpu.memory_space<semaphore_mem>>
      %dma_start3A_66 = tpu.memref_slice %arg3[%add3A_7] : memref<160000xi32, #tpu.memory_space<hbm>> -> memref<80xi32, #tpu.memory_space<hbm>>
      %dma_start3A_67 = tpu.memref_slice %arg3[%add3A_7] : memref<160000xi32, #tpu.memory_space<hbm>> -> memref<80xi32, #tpu.memory_space<hbm>>
      tpu.enqueue_dma source(%dma_start3A_67 : memref<80xi32, #tpu.memory_space<hbm>>) target(%arg7 : memref<80xi32, #tpu.memory_space<vmem>>) target_semaphore(%run_scoped3A : memref<!tpu.dma_semaphore, #tpu.memory_space<semaphore_mem>>)
      %dma_wait3A_68 = tpu.memref_slice %arg3[%add3A_7] : memref<160000xi32, #tpu.memory_space<hbm>> -> memref<80xi32, #tpu.memory_space<hbm>>
      %dma_wait3A_69 = tpu.memref_slice %arg3[%add3A_7] : memref<160000xi32, #tpu.memory_space<hbm>> -> memref<80xi32, #tpu.memory_space<hbm>>
      tpu.wait_dma2 semaphore(%run_scoped3A : memref<!tpu.dma_semaphore, #tpu.memory_space<semaphore_mem>>) src(%dma_wait3A_69 : memref<80xi32, #tpu.memory_space<hbm>>) dst(%arg7 : memref<80xi32, #tpu.memory_space<vmem>>)
      tpu.yield
    }) : () -> ()
    "tpu.region"() ({
      %run_scoped3A = tpu.sem_alloc : memref<!tpu.dma_semaphore, #tpu.memory_space<semaphore_mem>>
      %dma_start3A_66 = tpu.memref_slice %arg4[%add3A_7] : memref<160000xi32, #tpu.memory_space<hbm>> -> memref<80xi32, #tpu.memory_space<hbm>>
      %dma_start3A_67 = tpu.memref_slice %arg4[%add3A_7] : memref<160000xi32, #tpu.memory_space<hbm>> -> memref<80xi32, #tpu.memory_space<hbm>>
      tpu.enqueue_dma source(%dma_start3A_67 : memref<80xi32, #tpu.memory_space<hbm>>) target(%arg8 : memref<80xi32, #tpu.memory_space<vmem>>) target_semaphore(%run_scoped3A : memref<!tpu.dma_semaphore, #tpu.memory_space<semaphore_mem>>)
      %dma_wait3A_68 = tpu.memref_slice %arg4[%add3A_7] : memref<160000xi32, #tpu.memory_space<hbm>> -> memref<80xi32, #tpu.memory_space<hbm>>
      %dma_wait3A_69 = tpu.memref_slice %arg4[%add3A_7] : memref<160000xi32, #tpu.memory_space<hbm>> -> memref<80xi32, #tpu.memory_space<hbm>>
      tpu.wait_dma2 semaphore(%run_scoped3A : memref<!tpu.dma_semaphore, #tpu.memory_space<semaphore_mem>>) src(%dma_wait3A_69 : memref<80xi32, #tpu.memory_space<hbm>>) dst(%arg8 : memref<80xi32, #tpu.memory_space<vmem>>)
      tpu.yield
    }) : () -> ()
    %get3A = arith.constant 0 : index
    %get3A_8 = tpu.vector_load %arg8[%get3A] {strides = array<i32>} : memref<80xi32, #tpu.memory_space<vmem>>, vector<16xi32>,
    %get3A_9 = vector.shape_cast %get3A_8 : vector<16xi32> to vector<16xi32>
    %add3A_10 = vector.broadcast %mul3A_4 : i32 to vector<16xi32>
    %add3A_11 = arith.addi %get3A_9, %add3A_10 : vector<16xi32>
    %swap3A = arith.constant 0 : index
    %swap3A_12 = tpu.vector_load %arg8[%swap3A] {strides = array<i32>} : memref<80xi32, #tpu.memory_space<vmem>>, vector<16xi32>,
    %swap3A_13 = vector.shape_cast %swap3A_12 : vector<16xi32> to vector<16xi32>
    %swap3A_14 = vector.shape_cast %add3A_11 : vector<16xi32> to vector<16xi32>
    tpu.vector_store %arg8[%swap3A], %swap3A_14 {strides = array<i32>} : memref<80xi32, #tpu.memory_space<vmem>>, vector<16xi32>,
    %get3A_15 = arith.constant 16 : index
    %get3A_16 = tpu.vector_load %arg8[%get3A_15] {strides = array<i32>} : memref<80xi32, #tpu.memory_space<vmem>>, vector<16xi32>,
    %get3A_17 = vector.shape_cast %get3A_16 : vector<16xi32> to vector<16xi32>
    %add3A_18 = vector.broadcast %mul3A_4 : i32 to vector<16xi32>
    %add3A_19 = arith.addi %get3A_17, %add3A_18 : vector<16xi32>
    %swap3A_20 = arith.constant 16 : index
    %swap3A_21 = tpu.vector_load %arg8[%swap3A_20] {strides = array<i32>} : memref<80xi32, #tpu.memory_space<vmem>>, vector<16xi32>,
    %swap3A_22 = vector.shape_cast %swap3A_21 : vector<16xi32> to vector<16xi32>
    %swap3A_23 = vector.shape_cast %add3A_19 : vector<16xi32> to vector<16xi32>
    tpu.vector_store %arg8[%swap3A_20], %swap3A_23 {strides = array<i32>} : memref<80xi32, #tpu.memory_space<vmem>>, vector<16xi32>,
    %get3A_24 = arith.constant 32 : index
    %get3A_25 = tpu.vector_load %arg8[%get3A_24] {strides = array<i32>} : memref<80xi32, #tpu.memory_space<vmem>>, vector<16xi32>,
    %get3A_26 = vector.shape_cast %get3A_25 : vector<16xi32> to vector<16xi32>
    %add3A_27 = vector.broadcast %mul3A_4 : i32 to vector<16xi32>
    %add3A_28 = arith.addi %get3A_26, %add3A_27 : vector<16xi32>
    %swap3A_29 = arith.constant 32 : index
    %swap3A_30 = tpu.vector_load %arg8[%swap3A_29] {strides = array<i32>} : memref<80xi32, #tpu.memory_space<vmem>>, vector<16xi32>,
    %swap3A_31 = vector.shape_cast %swap3A_30 : vector<16xi32> to vector<16xi32>
    %swap3A_32 = vector.shape_cast %add3A_28 : vector<16xi32> to vector<16xi32>
    tpu.vector_store %arg8[%swap3A_29], %swap3A_32 {strides = array<i32>} : memref<80xi32, #tpu.memory_space<vmem>>, vector<16xi32>,
    %get3A_33 = arith.constant 48 : index
    %get3A_34 = tpu.vector_load %arg8[%get3A_33] {strides = array<i32>} : memref<80xi32, #tpu.memory_space<vmem>>, vector<16xi32>,
    %get3A_35 = vector.shape_cast %get3A_34 : vector<16xi32> to vector<16xi32>
    %add3A_36 = vector.broadcast %mul3A_4 : i32 to vector<16xi32>
    %add3A_37 = arith.addi %get3A_35, %add3A_36 : vector<16xi32>
    %swap3A_38 = arith.constant 48 : index
    %swap3A_39 = tpu.vector_load %arg8[%swap3A_38] {strides = array<i32>} : memref<80xi32, #tpu.memory_space<vmem>>, vector<16xi32>,
    %swap3A_40 = vector.shape_cast %swap3A_39 : vector<16xi32> to vector<16xi32>
    %swap3A_41 = vector.shape_cast %add3A_37 : vector<16xi32> to vector<16xi32>
    tpu.vector_store %arg8[%swap3A_38], %swap3A_41 {strides = array<i32>} : memref<80xi32, #tpu.memory_space<vmem>>, vector<16xi32>,
    %get3A_42 = arith.constant 64 : index
    %get3A_43 = tpu.vector_load %arg8[%get3A_42] {strides = array<i32>} : memref<80xi32, #tpu.memory_space<vmem>>, vector<16xi32>,
    %get3A_44 = vector.shape_cast %get3A_43 : vector<16xi32> to vector<16xi32>
    %add3A_45 = vector.broadcast %mul3A_4 : i32 to vector<16xi32>
    %add3A_46 = arith.addi %get3A_44, %add3A_45 : vector<16xi32>
    %swap3A_47 = arith.constant 64 : index
    %swap3A_48 = tpu.vector_load %arg8[%swap3A_47] {strides = array<i32>} : memref<80xi32, #tpu.memory_space<vmem>>, vector<16xi32>,
    %swap3A_49 = vector.shape_cast %swap3A_48 : vector<16xi32> to vector<16xi32>
    %swap3A_50 = vector.shape_cast %add3A_46 : vector<16xi32> to vector<16xi32>
    tpu.vector_store %arg8[%swap3A_47], %swap3A_50 {strides = array<i32>} : memref<80xi32, #tpu.memory_space<vmem>>, vector<16xi32>,
    %dma_start3A = arith.constant 0 : i32
    %dma_start3A_51 = arith.constant 0 : i32
    %dma_start3A_52 = tpu.memref_slice %arg2[%dma_start3A, %dma_start3A_51] : memref<20000x128xf32, #tpu.memory_space<hbm>> -> memref<20000x128xf32, #tpu.memory_space<hbm>>
    tpu.enqueue_indirect_dma source(%dma_start3A_52 : memref<20000x128xf32, #tpu.memory_space<hbm>>) target(%arg9 : memref<80x128xf32, #tpu.memory_space<vmem>>) offsets(%arg8 : memref<80xi32, #tpu.memory_space<vmem>>) semaphore(%arg14 : memref<!tpu.dma_semaphore, #tpu.memory_space<semaphore_mem>>)
    %scan3A_53 = arith.constant 0 : i32
    %scan3A_54 = arith.constant 62 : i32
    %scan3A_55 = arith.addi %scan3A_53, %scan3A_54 : i32
    %scan3A_56 = arith.constant 1 : i32
    scf.for %scan3A_66 = %scan3A_53 to %scan3A_55 step %scan3A_56  : i32 {
      %mul3A_67 = arith.constant 1 : i32
      %mul3A_68 = arith.muli %scan3A_66, %mul3A_67 : i32
      %add3A_69 = arith.constant 0 : i32
      %add3A_70 = arith.addi %add3A_69, %mul3A_68 : i32
      %mul3A_71 = arith.constant 2 : i32
      %mul3A_72 = arith.muli %mul3A_71, %add3A_70 : i32
      %add3A_73 = arith.constant 1 : i32
      %add3A_74 = arith.addi %mul3A_72, %add3A_73 : i32
      %mul3A_75 = arith.constant 10000 : i32
      %mul3A_76 = arith.muli %arg1, %mul3A_75 : i32
      %mul3A_77 = arith.constant 80 : i32
      %mul3A_78 = arith.muli %add3A_74, %mul3A_77 : i32
      %add3A_79 = arith.addi %mul3A_76, %mul3A_78 : i32
      "tpu.region"() ({
        %run_scoped3A = tpu.sem_alloc : memref<!tpu.dma_semaphore, #tpu.memory_space<semaphore_mem>>
        %dma_start3A_189 = tpu.memref_slice %arg3[%add3A_79] : memref<160000xi32, #tpu.memory_space<hbm>> -> memref<80xi32, #tpu.memory_space<hbm>>
        %dma_start3A_190 = tpu.memref_slice %arg3[%add3A_79] : memref<160000xi32, #tpu.memory_space<hbm>> -> memref<80xi32, #tpu.memory_space<hbm>>
        tpu.enqueue_dma source(%dma_start3A_190 : memref<80xi32, #tpu.memory_space<hbm>>) target(%arg10 : memref<80xi32, #tpu.memory_space<vmem>>) target_semaphore(%run_scoped3A : memref<!tpu.dma_semaphore, #tpu.memory_space<semaphore_mem>>)
        %dma_wait3A_191 = tpu.memref_slice %arg3[%add3A_79] : memref<160000xi32, #tpu.memory_space<hbm>> -> memref<80xi32, #tpu.memory_space<hbm>>
        %dma_wait3A_192 = tpu.memref_slice %arg3[%add3A_79] : memref<160000xi32, #tpu.memory_space<hbm>> -> memref<80xi32, #tpu.memory_space<hbm>>
        tpu.wait_dma2 semaphore(%run_scoped3A : memref<!tpu.dma_semaphore, #tpu.memory_space<semaphore_mem>>) src(%dma_wait3A_192 : memref<80xi32, #tpu.memory_space<hbm>>) dst(%arg10 : memref<80xi32, #tpu.memory_space<vmem>>)
        tpu.yield
      }) : () -> ()
      "tpu.region"() ({
        %run_scoped3A = tpu.sem_alloc : memref<!tpu.dma_semaphore, #tpu.memory_space<semaphore_mem>>
        %dma_start3A_189 = tpu.memref_slice %arg4[%add3A_79] : memref<160000xi32, #tpu.memory_space<hbm>> -> memref<80xi32, #tpu.memory_space<hbm>>
        %dma_start3A_190 = tpu.memref_slice %arg4[%add3A_79] : memref<160000xi32, #tpu.memory_space<hbm>> -> memref<80xi32, #tpu.memory_space<hbm>>
        tpu.enqueue_dma source(%dma_start3A_190 : memref<80xi32, #tpu.memory_space<hbm>>) target(%arg11 : memref<80xi32, #tpu.memory_space<vmem>>) target_semaphore(%run_scoped3A : memref<!tpu.dma_semaphore, #tpu.memory_space<semaphore_mem>>)
        %dma_wait3A_191 = tpu.memref_slice %arg4[%add3A_79] : memref<160000xi32, #tpu.memory_space<hbm>> -> memref<80xi32, #tpu.memory_space<hbm>>
        %dma_wait3A_192 = tpu.memref_slice %arg4[%add3A_79] : memref<160000xi32, #tpu.memory_space<hbm>> -> memref<80xi32, #tpu.memory_space<hbm>>
        tpu.wait_dma2 semaphore(%run_scoped3A : memref<!tpu.dma_semaphore, #tpu.memory_space<semaphore_mem>>) src(%dma_wait3A_192 : memref<80xi32, #tpu.memory_space<hbm>>) dst(%arg11 : memref<80xi32, #tpu.memory_space<vmem>>)
        tpu.yield
      }) : () -> ()
      %get3A_80 = arith.constant 0 : index
      %get3A_81 = tpu.vector_load %arg11[%get3A_80] {strides = array<i32>} : memref<80xi32, #tpu.memory_space<vmem>>, vector<16xi32>,
      %get3A_82 = vector.shape_cast %get3A_81 : vector<16xi32> to vector<16xi32>
      %add3A_83 = vector.broadcast %mul3A_4 : i32 to vector<16xi32>
      %add3A_84 = arith.addi %get3A_82, %add3A_83 : vector<16xi32>
      %swap3A_85 = arith.constant 0 : index
      %swap3A_86 = tpu.vector_load %arg11[%swap3A_85] {strides = array<i32>} : memref<80xi32, #tpu.memory_space<vmem>>, vector<16xi32>,
      %swap3A_87 = vector.shape_cast %swap3A_86 : vector<16xi32> to vector<16xi32>
      %swap3A_88 = vector.shape_cast %add3A_84 : vector<16xi32> to vector<16xi32>
      tpu.vector_store %arg11[%swap3A_85], %swap3A_88 {strides = array<i32>} : memref<80xi32, #tpu.memory_space<vmem>>, vector<16xi32>,
      %get3A_89 = arith.constant 16 : index
      %get3A_90 = tpu.vector_load %arg11[%get3A_89] {strides = array<i32>} : memref<80xi32, #tpu.memory_space<vmem>>, vector<16xi32>,
      %get3A_91 = vector.shape_cast %get3A_90 : vector<16xi32> to vector<16xi32>
      %add3A_92 = vector.broadcast %mul3A_4 : i32 to vector<16xi32>
      %add3A_93 = arith.addi %get3A_91, %add3A_92 : vector<16xi32>
      %swap3A_94 = arith.constant 16 : index
      %swap3A_95 = tpu.vector_load %arg11[%swap3A_94] {strides = array<i32>} : memref<80xi32, #tpu.memory_space<vmem>>, vector<16xi32>,
      %swap3A_96 = vector.shape_cast %swap3A_95 : vector<16xi32> to vector<16xi32>
      %swap3A_97 = vector.shape_cast %add3A_93 : vector<16xi32> to vector<16xi32>
      tpu.vector_store %arg11[%swap3A_94], %swap3A_97 {strides = array<i32>} : memref<80xi32, #tpu.memory_space<vmem>>, vector<16xi32>,
      %get3A_98 = arith.constant 32 : index
      %get3A_99 = tpu.vector_load %arg11[%get3A_98] {strides = array<i32>} : memref<80xi32, #tpu.memory_space<vmem>>, vector<16xi32>,
      %get3A_100 = vector.shape_cast %get3A_99 : vector<16xi32> to vector<16xi32>
      %add3A_101 = vector.broadcast %mul3A_4 : i32 to vector<16xi32>
      %add3A_102 = arith.addi %get3A_100, %add3A_101 : vector<16xi32>
      %swap3A_103 = arith.constant 32 : index
      %swap3A_104 = tpu.vector_load %arg11[%swap3A_103] {strides = array<i32>} : memref<80xi32, #tpu.memory_space<vmem>>, vector<16xi32>,
      %swap3A_105 = vector.shape_cast %swap3A_104 : vector<16xi32> to vector<16xi32>
      %swap3A_106 = vector.shape_cast %add3A_102 : vector<16xi32> to vector<16xi32>
      tpu.vector_store %arg11[%swap3A_103], %swap3A_106 {strides = array<i32>} : memref<80xi32, #tpu.memory_space<vmem>>, vector<16xi32>,
      %get3A_107 = arith.constant 48 : index
      %get3A_108 = tpu.vector_load %arg11[%get3A_107] {strides = array<i32>} : memref<80xi32, #tpu.memory_space<vmem>>, vector<16xi32>,
      %get3A_109 = vector.shape_cast %get3A_108 : vector<16xi32> to vector<16xi32>
      %add3A_110 = vector.broadcast %mul3A_4 : i32 to vector<16xi32>
      %add3A_111 = arith.addi %get3A_109, %add3A_110 : vector<16xi32>
      %swap3A_112 = arith.constant 48 : index
      %swap3A_113 = tpu.vector_load %arg11[%swap3A_112] {strides = array<i32>} : memref<80xi32, #tpu.memory_space<vmem>>, vector<16xi32>,
      %swap3A_114 = vector.shape_cast %swap3A_113 : vector<16xi32> to vector<16xi32>
      %swap3A_115 = vector.shape_cast %add3A_111 : vector<16xi32> to vector<16xi32>
      tpu.vector_store %arg11[%swap3A_112], %swap3A_115 {strides = array<i32>} : memref<80xi32, #tpu.memory_space<vmem>>, vector<16xi32>,
      %get3A_116 = arith.constant 64 : index
      %get3A_117 = tpu.vector_load %arg11[%get3A_116] {strides = array<i32>} : memref<80xi32, #tpu.memory_space<vmem>>, vector<16xi32>,
      %get3A_118 = vector.shape_cast %get3A_117 : vector<16xi32> to vector<16xi32>
      %add3A_119 = vector.broadcast %mul3A_4 : i32 to vector<16xi32>
      %add3A_120 = arith.addi %get3A_118, %add3A_119 : vector<16xi32>
      %swap3A_121 = arith.constant 64 : index
      %swap3A_122 = tpu.vector_load %arg11[%swap3A_121] {strides = array<i32>} : memref<80xi32, #tpu.memory_space<vmem>>, vector<16xi32>,
      %swap3A_123 = vector.shape_cast %swap3A_122 : vector<16xi32> to vector<16xi32>
      %swap3A_124 = vector.shape_cast %add3A_120 : vector<16xi32> to vector<16xi32>
      tpu.vector_store %arg11[%swap3A_121], %swap3A_124 {strides = array<i32>} : memref<80xi32, #tpu.memory_space<vmem>>, vector<16xi32>,
      %dma_start3A_125 = arith.constant 0 : i32
      %dma_start3A_126 = arith.constant 0 : i32
      %dma_start3A_127 = tpu.memref_slice %arg2[%dma_start3A_125, %dma_start3A_126] : memref<20000x128xf32, #tpu.memory_space<hbm>> -> memref<20000x128xf32, #tpu.memory_space<hbm>>
      tpu.enqueue_indirect_dma source(%dma_start3A_127 : memref<20000x128xf32, #tpu.memory_space<hbm>>) target(%arg12 : memref<80x128xf32, #tpu.memory_space<vmem>>) offsets(%arg11 : memref<80xi32, #tpu.memory_space<vmem>>) semaphore(%arg15 : memref<!tpu.dma_semaphore, #tpu.memory_space<semaphore_mem>>)
      %dma_wait3A_128 = arith.constant 0 : i32
      %dma_wait3A_129 = arith.constant 0 : i32
      %dma_wait3A_130 = tpu.memref_slice %arg2[%dma_wait3A_128, %dma_wait3A_129] : memref<20000x128xf32, #tpu.memory_space<hbm>> -> memref<20000x128xf32, #tpu.memory_space<hbm>>
      tpu.wait_indirect_dma semaphore(%arg14 : memref<!tpu.dma_semaphore, #tpu.memory_space<semaphore_mem>>) src(%dma_wait3A_130 : memref<20000x128xf32, #tpu.memory_space<hbm>>) dst(%arg9 : memref<80x128xf32, #tpu.memory_space<vmem>>)
      "tpu.region"() ({
        %run_scoped3A = tpu.sem_alloc : memref<!tpu.dma_semaphore, #tpu.memory_space<semaphore_mem>>
        %dma_start3A_189 = arith.constant 0 : i32
        %dma_start3A_190 = arith.constant 0 : i32
        %dma_start3A_191 = tpu.memref_slice %arg13[%dma_start3A_189, %dma_start3A_190] : memref<10240x128xf32, #tpu.memory_space<vmem_shared>> -> memref<10240x128xf32, #tpu.memory_space<vmem_shared>>
        tpu.enqueue_indirect_dma source(%arg9 : memref<80x128xf32, #tpu.memory_space<vmem>>) target(%dma_start3A_191 : memref<10240x128xf32, #tpu.memory_space<vmem_shared>>) offsets(%arg7 : memref<80xi32, #tpu.memory_space<vmem>>) semaphore(%run_scoped3A : memref<!tpu.dma_semaphore, #tpu.memory_space<semaphore_mem>>) {add = true}
        %dma_wait3A_192 = arith.constant 0 : i32
        %dma_wait3A_193 = arith.constant 0 : i32
        %dma_wait3A_194 = tpu.memref_slice %arg13[%dma_wait3A_192, %dma_wait3A_193] : memref<10240x128xf32, #tpu.memory_space<vmem_shared>> -> memref<10240x128xf32, #tpu.memory_space<vmem_shared>>
        tpu.wait_indirect_dma semaphore(%run_scoped3A : memref<!tpu.dma_semaphore, #tpu.memory_space<semaphore_mem>>) src(%arg9 : memref<80x128xf32, #tpu.memory_space<vmem>>) dst(%dma_wait3A_194 : memref<10240x128xf32, #tpu.memory_space<vmem_shared>>)
        tpu.yield
      }) : () -> ()
      %add3A_131 = arith.constant 2 : i32
      %add3A_132 = arith.addi %mul3A_72, %add3A_131 : i32
      %mul3A_133 = arith.constant 10000 : i32
      %mul3A_134 = arith.muli %arg1, %mul3A_133 : i32
      %mul3A_135 = arith.constant 80 : i32
      %mul3A_136 = arith.muli %add3A_132, %mul3A_135 : i32
      %add3A_137 = arith.addi %mul3A_134, %mul3A_136 : i32
      "tpu.region"() ({
        %run_scoped3A = tpu.sem_alloc : memref<!tpu.dma_semaphore, #tpu.memory_space<semaphore_mem>>
        %dma_start3A_189 = tpu.memref_slice %arg3[%add3A_137] : memref<160000xi32, #tpu.memory_space<hbm>> -> memref<80xi32, #tpu.memory_space<hbm>>
        %dma_start3A_190 = tpu.memref_slice %arg3[%add3A_137] : memref<160000xi32, #tpu.memory_space<hbm>> -> memref<80xi32, #tpu.memory_space<hbm>>
        tpu.enqueue_dma source(%dma_start3A_190 : memref<80xi32, #tpu.memory_space<hbm>>) target(%arg7 : memref<80xi32, #tpu.memory_space<vmem>>) target_semaphore(%run_scoped3A : memref<!tpu.dma_semaphore, #tpu.memory_space<semaphore_mem>>)
        %dma_wait3A_191 = tpu.memref_slice %arg3[%add3A_137] : memref<160000xi32, #tpu.memory_space<hbm>> -> memref<80xi32, #tpu.memory_space<hbm>>
        %dma_wait3A_192 = tpu.memref_slice %arg3[%add3A_137] : memref<160000xi32, #tpu.memory_space<hbm>> -> memref<80xi32, #tpu.memory_space<hbm>>
        tpu.wait_dma2 semaphore(%run_scoped3A : memref<!tpu.dma_semaphore, #tpu.memory_space<semaphore_mem>>) src(%dma_wait3A_192 : memref<80xi32, #tpu.memory_space<hbm>>) dst(%arg7 : memref<80xi32, #tpu.memory_space<vmem>>)
        tpu.yield
      }) : () -> ()
      "tpu.region"() ({
        %run_scoped3A = tpu.sem_alloc : memref<!tpu.dma_semaphore, #tpu.memory_space<semaphore_mem>>
        %dma_start3A_189 = tpu.memref_slice %arg4[%add3A_137] : memref<160000xi32, #tpu.memory_space<hbm>> -> memref<80xi32, #tpu.memory_space<hbm>>
        %dma_start3A_190 = tpu.memref_slice %arg4[%add3A_137] : memref<160000xi32, #tpu.memory_space<hbm>> -> memref<80xi32, #tpu.memory_space<hbm>>
        tpu.enqueue_dma source(%dma_start3A_190 : memref<80xi32, #tpu.memory_space<hbm>>) target(%arg8 : memref<80xi32, #tpu.memory_space<vmem>>) target_semaphore(%run_scoped3A : memref<!tpu.dma_semaphore, #tpu.memory_space<semaphore_mem>>)
        %dma_wait3A_191 = tpu.memref_slice %arg4[%add3A_137] : memref<160000xi32, #tpu.memory_space<hbm>> -> memref<80xi32, #tpu.memory_space<hbm>>
        %dma_wait3A_192 = tpu.memref_slice %arg4[%add3A_137] : memref<160000xi32, #tpu.memory_space<hbm>> -> memref<80xi32, #tpu.memory_space<hbm>>
        tpu.wait_dma2 semaphore(%run_scoped3A : memref<!tpu.dma_semaphore, #tpu.memory_space<semaphore_mem>>) src(%dma_wait3A_192 : memref<80xi32, #tpu.memory_space<hbm>>) dst(%arg8 : memref<80xi32, #tpu.memory_space<vmem>>)
        tpu.yield
      }) : () -> ()
      %get3A_138 = arith.constant 0 : index
      %get3A_139 = tpu.vector_load %arg8[%get3A_138] {strides = array<i32>} : memref<80xi32, #tpu.memory_space<vmem>>, vector<16xi32>,
      %get3A_140 = vector.shape_cast %get3A_139 : vector<16xi32> to vector<16xi32>
      %add3A_141 = vector.broadcast %mul3A_4 : i32 to vector<16xi32>
      %add3A_142 = arith.addi %get3A_140, %add3A_141 : vector<16xi32>
      %swap3A_143 = arith.constant 0 : index
      %swap3A_144 = tpu.vector_load %arg8[%swap3A_143] {strides = array<i32>} : memref<80xi32, #tpu.memory_space<vmem>>, vector<16xi32>,
      %swap3A_145 = vector.shape_cast %swap3A_144 : vector<16xi32> to vector<16xi32>
      %swap3A_146 = vector.shape_cast %add3A_142 : vector<16xi32> to vector<16xi32>
      tpu.vector_store %arg8[%swap3A_143], %swap3A_146 {strides = array<i32>} : memref<80xi32, #tpu.memory_space<vmem>>, vector<16xi32>,
      %get3A_147 = arith.constant 16 : index
      %get3A_148 = tpu.vector_load %arg8[%get3A_147] {strides = array<i32>} : memref<80xi32, #tpu.memory_space<vmem>>, vector<16xi32>,
      %get3A_149 = vector.shape_cast %get3A_148 : vector<16xi32> to vector<16xi32>
      %add3A_150 = vector.broadcast %mul3A_4 : i32 to vector<16xi32>
      %add3A_151 = arith.addi %get3A_149, %add3A_150 : vector<16xi32>
      %swap3A_152 = arith.constant 16 : index
      %swap3A_153 = tpu.vector_load %arg8[%swap3A_152] {strides = array<i32>} : memref<80xi32, #tpu.memory_space<vmem>>, vector<16xi32>,
      %swap3A_154 = vector.shape_cast %swap3A_153 : vector<16xi32> to vector<16xi32>
      %swap3A_155 = vector.shape_cast %add3A_151 : vector<16xi32> to vector<16xi32>
      tpu.vector_store %arg8[%swap3A_152], %swap3A_155 {strides = array<i32>} : memref<80xi32, #tpu.memory_space<vmem>>, vector<16xi32>,
      %get3A_156 = arith.constant 32 : index
      %get3A_157 = tpu.vector_load %arg8[%get3A_156] {strides = array<i32>} : memref<80xi32, #tpu.memory_space<vmem>>, vector<16xi32>,
      %get3A_158 = vector.shape_cast %get3A_157 : vector<16xi32> to vector<16xi32>
      %add3A_159 = vector.broadcast %mul3A_4 : i32 to vector<16xi32>
      %add3A_160 = arith.addi %get3A_158, %add3A_159 : vector<16xi32>
      %swap3A_161 = arith.constant 32 : index
      %swap3A_162 = tpu.vector_load %arg8[%swap3A_161] {strides = array<i32>} : memref<80xi32, #tpu.memory_space<vmem>>, vector<16xi32>,
      %swap3A_163 = vector.shape_cast %swap3A_162 : vector<16xi32> to vector<16xi32>
      %swap3A_164 = vector.shape_cast %add3A_160 : vector<16xi32> to vector<16xi32>
      tpu.vector_store %arg8[%swap3A_161], %swap3A_164 {strides = array<i32>} : memref<80xi32, #tpu.memory_space<vmem>>, vector<16xi32>,
      %get3A_165 = arith.constant 48 : index
      %get3A_166 = tpu.vector_load %arg8[%get3A_165] {strides = array<i32>} : memref<80xi32, #tpu.memory_space<vmem>>, vector<16xi32>,
      %get3A_167 = vector.shape_cast %get3A_166 : vector<16xi32> to vector<16xi32>
      %add3A_168 = vector.broadcast %mul3A_4 : i32 to vector<16xi32>
      %add3A_169 = arith.addi %get3A_167, %add3A_168 : vector<16xi32>
      %swap3A_170 = arith.constant 48 : index
      %swap3A_171 = tpu.vector_load %arg8[%swap3A_170] {strides = array<i32>} : memref<80xi32, #tpu.memory_space<vmem>>, vector<16xi32>,
      %swap3A_172 = vector.shape_cast %swap3A_171 : vector<16xi32> to vector<16xi32>
      %swap3A_173 = vector.shape_cast %add3A_169 : vector<16xi32> to vector<16xi32>
      tpu.vector_store %arg8[%swap3A_170], %swap3A_173 {strides = array<i32>} : memref<80xi32, #tpu.memory_space<vmem>>, vector<16xi32>,
      %get3A_174 = arith.constant 64 : index
      %get3A_175 = tpu.vector_load %arg8[%get3A_174] {strides = array<i32>} : memref<80xi32, #tpu.memory_space<vmem>>, vector<16xi32>,
      %get3A_176 = vector.shape_cast %get3A_175 : vector<16xi32> to vector<16xi32>
      %add3A_177 = vector.broadcast %mul3A_4 : i32 to vector<16xi32>
      %add3A_178 = arith.addi %get3A_176, %add3A_177 : vector<16xi32>
      %swap3A_179 = arith.constant 64 : index
      %swap3A_180 = tpu.vector_load %arg8[%swap3A_179] {strides = array<i32>} : memref<80xi32, #tpu.memory_space<vmem>>, vector<16xi32>,
      %swap3A_181 = vector.shape_cast %swap3A_180 : vector<16xi32> to vector<16xi32>
      %swap3A_182 = vector.shape_cast %add3A_178 : vector<16xi32> to vector<16xi32>
      tpu.vector_store %arg8[%swap3A_179], %swap3A_182 {strides = array<i32>} : memref<80xi32, #tpu.memory_space<vmem>>, vector<16xi32>,
      %dma_start3A_183 = arith.constant 0 : i32
      %dma_start3A_184 = arith.constant 0 : i32
      %dma_start3A_185 = tpu.memref_slice %arg2[%dma_start3A_183, %dma_start3A_184] : memref<20000x128xf32, #tpu.memory_space<hbm>> -> memref<20000x128xf32, #tpu.memory_space<hbm>>
      tpu.enqueue_indirect_dma source(%dma_start3A_185 : memref<20000x128xf32, #tpu.memory_space<hbm>>) target(%arg9 : memref<80x128xf32, #tpu.memory_space<vmem>>) offsets(%arg8 : memref<80xi32, #tpu.memory_space<vmem>>) semaphore(%arg14 : memref<!tpu.dma_semaphore, #tpu.memory_space<semaphore_mem>>)
      %dma_wait3A_186 = arith.constant 0 : i32
      %dma_wait3A_187 = arith.constant 0 : i32
      %dma_wait3A_188 = tpu.memref_slice %arg2[%dma_wait3A_186, %dma_wait3A_187] : memref<20000x128xf32, #tpu.memory_space<hbm>> -> memref<20000x128xf32, #tpu.memory_space<hbm>>
      tpu.wait_indirect_dma semaphore(%arg15 : memref<!tpu.dma_semaphore, #tpu.memory_space<semaphore_mem>>) src(%dma_wait3A_188 : memref<20000x128xf32, #tpu.memory_space<hbm>>) dst(%arg12 : memref<80x128xf32, #tpu.memory_space<vmem>>)
      "tpu.region"() ({
        %run_scoped3A = tpu.sem_alloc : memref<!tpu.dma_semaphore, #tpu.memory_space<semaphore_mem>>
        %dma_start3A_189 = arith.constant 0 : i32
        %dma_start3A_190 = arith.constant 0 : i32
        %dma_start3A_191 = tpu.memref_slice %arg13[%dma_start3A_189, %dma_start3A_190] : memref<10240x128xf32, #tpu.memory_space<vmem_shared>> -> memref<10240x128xf32, #tpu.memory_space<vmem_shared>>
        tpu.enqueue_indirect_dma source(%arg12 : memref<80x128xf32, #tpu.memory_space<vmem>>) target(%dma_start3A_191 : memref<10240x128xf32, #tpu.memory_space<vmem_shared>>) offsets(%arg10 : memref<80xi32, #tpu.memory_space<vmem>>) semaphore(%run_scoped3A : memref<!tpu.dma_semaphore, #tpu.memory_space<semaphore_mem>>) {add = true}
        %dma_wait3A_192 = arith.constant 0 : i32
        %dma_wait3A_193 = arith.constant 0 : i32
        %dma_wait3A_194 = tpu.memref_slice %arg13[%dma_wait3A_192, %dma_wait3A_193] : memref<10240x128xf32, #tpu.memory_space<vmem_shared>> -> memref<10240x128xf32, #tpu.memory_space<vmem_shared>>
        tpu.wait_indirect_dma semaphore(%run_scoped3A : memref<!tpu.dma_semaphore, #tpu.memory_space<semaphore_mem>>) src(%arg12 : memref<80x128xf32, #tpu.memory_space<vmem>>) dst(%dma_wait3A_194 : memref<10240x128xf32, #tpu.memory_space<vmem_shared>>)
        tpu.yield
      }) : () -> ()
    }
    %scan3A_57 = arith.constant 62 : i32
    %dma_wait3A = arith.constant 0 : i32
    %dma_wait3A_58 = arith.constant 0 : i32
    %dma_wait3A_59 = tpu.memref_slice %arg2[%dma_wait3A, %dma_wait3A_58] : memref<20000x128xf32, #tpu.memory_space<hbm>> -> memref<20000x128xf32, #tpu.memory_space<hbm>>
    tpu.wait_indirect_dma semaphore(%arg14 : memref<!tpu.dma_semaphore, #tpu.memory_space<semaphore_mem>>) src(%dma_wait3A_59 : memref<20000x128xf32, #tpu.memory_space<hbm>>) dst(%arg9 : memref<80x128xf32, #tpu.memory_space<vmem>>)
    "tpu.region"() ({
      %run_scoped3A = tpu.sem_alloc : memref<!tpu.dma_semaphore, #tpu.memory_space<semaphore_mem>>
      %dma_start3A_66 = arith.constant 0 : i32
      %dma_start3A_67 = arith.constant 0 : i32
      %dma_start3A_68 = tpu.memref_slice %arg13[%dma_start3A_66, %dma_start3A_67] : memref<10240x128xf32, #tpu.memory_space<vmem_shared>> -> memref<10240x128xf32, #tpu.memory_space<vmem_shared>>
      tpu.enqueue_indirect_dma source(%arg9 : memref<80x128xf32, #tpu.memory_space<vmem>>) target(%dma_start3A_68 : memref<10240x128xf32, #tpu.memory_space<vmem_shared>>) offsets(%arg7 : memref<80xi32, #tpu.memory_space<vmem>>) semaphore(%run_scoped3A : memref<!tpu.dma_semaphore, #tpu.memory_space<semaphore_mem>>) {add = true}
      %dma_wait3A_69 = arith.constant 0 : i32
      %dma_wait3A_70 = arith.constant 0 : i32
      %dma_wait3A_71 = tpu.memref_slice %arg13[%dma_wait3A_69, %dma_wait3A_70] : memref<10240x128xf32, #tpu.memory_space<vmem_shared>> -> memref<10240x128xf32, #tpu.memory_space<vmem_shared>>
      tpu.wait_indirect_dma semaphore(%run_scoped3A : memref<!tpu.dma_semaphore, #tpu.memory_space<semaphore_mem>>) src(%arg9 : memref<80x128xf32, #tpu.memory_space<vmem>>) dst(%dma_wait3A_71 : memref<10240x128xf32, #tpu.memory_space<vmem_shared>>)
      tpu.yield
    }) : () -> ()
    %barrier3A_60 = arith.constant 0 : index
    tpu.barrier barrier_id(%barrier3A_60)
    %scan3A_61 = arith.constant 0 : i32
    %scan3A_62 = arith.constant 8 : i32
    %scan3A_63 = arith.addi %scan3A_61, %scan3A_62 : i32
    %scan3A_64 = arith.constant 1 : i32
    scf.for %scan3A_66 = %scan3A_61 to %scan3A_63 step %scan3A_64  : i32 {
      %mul3A_67 = arith.constant 1 : i32
      %mul3A_68 = arith.muli %scan3A_66, %mul3A_67 : i32
      %add3A_69 = arith.constant 0 : i32
      %add3A_70 = arith.addi %add3A_69, %mul3A_68 : i32
      %mul3A_71 = arith.constant 640 : i32
      %mul3A_72 = arith.muli %arg1, %mul3A_71 : i32
      %mul3A_73 = arith.constant 80 : i32
      %mul3A_74 = arith.muli %add3A_70, %mul3A_73 : i32
      %add3A_75 = arith.addi %mul3A_72, %mul3A_74 : i32
      "tpu.region"() ({
        %run_scoped3A = tpu.sem_alloc : memref<!tpu.dma_semaphore, #tpu.memory_space<semaphore_mem>>
        %dma_start3A_79 = arith.constant 0 : i32
        %dma_start3A_80 = tpu.memref_slice %arg13[%add3A_75, %dma_start3A_79] : memref<10240x128xf32, #tpu.memory_space<vmem_shared>> -> memref<80x128xf32, #tpu.memory_space<vmem_shared>>
        %dma_start3A_81 = arith.constant 0 : i32
        %dma_start3A_82 = tpu.memref_slice %arg13[%add3A_75, %dma_start3A_81] : memref<10240x128xf32, #tpu.memory_space<vmem_shared>> -> memref<80x128xf32, #tpu.memory_space<vmem_shared>>
        tpu.enqueue_dma source(%dma_start3A_82 : memref<80x128xf32, #tpu.memory_space<vmem_shared>>) target(%arg9 : memref<80x128xf32, #tpu.memory_space<vmem>>) target_semaphore(%run_scoped3A : memref<!tpu.dma_semaphore, #tpu.memory_space<semaphore_mem>>)
        %dma_wait3A_83 = arith.constant 0 : i32
        %dma_wait3A_84 = tpu.memref_slice %arg13[%add3A_75, %dma_wait3A_83] : memref<10240x128xf32, #tpu.memory_space<vmem_shared>> -> memref<80x128xf32, #tpu.memory_space<vmem_shared>>
        %dma_wait3A_85 = arith.constant 0 : i32
        %dma_wait3A_86 = tpu.memref_slice %arg13[%add3A_75, %dma_wait3A_85] : memref<10240x128xf32, #tpu.memory_space<vmem_shared>> -> memref<80x128xf32, #tpu.memory_space<vmem_shared>>
        tpu.wait_dma2 semaphore(%run_scoped3A : memref<!tpu.dma_semaphore, #tpu.memory_space<semaphore_mem>>) src(%dma_wait3A_86 : memref<80x128xf32, #tpu.memory_space<vmem_shared>>) dst(%arg9 : memref<80x128xf32, #tpu.memory_space<vmem>>)
        tpu.yield
      }) : () -> ()
      %mul3A_76 = arith.constant 10240 : i32
      %mul3A_77 = arith.muli %arg0, %mul3A_76 : i32
      %add3A_78 = arith.addi %mul3A_77, %add3A_75 : i32
      "tpu.region"() ({
        %run_scoped3A = tpu.sem_alloc : memref<!tpu.dma_semaphore, #tpu.memory_space<semaphore_mem>>
        %dma_start3A_79 = arith.constant 0 : i32
        %dma_start3A_80 = tpu.memref_slice %arg6[%add3A_78, %dma_start3A_79] : memref<20480x128xf32, #tpu.memory_space<hbm>> -> memref<80x128xf32, #tpu.memory_space<hbm>>
        %dma_start3A_81 = arith.constant 0 : i32
        %dma_start3A_82 = tpu.memref_slice %arg6[%add3A_78, %dma_start3A_81] : memref<20480x128xf32, #tpu.memory_space<hbm>> -> memref<80x128xf32, #tpu.memory_space<hbm>>
        tpu.enqueue_dma source(%arg9 : memref<80x128xf32, #tpu.memory_space<vmem>>) target(%dma_start3A_82 : memref<80x128xf32, #tpu.memory_space<hbm>>) target_semaphore(%run_scoped3A : memref<!tpu.dma_semaphore, #tpu.memory_space<semaphore_mem>>)
        %dma_wait3A_83 = arith.constant 0 : i32
        %dma_wait3A_84 = tpu.memref_slice %arg6[%add3A_78, %dma_wait3A_83] : memref<20480x128xf32, #tpu.memory_space<hbm>> -> memref<80x128xf32, #tpu.memory_space<hbm>>
        %dma_wait3A_85 = arith.constant 0 : i32
        %dma_wait3A_86 = tpu.memref_slice %arg6[%add3A_78, %dma_wait3A_85] : memref<20480x128xf32, #tpu.memory_space<hbm>> -> memref<80x128xf32, #tpu.memory_space<hbm>>
        tpu.wait_dma2 semaphore(%run_scoped3A : memref<!tpu.dma_semaphore, #tpu.memory_space<semaphore_mem>>) src(%arg9 : memref<80x128xf32, #tpu.memory_space<vmem>>) dst(%dma_wait3A_86 : memref<80x128xf32, #tpu.memory_space<hbm>>)
        tpu.yield
      }) : () -> ()
    }
    %scan3A_65 = arith.constant 8 : i32
    return
  }
}

#map = affine_map<(d0, d1) -> (0)>
#map1 = affine_map<(d0, d1) -> (0, 0)>
module attributes {stable_mosaic.version = 14 : i64} {
  func.func @_cnt_body(%arg0: i32, %arg1: i32, %arg2: memref<160000xi32, #tpu.memory_space<hbm>>, %arg3: memref<80x128xf32, #tpu.memory_space<hbm>>, %arg4: memref<40x128xf32, #tpu.memory_space<hbm>>, %arg5: memref<20480x128xf32, #tpu.memory_space<hbm>>, %arg6: memref<40xi32, #tpu.memory_space<vmem>>, %arg7: memref<40xi32, #tpu.memory_space<vmem>>, %arg8: memref<80x128xf32, #tpu.memory_space<vmem>>, %arg9: memref<40x128xf32, #tpu.memory_space<vmem>>, %arg10: memref<10240x128xf32, #tpu.memory_space<vmem_shared>>, %arg11: memref<!tpu.dma_semaphore, #tpu.memory_space<semaphore_mem>>, %arg12: memref<!tpu.dma_semaphore, #tpu.memory_space<semaphore_mem>>) attributes {dimension_semantics = [#tpu.dimension_semantics<core_parallel>, #tpu.dimension_semantics<subcore_parallel>], iteration_bounds = array<i64: 2, 16>, scalar_prefetch = 0 : i64, scratch_operands = 7 : i64, tpu.core_type = #tpu.core_type<sc_vector_subcore>, window_params = [{transform_indices = #map}, {transform_indices = #map1}, {transform_indices = #map1}, {transform_indices = #map1}]} {
    "tpu.region"() ({
      %run_scoped3A = tpu.sem_alloc : memref<!tpu.dma_semaphore, #tpu.memory_space<semaphore_mem>>
      tpu.enqueue_dma source(%arg3 : memref<80x128xf32, #tpu.memory_space<hbm>>) target(%arg8 : memref<80x128xf32, #tpu.memory_space<vmem>>) target_semaphore(%run_scoped3A : memref<!tpu.dma_semaphore, #tpu.memory_space<semaphore_mem>>)
      tpu.wait_dma2 semaphore(%run_scoped3A : memref<!tpu.dma_semaphore, #tpu.memory_space<semaphore_mem>>) src(%arg3 : memref<80x128xf32, #tpu.memory_space<hbm>>) dst(%arg8 : memref<80x128xf32, #tpu.memory_space<vmem>>)
      tpu.yield
    }) : () -> ()
    "tpu.region"() ({
      %run_scoped3A = tpu.sem_alloc : memref<!tpu.dma_semaphore, #tpu.memory_space<semaphore_mem>>
      tpu.enqueue_dma source(%arg4 : memref<40x128xf32, #tpu.memory_space<hbm>>) target(%arg9 : memref<40x128xf32, #tpu.memory_space<vmem>>) target_semaphore(%run_scoped3A : memref<!tpu.dma_semaphore, #tpu.memory_space<semaphore_mem>>)
      tpu.wait_dma2 semaphore(%run_scoped3A : memref<!tpu.dma_semaphore, #tpu.memory_space<semaphore_mem>>) src(%arg4 : memref<40x128xf32, #tpu.memory_space<hbm>>) dst(%arg9 : memref<40x128xf32, #tpu.memory_space<vmem>>)
      tpu.yield
    }) : () -> ()
    %scan3A = arith.constant 0 : i32
    %scan3A_0 = arith.constant 8 : i32
    %scan3A_1 = arith.addi %scan3A, %scan3A_0 : i32
    %scan3A_2 = arith.constant 1 : i32
    scf.for %scan3A_24 = %scan3A to %scan3A_1 step %scan3A_2  : i32 {
      %mul3A_25 = arith.constant 1 : i32
      %mul3A_26 = arith.muli %scan3A_24, %mul3A_25 : i32
      %add3A_27 = arith.constant 0 : i32
      %add3A_28 = arith.addi %add3A_27, %mul3A_26 : i32
      %mul3A_29 = arith.constant 640 : i32
      %mul3A_30 = arith.muli %arg1, %mul3A_29 : i32
      %mul3A_31 = arith.constant 80 : i32
      %mul3A_32 = arith.muli %add3A_28, %mul3A_31 : i32
      %add3A_33 = arith.addi %mul3A_30, %mul3A_32 : i32
      "tpu.region"() ({
        %run_scoped3A = tpu.sem_alloc : memref<!tpu.dma_semaphore, #tpu.memory_space<semaphore_mem>>
        %dma_start3A_34 = arith.constant 0 : i32
        %dma_start3A_35 = tpu.memref_slice %arg10[%add3A_33, %dma_start3A_34] : memref<10240x128xf32, #tpu.memory_space<vmem_shared>> -> memref<80x128xf32, #tpu.memory_space<vmem_shared>>
        %dma_start3A_36 = arith.constant 0 : i32
        %dma_start3A_37 = tpu.memref_slice %arg10[%add3A_33, %dma_start3A_36] : memref<10240x128xf32, #tpu.memory_space<vmem_shared>> -> memref<80x128xf32, #tpu.memory_space<vmem_shared>>
        tpu.enqueue_dma source(%arg8 : memref<80x128xf32, #tpu.memory_space<vmem>>) target(%dma_start3A_37 : memref<80x128xf32, #tpu.memory_space<vmem_shared>>) target_semaphore(%run_scoped3A : memref<!tpu.dma_semaphore, #tpu.memory_space<semaphore_mem>>)
        %dma_wait3A_38 = arith.constant 0 : i32
        %dma_wait3A_39 = tpu.memref_slice %arg10[%add3A_33, %dma_wait3A_38] : memref<10240x128xf32, #tpu.memory_space<vmem_shared>> -> memref<80x128xf32, #tpu.memory_space<vmem_shared>>
        %dma_wait3A_40 = arith.constant 0 : i32
        %dma_wait3A_41 = tpu.memref_slice %arg10[%add3A_33, %dma_wait3A_40] : memref<10240x128xf32, #tpu.memory_space<vmem_shared>> -> memref<80x128xf32, #tpu.memory_space<vmem_shared>>
        tpu.wait_dma2 semaphore(%run_scoped3A : memref<!tpu.dma_semaphore, #tpu.memory_space<semaphore_mem>>) src(%arg8 : memref<80x128xf32, #tpu.memory_space<vmem>>) dst(%dma_wait3A_41 : memref<80x128xf32, #tpu.memory_space<vmem_shared>>)
        tpu.yield
      }) : () -> ()
    }
    %scan3A_3 = arith.constant 8 : i32
    %barrier3A = arith.constant 0 : index
    tpu.barrier barrier_id(%barrier3A)
    %mul3A = arith.constant 16 : i32
    %mul3A_4 = arith.muli %arg0, %mul3A : i32
    %add3A = arith.addi %mul3A_4, %arg1 : i32
    %mul3A_5 = arith.constant 5000 : i32
    %mul3A_6 = arith.muli %add3A, %mul3A_5 : i32
    %add3A_7 = arith.constant 0 : i32
    %add3A_8 = arith.addi %mul3A_6, %add3A_7 : i32
    %dma_start3A = tpu.memref_slice %arg2[%add3A_8] : memref<160000xi32, #tpu.memory_space<hbm>> -> memref<40xi32, #tpu.memory_space<hbm>>
    %dma_start3A_9 = tpu.memref_slice %arg2[%add3A_8] : memref<160000xi32, #tpu.memory_space<hbm>> -> memref<40xi32, #tpu.memory_space<hbm>>
    tpu.enqueue_dma source(%dma_start3A_9 : memref<40xi32, #tpu.memory_space<hbm>>) target(%arg6 : memref<40xi32, #tpu.memory_space<vmem>>) target_semaphore(%arg11 : memref<!tpu.dma_semaphore, #tpu.memory_space<semaphore_mem>>)
    %scan3A_10 = arith.constant 0 : i32
    %scan3A_11 = arith.constant 62 : i32
    %scan3A_12 = arith.addi %scan3A_10, %scan3A_11 : i32
    %scan3A_13 = arith.constant 1 : i32
    scf.for %scan3A_24 = %scan3A_10 to %scan3A_12 step %scan3A_13  : i32 {
      %mul3A_25 = arith.constant 1 : i32
      %mul3A_26 = arith.muli %scan3A_24, %mul3A_25 : i32
      %add3A_27 = arith.constant 0 : i32
      %add3A_28 = arith.addi %add3A_27, %mul3A_26 : i32
      %mul3A_29 = arith.constant 2 : i32
      %mul3A_30 = arith.muli %mul3A_29, %add3A_28 : i32
      %add3A_31 = arith.constant 1 : i32
      %add3A_32 = arith.addi %mul3A_30, %add3A_31 : i32
      %mul3A_33 = arith.constant 40 : i32
      %mul3A_34 = arith.muli %add3A_32, %mul3A_33 : i32
      %add3A_35 = arith.addi %mul3A_6, %mul3A_34 : i32
      %dma_start3A_36 = tpu.memref_slice %arg2[%add3A_35] : memref<160000xi32, #tpu.memory_space<hbm>> -> memref<40xi32, #tpu.memory_space<hbm>>
      %dma_start3A_37 = tpu.memref_slice %arg2[%add3A_35] : memref<160000xi32, #tpu.memory_space<hbm>> -> memref<40xi32, #tpu.memory_space<hbm>>
      tpu.enqueue_dma source(%dma_start3A_37 : memref<40xi32, #tpu.memory_space<hbm>>) target(%arg7 : memref<40xi32, #tpu.memory_space<vmem>>) target_semaphore(%arg12 : memref<!tpu.dma_semaphore, #tpu.memory_space<semaphore_mem>>)
      %mul3A_38 = arith.constant 40 : i32
      %mul3A_39 = arith.muli %mul3A_30, %mul3A_38 : i32
      %add3A_40 = arith.addi %mul3A_6, %mul3A_39 : i32
      %dma_wait3A_41 = tpu.memref_slice %arg2[%add3A_40] : memref<160000xi32, #tpu.memory_space<hbm>> -> memref<40xi32, #tpu.memory_space<hbm>>
      %dma_wait3A_42 = tpu.memref_slice %arg2[%add3A_40] : memref<160000xi32, #tpu.memory_space<hbm>> -> memref<40xi32, #tpu.memory_space<hbm>>
      tpu.wait_dma2 semaphore(%arg11 : memref<!tpu.dma_semaphore, #tpu.memory_space<semaphore_mem>>) src(%dma_wait3A_42 : memref<40xi32, #tpu.memory_space<hbm>>) dst(%arg6 : memref<40xi32, #tpu.memory_space<vmem>>)
      "tpu.region"() ({
        %run_scoped3A = tpu.sem_alloc : memref<!tpu.dma_semaphore, #tpu.memory_space<semaphore_mem>>
        %dma_start3A_57 = arith.constant 0 : i32
        %dma_start3A_58 = arith.constant 0 : i32
        %dma_start3A_59 = tpu.memref_slice %arg10[%dma_start3A_57, %dma_start3A_58] : memref<10240x128xf32, #tpu.memory_space<vmem_shared>> -> memref<10240x128xf32, #tpu.memory_space<vmem_shared>>
        tpu.enqueue_indirect_dma source(%arg9 : memref<40x128xf32, #tpu.memory_space<vmem>>) target(%dma_start3A_59 : memref<10240x128xf32, #tpu.memory_space<vmem_shared>>) offsets(%arg6 : memref<40xi32, #tpu.memory_space<vmem>>) semaphore(%run_scoped3A : memref<!tpu.dma_semaphore, #tpu.memory_space<semaphore_mem>>) {add = true}
        %dma_wait3A_60 = arith.constant 0 : i32
        %dma_wait3A_61 = arith.constant 0 : i32
        %dma_wait3A_62 = tpu.memref_slice %arg10[%dma_wait3A_60, %dma_wait3A_61] : memref<10240x128xf32, #tpu.memory_space<vmem_shared>> -> memref<10240x128xf32, #tpu.memory_space<vmem_shared>>
        tpu.wait_indirect_dma semaphore(%run_scoped3A : memref<!tpu.dma_semaphore, #tpu.memory_space<semaphore_mem>>) src(%arg9 : memref<40x128xf32, #tpu.memory_space<vmem>>) dst(%dma_wait3A_62 : memref<10240x128xf32, #tpu.memory_space<vmem_shared>>)
        tpu.yield
      }) : () -> ()
      %add3A_43 = arith.constant 2 : i32
      %add3A_44 = arith.addi %mul3A_30, %add3A_43 : i32
      %mul3A_45 = arith.constant 40 : i32
      %mul3A_46 = arith.muli %add3A_44, %mul3A_45 : i32
      %add3A_47 = arith.addi %mul3A_6, %mul3A_46 : i32
      %dma_start3A_48 = tpu.memref_slice %arg2[%add3A_47] : memref<160000xi32, #tpu.memory_space<hbm>> -> memref<40xi32, #tpu.memory_space<hbm>>
      %dma_start3A_49 = tpu.memref_slice %arg2[%add3A_47] : memref<160000xi32, #tpu.memory_space<hbm>> -> memref<40xi32, #tpu.memory_space<hbm>>
      tpu.enqueue_dma source(%dma_start3A_49 : memref<40xi32, #tpu.memory_space<hbm>>) target(%arg6 : memref<40xi32, #tpu.memory_space<vmem>>) target_semaphore(%arg11 : memref<!tpu.dma_semaphore, #tpu.memory_space<semaphore_mem>>)
      %add3A_50 = arith.constant 1 : i32
      %add3A_51 = arith.addi %mul3A_30, %add3A_50 : i32
      %mul3A_52 = arith.constant 40 : i32
      %mul3A_53 = arith.muli %add3A_51, %mul3A_52 : i32
      %add3A_54 = arith.addi %mul3A_6, %mul3A_53 : i32
      %dma_wait3A_55 = tpu.memref_slice %arg2[%add3A_54] : memref<160000xi32, #tpu.memory_space<hbm>> -> memref<40xi32, #tpu.memory_space<hbm>>
      %dma_wait3A_56 = tpu.memref_slice %arg2[%add3A_54] : memref<160000xi32, #tpu.memory_space<hbm>> -> memref<40xi32, #tpu.memory_space<hbm>>
      tpu.wait_dma2 semaphore(%arg12 : memref<!tpu.dma_semaphore, #tpu.memory_space<semaphore_mem>>) src(%dma_wait3A_56 : memref<40xi32, #tpu.memory_space<hbm>>) dst(%arg7 : memref<40xi32, #tpu.memory_space<vmem>>)
      "tpu.region"() ({
        %run_scoped3A = tpu.sem_alloc : memref<!tpu.dma_semaphore, #tpu.memory_space<semaphore_mem>>
        %dma_start3A_57 = arith.constant 0 : i32
        %dma_start3A_58 = arith.constant 0 : i32
        %dma_start3A_59 = tpu.memref_slice %arg10[%dma_start3A_57, %dma_start3A_58] : memref<10240x128xf32, #tpu.memory_space<vmem_shared>> -> memref<10240x128xf32, #tpu.memory_space<vmem_shared>>
        tpu.enqueue_indirect_dma source(%arg9 : memref<40x128xf32, #tpu.memory_space<vmem>>) target(%dma_start3A_59 : memref<10240x128xf32, #tpu.memory_space<vmem_shared>>) offsets(%arg7 : memref<40xi32, #tpu.memory_space<vmem>>) semaphore(%run_scoped3A : memref<!tpu.dma_semaphore, #tpu.memory_space<semaphore_mem>>) {add = true}
        %dma_wait3A_60 = arith.constant 0 : i32
        %dma_wait3A_61 = arith.constant 0 : i32
        %dma_wait3A_62 = tpu.memref_slice %arg10[%dma_wait3A_60, %dma_wait3A_61] : memref<10240x128xf32, #tpu.memory_space<vmem_shared>> -> memref<10240x128xf32, #tpu.memory_space<vmem_shared>>
        tpu.wait_indirect_dma semaphore(%run_scoped3A : memref<!tpu.dma_semaphore, #tpu.memory_space<semaphore_mem>>) src(%arg9 : memref<40x128xf32, #tpu.memory_space<vmem>>) dst(%dma_wait3A_62 : memref<10240x128xf32, #tpu.memory_space<vmem_shared>>)
        tpu.yield
      }) : () -> ()
    }
    %scan3A_14 = arith.constant 62 : i32
    %add3A_15 = arith.constant 4960 : i32
    %add3A_16 = arith.addi %mul3A_6, %add3A_15 : i32
    %dma_wait3A = tpu.memref_slice %arg2[%add3A_16] : memref<160000xi32, #tpu.memory_space<hbm>> -> memref<40xi32, #tpu.memory_space<hbm>>
    %dma_wait3A_17 = tpu.memref_slice %arg2[%add3A_16] : memref<160000xi32, #tpu.memory_space<hbm>> -> memref<40xi32, #tpu.memory_space<hbm>>
    tpu.wait_dma2 semaphore(%arg11 : memref<!tpu.dma_semaphore, #tpu.memory_space<semaphore_mem>>) src(%dma_wait3A_17 : memref<40xi32, #tpu.memory_space<hbm>>) dst(%arg6 : memref<40xi32, #tpu.memory_space<vmem>>)
    "tpu.region"() ({
      %run_scoped3A = tpu.sem_alloc : memref<!tpu.dma_semaphore, #tpu.memory_space<semaphore_mem>>
      %dma_start3A_24 = arith.constant 0 : i32
      %dma_start3A_25 = arith.constant 0 : i32
      %dma_start3A_26 = tpu.memref_slice %arg10[%dma_start3A_24, %dma_start3A_25] : memref<10240x128xf32, #tpu.memory_space<vmem_shared>> -> memref<10240x128xf32, #tpu.memory_space<vmem_shared>>
      tpu.enqueue_indirect_dma source(%arg9 : memref<40x128xf32, #tpu.memory_space<vmem>>) target(%dma_start3A_26 : memref<10240x128xf32, #tpu.memory_space<vmem_shared>>) offsets(%arg6 : memref<40xi32, #tpu.memory_space<vmem>>) semaphore(%run_scoped3A : memref<!tpu.dma_semaphore, #tpu.memory_space<semaphore_mem>>) {add = true}
      %dma_wait3A_27 = arith.constant 0 : i32
      %dma_wait3A_28 = arith.constant 0 : i32
      %dma_wait3A_29 = tpu.memref_slice %arg10[%dma_wait3A_27, %dma_wait3A_28] : memref<10240x128xf32, #tpu.memory_space<vmem_shared>> -> memref<10240x128xf32, #tpu.memory_space<vmem_shared>>
      tpu.wait_indirect_dma semaphore(%run_scoped3A : memref<!tpu.dma_semaphore, #tpu.memory_space<semaphore_mem>>) src(%arg9 : memref<40x128xf32, #tpu.memory_space<vmem>>) dst(%dma_wait3A_29 : memref<10240x128xf32, #tpu.memory_space<vmem_shared>>)
      tpu.yield
    }) : () -> ()
    %barrier3A_18 = arith.constant 0 : index
    tpu.barrier barrier_id(%barrier3A_18)
    %scan3A_19 = arith.constant 0 : i32
    %scan3A_20 = arith.constant 8 : i32
    %scan3A_21 = arith.addi %scan3A_19, %scan3A_20 : i32
    %scan3A_22 = arith.constant 1 : i32
    scf.for %scan3A_24 = %scan3A_19 to %scan3A_21 step %scan3A_22  : i32 {
      %mul3A_25 = arith.constant 1 : i32
      %mul3A_26 = arith.muli %scan3A_24, %mul3A_25 : i32
      %add3A_27 = arith.constant 0 : i32
      %add3A_28 = arith.addi %add3A_27, %mul3A_26 : i32
      %mul3A_29 = arith.constant 640 : i32
      %mul3A_30 = arith.muli %arg1, %mul3A_29 : i32
      %mul3A_31 = arith.constant 80 : i32
      %mul3A_32 = arith.muli %add3A_28, %mul3A_31 : i32
      %add3A_33 = arith.addi %mul3A_30, %mul3A_32 : i32
      "tpu.region"() ({
        %run_scoped3A = tpu.sem_alloc : memref<!tpu.dma_semaphore, #tpu.memory_space<semaphore_mem>>
        %dma_start3A_37 = arith.constant 0 : i32
        %dma_start3A_38 = tpu.memref_slice %arg10[%add3A_33, %dma_start3A_37] : memref<10240x128xf32, #tpu.memory_space<vmem_shared>> -> memref<80x128xf32, #tpu.memory_space<vmem_shared>>
        %dma_start3A_39 = arith.constant 0 : i32
        %dma_start3A_40 = tpu.memref_slice %arg10[%add3A_33, %dma_start3A_39] : memref<10240x128xf32, #tpu.memory_space<vmem_shared>> -> memref<80x128xf32, #tpu.memory_space<vmem_shared>>
        tpu.enqueue_dma source(%dma_start3A_40 : memref<80x128xf32, #tpu.memory_space<vmem_shared>>) target(%arg8 : memref<80x128xf32, #tpu.memory_space<vmem>>) target_semaphore(%run_scoped3A : memref<!tpu.dma_semaphore, #tpu.memory_space<semaphore_mem>>)
        %dma_wait3A_41 = arith.constant 0 : i32
        %dma_wait3A_42 = tpu.memref_slice %arg10[%add3A_33, %dma_wait3A_41] : memref<10240x128xf32, #tpu.memory_space<vmem_shared>> -> memref<80x128xf32, #tpu.memory_space<vmem_shared>>
        %dma_wait3A_43 = arith.constant 0 : i32
        %dma_wait3A_44 = tpu.memref_slice %arg10[%add3A_33, %dma_wait3A_43] : memref<10240x128xf32, #tpu.memory_space<vmem_shared>> -> memref<80x128xf32, #tpu.memory_space<vmem_shared>>
        tpu.wait_dma2 semaphore(%run_scoped3A : memref<!tpu.dma_semaphore, #tpu.memory_space<semaphore_mem>>) src(%dma_wait3A_44 : memref<80x128xf32, #tpu.memory_space<vmem_shared>>) dst(%arg8 : memref<80x128xf32, #tpu.memory_space<vmem>>)
        tpu.yield
      }) : () -> ()
      %mul3A_34 = arith.constant 10240 : i32
      %mul3A_35 = arith.muli %arg0, %mul3A_34 : i32
      %add3A_36 = arith.addi %mul3A_35, %add3A_33 : i32
      "tpu.region"() ({
        %run_scoped3A = tpu.sem_alloc : memref<!tpu.dma_semaphore, #tpu.memory_space<semaphore_mem>>
        %dma_start3A_37 = arith.constant 0 : i32
        %dma_start3A_38 = tpu.memref_slice %arg5[%add3A_36, %dma_start3A_37] : memref<20480x128xf32, #tpu.memory_space<hbm>> -> memref<80x128xf32, #tpu.memory_space<hbm>>
        %dma_start3A_39 = arith.constant 0 : i32
        %dma_start3A_40 = tpu.memref_slice %arg5[%add3A_36, %dma_start3A_39] : memref<20480x128xf32, #tpu.memory_space<hbm>> -> memref<80x128xf32, #tpu.memory_space<hbm>>
        tpu.enqueue_dma source(%arg8 : memref<80x128xf32, #tpu.memory_space<vmem>>) target(%dma_start3A_40 : memref<80x128xf32, #tpu.memory_space<hbm>>) target_semaphore(%run_scoped3A : memref<!tpu.dma_semaphore, #tpu.memory_space<semaphore_mem>>)
        %dma_wait3A_41 = arith.constant 0 : i32
        %dma_wait3A_42 = tpu.memref_slice %arg5[%add3A_36, %dma_wait3A_41] : memref<20480x128xf32, #tpu.memory_space<hbm>> -> memref<80x128xf32, #tpu.memory_space<hbm>>
        %dma_wait3A_43 = arith.constant 0 : i32
        %dma_wait3A_44 = tpu.memref_slice %arg5[%add3A_36, %dma_wait3A_43] : memref<20480x128xf32, #tpu.memory_space<hbm>> -> memref<80x128xf32, #tpu.memory_space<hbm>>
        tpu.wait_dma2 semaphore(%run_scoped3A : memref<!tpu.dma_semaphore, #tpu.memory_space<semaphore_mem>>) src(%arg8 : memref<80x128xf32, #tpu.memory_space<vmem>>) dst(%dma_wait3A_44 : memref<80x128xf32, #tpu.memory_space<hbm>>)
        tpu.yield
      }) : () -> ()
    }
    %scan3A_23 = arith.constant 8 : i32
    return
  }
}

#map = affine_map<(d0, d1) -> (0, 0)>
#map1 = affine_map<(d0, d1) -> (0)>
module attributes {stable_mosaic.version = 14 : i64} {
  func.func @_gather_body(%arg0: i32, %arg1: i32, %arg2: memref<10000x256xf32, #tpu.memory_space<hbm>>, %arg3: memref<2048xi32, #tpu.memory_space<hbm>>, %arg4: memref<2048x256xf32, #tpu.memory_space<hbm>>, %arg5: memref<64xi32, #tpu.memory_space<vmem>>, %arg6: memref<64x256xf32, #tpu.memory_space<vmem>>, %arg7: memref<!tpu.dma_semaphore, #tpu.memory_space<semaphore_mem>>) attributes {dimension_semantics = [#tpu.dimension_semantics<core_parallel>, #tpu.dimension_semantics<subcore_parallel>], iteration_bounds = array<i64: 2, 16>, scalar_prefetch = 0 : i64, scratch_operands = 3 : i64, tpu.core_type = #tpu.core_type<sc_vector_subcore>, window_params = [{transform_indices = #map}, {transform_indices = #map1}, {transform_indices = #map}]} {
    %mul3A = arith.constant 2 : i32
    %mul3A_0 = arith.muli %arg1, %mul3A : i32
    %add3A = arith.addi %mul3A_0, %arg0 : i32
    %mul3A_1 = arith.constant 64 : i32
    %mul3A_2 = arith.muli %add3A, %mul3A_1 : i32
    "tpu.region"() ({
      %run_scoped3A = tpu.sem_alloc : memref<!tpu.dma_semaphore, #tpu.memory_space<semaphore_mem>>
      %dma_start3A_7 = tpu.memref_slice %arg3[%mul3A_2] : memref<2048xi32, #tpu.memory_space<hbm>> -> memref<64xi32, #tpu.memory_space<hbm>>
      %dma_start3A_8 = tpu.memref_slice %arg3[%mul3A_2] : memref<2048xi32, #tpu.memory_space<hbm>> -> memref<64xi32, #tpu.memory_space<hbm>>
      tpu.enqueue_dma source(%dma_start3A_8 : memref<64xi32, #tpu.memory_space<hbm>>) target(%arg5 : memref<64xi32, #tpu.memory_space<vmem>>) target_semaphore(%run_scoped3A : memref<!tpu.dma_semaphore, #tpu.memory_space<semaphore_mem>>)
      %dma_wait3A_9 = tpu.memref_slice %arg3[%mul3A_2] : memref<2048xi32, #tpu.memory_space<hbm>> -> memref<64xi32, #tpu.memory_space<hbm>>
      %dma_wait3A_10 = tpu.memref_slice %arg3[%mul3A_2] : memref<2048xi32, #tpu.memory_space<hbm>> -> memref<64xi32, #tpu.memory_space<hbm>>
      tpu.wait_dma2 semaphore(%run_scoped3A : memref<!tpu.dma_semaphore, #tpu.memory_space<semaphore_mem>>) src(%dma_wait3A_10 : memref<64xi32, #tpu.memory_space<hbm>>) dst(%arg5 : memref<64xi32, #tpu.memory_space<vmem>>)
      tpu.yield
    }) : () -> ()
    %dma_start3A = arith.constant 0 : i32
    %dma_start3A_3 = arith.constant 0 : i32
    %dma_start3A_4 = tpu.memref_slice %arg2[%dma_start3A, %dma_start3A_3] : memref<10000x256xf32, #tpu.memory_space<hbm>> -> memref<10000x256xf32, #tpu.memory_space<hbm>>
    tpu.enqueue_indirect_dma source(%dma_start3A_4 : memref<10000x256xf32, #tpu.memory_space<hbm>>) target(%arg6 : memref<64x256xf32, #tpu.memory_space<vmem>>) offsets(%arg5 : memref<64xi32, #tpu.memory_space<vmem>>) semaphore(%arg7 : memref<!tpu.dma_semaphore, #tpu.memory_space<semaphore_mem>>)
    %dma_wait3A = arith.constant 0 : i32
    %dma_wait3A_5 = arith.constant 0 : i32
    %dma_wait3A_6 = tpu.memref_slice %arg2[%dma_wait3A, %dma_wait3A_5] : memref<10000x256xf32, #tpu.memory_space<hbm>> -> memref<10000x256xf32, #tpu.memory_space<hbm>>
    tpu.wait_indirect_dma semaphore(%arg7 : memref<!tpu.dma_semaphore, #tpu.memory_space<semaphore_mem>>) src(%dma_wait3A_6 : memref<10000x256xf32, #tpu.memory_space<hbm>>) dst(%arg6 : memref<64x256xf32, #tpu.memory_space<vmem>>)
    "tpu.region"() ({
      %run_scoped3A = tpu.sem_alloc : memref<!tpu.dma_semaphore, #tpu.memory_space<semaphore_mem>>
      %dma_start3A_7 = arith.constant 0 : i32
      %dma_start3A_8 = tpu.memref_slice %arg4[%mul3A_2, %dma_start3A_7] : memref<2048x256xf32, #tpu.memory_space<hbm>> -> memref<64x256xf32, #tpu.memory_space<hbm>>
      %dma_start3A_9 = arith.constant 0 : i32
      %dma_start3A_10 = tpu.memref_slice %arg4[%mul3A_2, %dma_start3A_9] : memref<2048x256xf32, #tpu.memory_space<hbm>> -> memref<64x256xf32, #tpu.memory_space<hbm>>
      tpu.enqueue_dma source(%arg6 : memref<64x256xf32, #tpu.memory_space<vmem>>) target(%dma_start3A_10 : memref<64x256xf32, #tpu.memory_space<hbm>>) target_semaphore(%run_scoped3A : memref<!tpu.dma_semaphore, #tpu.memory_space<semaphore_mem>>)
      %dma_wait3A_11 = arith.constant 0 : i32
      %dma_wait3A_12 = tpu.memref_slice %arg4[%mul3A_2, %dma_wait3A_11] : memref<2048x256xf32, #tpu.memory_space<hbm>> -> memref<64x256xf32, #tpu.memory_space<hbm>>
      %dma_wait3A_13 = arith.constant 0 : i32
      %dma_wait3A_14 = tpu.memref_slice %arg4[%mul3A_2, %dma_wait3A_13] : memref<2048x256xf32, #tpu.memory_space<hbm>> -> memref<64x256xf32, #tpu.memory_space<hbm>>
      tpu.wait_dma2 semaphore(%run_scoped3A : memref<!tpu.dma_semaphore, #tpu.memory_space<semaphore_mem>>) src(%arg6 : memref<64x256xf32, #tpu.memory_space<vmem>>) dst(%dma_wait3A_14 : memref<64x256xf32, #tpu.memory_space<hbm>>)
      tpu.yield
    }) : () -> ()
    return
  }
}

#map = affine_map<(d0, d1) -> (0, 0)>
#map1 = affine_map<(d0, d1) -> (0)>
module attributes {stable_mosaic.version = 14 : i64} {
  func.func @_seg_body(%arg0: i32, %arg1: i32, %arg2: memref<20000x128xf32, #tpu.memory_space<hbm>>, %arg3: memref<160000xi32, #tpu.memory_space<hbm>>, %arg4: memref<160000xi32, #tpu.memory_space<hbm>>, %arg5: memref<80x128xf32, #tpu.memory_space<hbm>>, %arg6: memref<20480x128xf32, #tpu.memory_space<hbm>>, %arg7: memref<80xi32, #tpu.memory_space<vmem>>, %arg8: memref<80xi32, #tpu.memory_space<vmem>>, %arg9: memref<80x128xf32, #tpu.memory_space<vmem>>, %arg10: memref<80xi32, #tpu.memory_space<vmem>>, %arg11: memref<80xi32, #tpu.memory_space<vmem>>, %arg12: memref<80x128xf32, #tpu.memory_space<vmem>>, %arg13: memref<10240x128xf32, #tpu.memory_space<vmem_shared>>, %arg14: memref<!tpu.dma_semaphore, #tpu.memory_space<semaphore_mem>>, %arg15: memref<!tpu.dma_semaphore, #tpu.memory_space<semaphore_mem>>) attributes {dimension_semantics = [#tpu.dimension_semantics<core_parallel>, #tpu.dimension_semantics<subcore_parallel>], iteration_bounds = array<i64: 2, 16>, scalar_prefetch = 0 : i64, scratch_operands = 9 : i64, tpu.core_type = #tpu.core_type<sc_vector_subcore>, window_params = [{transform_indices = #map}, {transform_indices = #map1}, {transform_indices = #map1}, {transform_indices = #map}, {transform_indices = #map}]} {
    "tpu.region"() ({
      %run_scoped3A = tpu.sem_alloc : memref<!tpu.dma_semaphore, #tpu.memory_space<semaphore_mem>>
      tpu.enqueue_dma source(%arg5 : memref<80x128xf32, #tpu.memory_space<hbm>>) target(%arg9 : memref<80x128xf32, #tpu.memory_space<vmem>>) target_semaphore(%run_scoped3A : memref<!tpu.dma_semaphore, #tpu.memory_space<semaphore_mem>>)
      tpu.wait_dma2 semaphore(%run_scoped3A : memref<!tpu.dma_semaphore, #tpu.memory_space<semaphore_mem>>) src(%arg5 : memref<80x128xf32, #tpu.memory_space<hbm>>) dst(%arg9 : memref<80x128xf32, #tpu.memory_space<vmem>>)
      tpu.yield
    }) : () -> ()
    %scan3A = arith.constant 0 : i32
    %scan3A_0 = arith.constant 8 : i32
    %scan3A_1 = arith.addi %scan3A, %scan3A_0 : i32
    %scan3A_2 = arith.constant 1 : i32
    scf.for %scan3A_66 = %scan3A to %scan3A_1 step %scan3A_2  : i32 {
      %mul3A_67 = arith.constant 1 : i32
      %mul3A_68 = arith.muli %scan3A_66, %mul3A_67 : i32
      %add3A_69 = arith.constant 0 : i32
      %add3A_70 = arith.addi %add3A_69, %mul3A_68 : i32
      %mul3A_71 = arith.constant 640 : i32
      %mul3A_72 = arith.muli %arg1, %mul3A_71 : i32
      %mul3A_73 = arith.constant 80 : i32
      %mul3A_74 = arith.muli %add3A_70, %mul3A_73 : i32
      %add3A_75 = arith.addi %mul3A_72, %mul3A_74 : i32
      "tpu.region"() ({
        %run_scoped3A = tpu.sem_alloc : memref<!tpu.dma_semaphore, #tpu.memory_space<semaphore_mem>>
        %dma_start3A_76 = arith.constant 0 : i32
        %dma_start3A_77 = tpu.memref_slice %arg13[%add3A_75, %dma_start3A_76] : memref<10240x128xf32, #tpu.memory_space<vmem_shared>> -> memref<80x128xf32, #tpu.memory_space<vmem_shared>>
        %dma_start3A_78 = arith.constant 0 : i32
        %dma_start3A_79 = tpu.memref_slice %arg13[%add3A_75, %dma_start3A_78] : memref<10240x128xf32, #tpu.memory_space<vmem_shared>> -> memref<80x128xf32, #tpu.memory_space<vmem_shared>>
        tpu.enqueue_dma source(%arg9 : memref<80x128xf32, #tpu.memory_space<vmem>>) target(%dma_start3A_79 : memref<80x128xf32, #tpu.memory_space<vmem_shared>>) target_semaphore(%run_scoped3A : memref<!tpu.dma_semaphore, #tpu.memory_space<semaphore_mem>>)
        %dma_wait3A_80 = arith.constant 0 : i32
        %dma_wait3A_81 = tpu.memref_slice %arg13[%add3A_75, %dma_wait3A_80] : memref<10240x128xf32, #tpu.memory_space<vmem_shared>> -> memref<80x128xf32, #tpu.memory_space<vmem_shared>>
        %dma_wait3A_82 = arith.constant 0 : i32
        %dma_wait3A_83 = tpu.memref_slice %arg13[%add3A_75, %dma_wait3A_82] : memref<10240x128xf32, #tpu.memory_space<vmem_shared>> -> memref<80x128xf32, #tpu.memory_space<vmem_shared>>
        tpu.wait_dma2 semaphore(%run_scoped3A : memref<!tpu.dma_semaphore, #tpu.memory_space<semaphore_mem>>) src(%arg9 : memref<80x128xf32, #tpu.memory_space<vmem>>) dst(%dma_wait3A_83 : memref<80x128xf32, #tpu.memory_space<vmem_shared>>)
        tpu.yield
      }) : () -> ()
    }
    %scan3A_3 = arith.constant 8 : i32
    %barrier3A = arith.constant 0 : index
    tpu.barrier barrier_id(%barrier3A)
    %mul3A = arith.constant 10000 : i32
    %mul3A_4 = arith.muli %arg0, %mul3A : i32
    %mul3A_5 = arith.constant 10000 : i32
    %mul3A_6 = arith.muli %arg1, %mul3A_5 : i32
    %add3A = arith.constant 0 : i32
    %add3A_7 = arith.addi %mul3A_6, %add3A : i32
    "tpu.region"() ({
      %run_scoped3A = tpu.sem_alloc : memref<!tpu.dma_semaphore, #tpu.memory_space<semaphore_mem>>
      %dma_start3A_66 = tpu.memref_slice %arg3[%add3A_7] : memref<160000xi32, #tpu.memory_space<hbm>> -> memref<80xi32, #tpu.memory_space<hbm>>
      %dma_start3A_67 = tpu.memref_slice %arg3[%add3A_7] : memref<160000xi32, #tpu.memory_space<hbm>> -> memref<80xi32, #tpu.memory_space<hbm>>
      tpu.enqueue_dma source(%dma_start3A_67 : memref<80xi32, #tpu.memory_space<hbm>>) target(%arg7 : memref<80xi32, #tpu.memory_space<vmem>>) target_semaphore(%run_scoped3A : memref<!tpu.dma_semaphore, #tpu.memory_space<semaphore_mem>>)
      %dma_wait3A_68 = tpu.memref_slice %arg3[%add3A_7] : memref<160000xi32, #tpu.memory_space<hbm>> -> memref<80xi32, #tpu.memory_space<hbm>>
      %dma_wait3A_69 = tpu.memref_slice %arg3[%add3A_7] : memref<160000xi32, #tpu.memory_space<hbm>> -> memref<80xi32, #tpu.memory_space<hbm>>
      tpu.wait_dma2 semaphore(%run_scoped3A : memref<!tpu.dma_semaphore, #tpu.memory_space<semaphore_mem>>) src(%dma_wait3A_69 : memref<80xi32, #tpu.memory_space<hbm>>) dst(%arg7 : memref<80xi32, #tpu.memory_space<vmem>>)
      tpu.yield
    }) : () -> ()
    "tpu.region"() ({
      %run_scoped3A = tpu.sem_alloc : memref<!tpu.dma_semaphore, #tpu.memory_space<semaphore_mem>>
      %dma_start3A_66 = tpu.memref_slice %arg4[%add3A_7] : memref<160000xi32, #tpu.memory_space<hbm>> -> memref<80xi32, #tpu.memory_space<hbm>>
      %dma_start3A_67 = tpu.memref_slice %arg4[%add3A_7] : memref<160000xi32, #tpu.memory_space<hbm>> -> memref<80xi32, #tpu.memory_space<hbm>>
      tpu.enqueue_dma source(%dma_start3A_67 : memref<80xi32, #tpu.memory_space<hbm>>) target(%arg8 : memref<80xi32, #tpu.memory_space<vmem>>) target_semaphore(%run_scoped3A : memref<!tpu.dma_semaphore, #tpu.memory_space<semaphore_mem>>)
      %dma_wait3A_68 = tpu.memref_slice %arg4[%add3A_7] : memref<160000xi32, #tpu.memory_space<hbm>> -> memref<80xi32, #tpu.memory_space<hbm>>
      %dma_wait3A_69 = tpu.memref_slice %arg4[%add3A_7] : memref<160000xi32, #tpu.memory_space<hbm>> -> memref<80xi32, #tpu.memory_space<hbm>>
      tpu.wait_dma2 semaphore(%run_scoped3A : memref<!tpu.dma_semaphore, #tpu.memory_space<semaphore_mem>>) src(%dma_wait3A_69 : memref<80xi32, #tpu.memory_space<hbm>>) dst(%arg8 : memref<80xi32, #tpu.memory_space<vmem>>)
      tpu.yield
    }) : () -> ()
    %get3A = arith.constant 0 : index
    %get3A_8 = tpu.vector_load %arg8[%get3A] {strides = array<i32>} : memref<80xi32, #tpu.memory_space<vmem>>, vector<16xi32>,
    %get3A_9 = vector.shape_cast %get3A_8 : vector<16xi32> to vector<16xi32>
    %add3A_10 = vector.broadcast %mul3A_4 : i32 to vector<16xi32>
    %add3A_11 = arith.addi %get3A_9, %add3A_10 : vector<16xi32>
    %swap3A = arith.constant 0 : index
    %swap3A_12 = tpu.vector_load %arg8[%swap3A] {strides = array<i32>} : memref<80xi32, #tpu.memory_space<vmem>>, vector<16xi32>,
    %swap3A_13 = vector.shape_cast %swap3A_12 : vector<16xi32> to vector<16xi32>
    %swap3A_14 = vector.shape_cast %add3A_11 : vector<16xi32> to vector<16xi32>
    tpu.vector_store %arg8[%swap3A], %swap3A_14 {strides = array<i32>} : memref<80xi32, #tpu.memory_space<vmem>>, vector<16xi32>,
    %get3A_15 = arith.constant 16 : index
    %get3A_16 = tpu.vector_load %arg8[%get3A_15] {strides = array<i32>} : memref<80xi32, #tpu.memory_space<vmem>>, vector<16xi32>,
    %get3A_17 = vector.shape_cast %get3A_16 : vector<16xi32> to vector<16xi32>
    %add3A_18 = vector.broadcast %mul3A_4 : i32 to vector<16xi32>
    %add3A_19 = arith.addi %get3A_17, %add3A_18 : vector<16xi32>
    %swap3A_20 = arith.constant 16 : index
    %swap3A_21 = tpu.vector_load %arg8[%swap3A_20] {strides = array<i32>} : memref<80xi32, #tpu.memory_space<vmem>>, vector<16xi32>,
    %swap3A_22 = vector.shape_cast %swap3A_21 : vector<16xi32> to vector<16xi32>
    %swap3A_23 = vector.shape_cast %add3A_19 : vector<16xi32> to vector<16xi32>
    tpu.vector_store %arg8[%swap3A_20], %swap3A_23 {strides = array<i32>} : memref<80xi32, #tpu.memory_space<vmem>>, vector<16xi32>,
    %get3A_24 = arith.constant 32 : index
    %get3A_25 = tpu.vector_load %arg8[%get3A_24] {strides = array<i32>} : memref<80xi32, #tpu.memory_space<vmem>>, vector<16xi32>,
    %get3A_26 = vector.shape_cast %get3A_25 : vector<16xi32> to vector<16xi32>
    %add3A_27 = vector.broadcast %mul3A_4 : i32 to vector<16xi32>
    %add3A_28 = arith.addi %get3A_26, %add3A_27 : vector<16xi32>
    %swap3A_29 = arith.constant 32 : index
    %swap3A_30 = tpu.vector_load %arg8[%swap3A_29] {strides = array<i32>} : memref<80xi32, #tpu.memory_space<vmem>>, vector<16xi32>,
    %swap3A_31 = vector.shape_cast %swap3A_30 : vector<16xi32> to vector<16xi32>
    %swap3A_32 = vector.shape_cast %add3A_28 : vector<16xi32> to vector<16xi32>
    tpu.vector_store %arg8[%swap3A_29], %swap3A_32 {strides = array<i32>} : memref<80xi32, #tpu.memory_space<vmem>>, vector<16xi32>,
    %get3A_33 = arith.constant 48 : index
    %get3A_34 = tpu.vector_load %arg8[%get3A_33] {strides = array<i32>} : memref<80xi32, #tpu.memory_space<vmem>>, vector<16xi32>,
    %get3A_35 = vector.shape_cast %get3A_34 : vector<16xi32> to vector<16xi32>
    %add3A_36 = vector.broadcast %mul3A_4 : i32 to vector<16xi32>
    %add3A_37 = arith.addi %get3A_35, %add3A_36 : vector<16xi32>
    %swap3A_38 = arith.constant 48 : index
    %swap3A_39 = tpu.vector_load %arg8[%swap3A_38] {strides = array<i32>} : memref<80xi32, #tpu.memory_space<vmem>>, vector<16xi32>,
    %swap3A_40 = vector.shape_cast %swap3A_39 : vector<16xi32> to vector<16xi32>
    %swap3A_41 = vector.shape_cast %add3A_37 : vector<16xi32> to vector<16xi32>
    tpu.vector_store %arg8[%swap3A_38], %swap3A_41 {strides = array<i32>} : memref<80xi32, #tpu.memory_space<vmem>>, vector<16xi32>,
    %get3A_42 = arith.constant 64 : index
    %get3A_43 = tpu.vector_load %arg8[%get3A_42] {strides = array<i32>} : memref<80xi32, #tpu.memory_space<vmem>>, vector<16xi32>,
    %get3A_44 = vector.shape_cast %get3A_43 : vector<16xi32> to vector<16xi32>
    %add3A_45 = vector.broadcast %mul3A_4 : i32 to vector<16xi32>
    %add3A_46 = arith.addi %get3A_44, %add3A_45 : vector<16xi32>
    %swap3A_47 = arith.constant 64 : index
    %swap3A_48 = tpu.vector_load %arg8[%swap3A_47] {strides = array<i32>} : memref<80xi32, #tpu.memory_space<vmem>>, vector<16xi32>,
    %swap3A_49 = vector.shape_cast %swap3A_48 : vector<16xi32> to vector<16xi32>
    %swap3A_50 = vector.shape_cast %add3A_46 : vector<16xi32> to vector<16xi32>
    tpu.vector_store %arg8[%swap3A_47], %swap3A_50 {strides = array<i32>} : memref<80xi32, #tpu.memory_space<vmem>>, vector<16xi32>,
    %dma_start3A = arith.constant 0 : i32
    %dma_start3A_51 = arith.constant 0 : i32
    %dma_start3A_52 = tpu.memref_slice %arg2[%dma_start3A, %dma_start3A_51] : memref<20000x128xf32, #tpu.memory_space<hbm>> -> memref<20000x128xf32, #tpu.memory_space<hbm>>
    tpu.enqueue_indirect_dma source(%dma_start3A_52 : memref<20000x128xf32, #tpu.memory_space<hbm>>) target(%arg9 : memref<80x128xf32, #tpu.memory_space<vmem>>) offsets(%arg8 : memref<80xi32, #tpu.memory_space<vmem>>) semaphore(%arg14 : memref<!tpu.dma_semaphore, #tpu.memory_space<semaphore_mem>>)
    %scan3A_53 = arith.constant 0 : i32
    %scan3A_54 = arith.constant 62 : i32
    %scan3A_55 = arith.addi %scan3A_53, %scan3A_54 : i32
    %scan3A_56 = arith.constant 1 : i32
    scf.for %scan3A_66 = %scan3A_53 to %scan3A_55 step %scan3A_56  : i32 {
      %mul3A_67 = arith.constant 1 : i32
      %mul3A_68 = arith.muli %scan3A_66, %mul3A_67 : i32
      %add3A_69 = arith.constant 0 : i32
      %add3A_70 = arith.addi %add3A_69, %mul3A_68 : i32
      %mul3A_71 = arith.constant 2 : i32
      %mul3A_72 = arith.muli %mul3A_71, %add3A_70 : i32
      %add3A_73 = arith.constant 1 : i32
      %add3A_74 = arith.addi %mul3A_72, %add3A_73 : i32
      %mul3A_75 = arith.constant 10000 : i32
      %mul3A_76 = arith.muli %arg1, %mul3A_75 : i32
      %mul3A_77 = arith.constant 80 : i32
      %mul3A_78 = arith.muli %add3A_74, %mul3A_77 : i32
      %add3A_79 = arith.addi %mul3A_76, %mul3A_78 : i32
      "tpu.region"() ({
        %run_scoped3A = tpu.sem_alloc : memref<!tpu.dma_semaphore, #tpu.memory_space<semaphore_mem>>
        %dma_start3A_189 = tpu.memref_slice %arg3[%add3A_79] : memref<160000xi32, #tpu.memory_space<hbm>> -> memref<80xi32, #tpu.memory_space<hbm>>
        %dma_start3A_190 = tpu.memref_slice %arg3[%add3A_79] : memref<160000xi32, #tpu.memory_space<hbm>> -> memref<80xi32, #tpu.memory_space<hbm>>
        tpu.enqueue_dma source(%dma_start3A_190 : memref<80xi32, #tpu.memory_space<hbm>>) target(%arg10 : memref<80xi32, #tpu.memory_space<vmem>>) target_semaphore(%run_scoped3A : memref<!tpu.dma_semaphore, #tpu.memory_space<semaphore_mem>>)
        %dma_wait3A_191 = tpu.memref_slice %arg3[%add3A_79] : memref<160000xi32, #tpu.memory_space<hbm>> -> memref<80xi32, #tpu.memory_space<hbm>>
        %dma_wait3A_192 = tpu.memref_slice %arg3[%add3A_79] : memref<160000xi32, #tpu.memory_space<hbm>> -> memref<80xi32, #tpu.memory_space<hbm>>
        tpu.wait_dma2 semaphore(%run_scoped3A : memref<!tpu.dma_semaphore, #tpu.memory_space<semaphore_mem>>) src(%dma_wait3A_192 : memref<80xi32, #tpu.memory_space<hbm>>) dst(%arg10 : memref<80xi32, #tpu.memory_space<vmem>>)
        tpu.yield
      }) : () -> ()
      "tpu.region"() ({
        %run_scoped3A = tpu.sem_alloc : memref<!tpu.dma_semaphore, #tpu.memory_space<semaphore_mem>>
        %dma_start3A_189 = tpu.memref_slice %arg4[%add3A_79] : memref<160000xi32, #tpu.memory_space<hbm>> -> memref<80xi32, #tpu.memory_space<hbm>>
        %dma_start3A_190 = tpu.memref_slice %arg4[%add3A_79] : memref<160000xi32, #tpu.memory_space<hbm>> -> memref<80xi32, #tpu.memory_space<hbm>>
        tpu.enqueue_dma source(%dma_start3A_190 : memref<80xi32, #tpu.memory_space<hbm>>) target(%arg11 : memref<80xi32, #tpu.memory_space<vmem>>) target_semaphore(%run_scoped3A : memref<!tpu.dma_semaphore, #tpu.memory_space<semaphore_mem>>)
        %dma_wait3A_191 = tpu.memref_slice %arg4[%add3A_79] : memref<160000xi32, #tpu.memory_space<hbm>> -> memref<80xi32, #tpu.memory_space<hbm>>
        %dma_wait3A_192 = tpu.memref_slice %arg4[%add3A_79] : memref<160000xi32, #tpu.memory_space<hbm>> -> memref<80xi32, #tpu.memory_space<hbm>>
        tpu.wait_dma2 semaphore(%run_scoped3A : memref<!tpu.dma_semaphore, #tpu.memory_space<semaphore_mem>>) src(%dma_wait3A_192 : memref<80xi32, #tpu.memory_space<hbm>>) dst(%arg11 : memref<80xi32, #tpu.memory_space<vmem>>)
        tpu.yield
      }) : () -> ()
      %get3A_80 = arith.constant 0 : index
      %get3A_81 = tpu.vector_load %arg11[%get3A_80] {strides = array<i32>} : memref<80xi32, #tpu.memory_space<vmem>>, vector<16xi32>,
      %get3A_82 = vector.shape_cast %get3A_81 : vector<16xi32> to vector<16xi32>
      %add3A_83 = vector.broadcast %mul3A_4 : i32 to vector<16xi32>
      %add3A_84 = arith.addi %get3A_82, %add3A_83 : vector<16xi32>
      %swap3A_85 = arith.constant 0 : index
      %swap3A_86 = tpu.vector_load %arg11[%swap3A_85] {strides = array<i32>} : memref<80xi32, #tpu.memory_space<vmem>>, vector<16xi32>,
      %swap3A_87 = vector.shape_cast %swap3A_86 : vector<16xi32> to vector<16xi32>
      %swap3A_88 = vector.shape_cast %add3A_84 : vector<16xi32> to vector<16xi32>
      tpu.vector_store %arg11[%swap3A_85], %swap3A_88 {strides = array<i32>} : memref<80xi32, #tpu.memory_space<vmem>>, vector<16xi32>,
      %get3A_89 = arith.constant 16 : index
      %get3A_90 = tpu.vector_load %arg11[%get3A_89] {strides = array<i32>} : memref<80xi32, #tpu.memory_space<vmem>>, vector<16xi32>,
      %get3A_91 = vector.shape_cast %get3A_90 : vector<16xi32> to vector<16xi32>
      %add3A_92 = vector.broadcast %mul3A_4 : i32 to vector<16xi32>
      %add3A_93 = arith.addi %get3A_91, %add3A_92 : vector<16xi32>
      %swap3A_94 = arith.constant 16 : index
      %swap3A_95 = tpu.vector_load %arg11[%swap3A_94] {strides = array<i32>} : memref<80xi32, #tpu.memory_space<vmem>>, vector<16xi32>,
      %swap3A_96 = vector.shape_cast %swap3A_95 : vector<16xi32> to vector<16xi32>
      %swap3A_97 = vector.shape_cast %add3A_93 : vector<16xi32> to vector<16xi32>
      tpu.vector_store %arg11[%swap3A_94], %swap3A_97 {strides = array<i32>} : memref<80xi32, #tpu.memory_space<vmem>>, vector<16xi32>,
      %get3A_98 = arith.constant 32 : index
      %get3A_99 = tpu.vector_load %arg11[%get3A_98] {strides = array<i32>} : memref<80xi32, #tpu.memory_space<vmem>>, vector<16xi32>,
      %get3A_100 = vector.shape_cast %get3A_99 : vector<16xi32> to vector<16xi32>
      %add3A_101 = vector.broadcast %mul3A_4 : i32 to vector<16xi32>
      %add3A_102 = arith.addi %get3A_100, %add3A_101 : vector<16xi32>
      %swap3A_103 = arith.constant 32 : index
      %swap3A_104 = tpu.vector_load %arg11[%swap3A_103] {strides = array<i32>} : memref<80xi32, #tpu.memory_space<vmem>>, vector<16xi32>,
      %swap3A_105 = vector.shape_cast %swap3A_104 : vector<16xi32> to vector<16xi32>
      %swap3A_106 = vector.shape_cast %add3A_102 : vector<16xi32> to vector<16xi32>
      tpu.vector_store %arg11[%swap3A_103], %swap3A_106 {strides = array<i32>} : memref<80xi32, #tpu.memory_space<vmem>>, vector<16xi32>,
      %get3A_107 = arith.constant 48 : index
      %get3A_108 = tpu.vector_load %arg11[%get3A_107] {strides = array<i32>} : memref<80xi32, #tpu.memory_space<vmem>>, vector<16xi32>,
      %get3A_109 = vector.shape_cast %get3A_108 : vector<16xi32> to vector<16xi32>
      %add3A_110 = vector.broadcast %mul3A_4 : i32 to vector<16xi32>
      %add3A_111 = arith.addi %get3A_109, %add3A_110 : vector<16xi32>
      %swap3A_112 = arith.constant 48 : index
      %swap3A_113 = tpu.vector_load %arg11[%swap3A_112] {strides = array<i32>} : memref<80xi32, #tpu.memory_space<vmem>>, vector<16xi32>,
      %swap3A_114 = vector.shape_cast %swap3A_113 : vector<16xi32> to vector<16xi32>
      %swap3A_115 = vector.shape_cast %add3A_111 : vector<16xi32> to vector<16xi32>
      tpu.vector_store %arg11[%swap3A_112], %swap3A_115 {strides = array<i32>} : memref<80xi32, #tpu.memory_space<vmem>>, vector<16xi32>,
      %get3A_116 = arith.constant 64 : index
      %get3A_117 = tpu.vector_load %arg11[%get3A_116] {strides = array<i32>} : memref<80xi32, #tpu.memory_space<vmem>>, vector<16xi32>,
      %get3A_118 = vector.shape_cast %get3A_117 : vector<16xi32> to vector<16xi32>
      %add3A_119 = vector.broadcast %mul3A_4 : i32 to vector<16xi32>
      %add3A_120 = arith.addi %get3A_118, %add3A_119 : vector<16xi32>
      %swap3A_121 = arith.constant 64 : index
      %swap3A_122 = tpu.vector_load %arg11[%swap3A_121] {strides = array<i32>} : memref<80xi32, #tpu.memory_space<vmem>>, vector<16xi32>,
      %swap3A_123 = vector.shape_cast %swap3A_122 : vector<16xi32> to vector<16xi32>
      %swap3A_124 = vector.shape_cast %add3A_120 : vector<16xi32> to vector<16xi32>
      tpu.vector_store %arg11[%swap3A_121], %swap3A_124 {strides = array<i32>} : memref<80xi32, #tpu.memory_space<vmem>>, vector<16xi32>,
      %dma_start3A_125 = arith.constant 0 : i32
      %dma_start3A_126 = arith.constant 0 : i32
      %dma_start3A_127 = tpu.memref_slice %arg2[%dma_start3A_125, %dma_start3A_126] : memref<20000x128xf32, #tpu.memory_space<hbm>> -> memref<20000x128xf32, #tpu.memory_space<hbm>>
      tpu.enqueue_indirect_dma source(%dma_start3A_127 : memref<20000x128xf32, #tpu.memory_space<hbm>>) target(%arg12 : memref<80x128xf32, #tpu.memory_space<vmem>>) offsets(%arg11 : memref<80xi32, #tpu.memory_space<vmem>>) semaphore(%arg15 : memref<!tpu.dma_semaphore, #tpu.memory_space<semaphore_mem>>)
      %dma_wait3A_128 = arith.constant 0 : i32
      %dma_wait3A_129 = arith.constant 0 : i32
      %dma_wait3A_130 = tpu.memref_slice %arg2[%dma_wait3A_128, %dma_wait3A_129] : memref<20000x128xf32, #tpu.memory_space<hbm>> -> memref<20000x128xf32, #tpu.memory_space<hbm>>
      tpu.wait_indirect_dma semaphore(%arg14 : memref<!tpu.dma_semaphore, #tpu.memory_space<semaphore_mem>>) src(%dma_wait3A_130 : memref<20000x128xf32, #tpu.memory_space<hbm>>) dst(%arg9 : memref<80x128xf32, #tpu.memory_space<vmem>>)
      "tpu.region"() ({
        %run_scoped3A = tpu.sem_alloc : memref<!tpu.dma_semaphore, #tpu.memory_space<semaphore_mem>>
        %dma_start3A_189 = arith.constant 0 : i32
        %dma_start3A_190 = arith.constant 0 : i32
        %dma_start3A_191 = tpu.memref_slice %arg13[%dma_start3A_189, %dma_start3A_190] : memref<10240x128xf32, #tpu.memory_space<vmem_shared>> -> memref<10240x128xf32, #tpu.memory_space<vmem_shared>>
        tpu.enqueue_indirect_dma source(%arg9 : memref<80x128xf32, #tpu.memory_space<vmem>>) target(%dma_start3A_191 : memref<10240x128xf32, #tpu.memory_space<vmem_shared>>) offsets(%arg7 : memref<80xi32, #tpu.memory_space<vmem>>) semaphore(%run_scoped3A : memref<!tpu.dma_semaphore, #tpu.memory_space<semaphore_mem>>) {add = true}
        %dma_wait3A_192 = arith.constant 0 : i32
        %dma_wait3A_193 = arith.constant 0 : i32
        %dma_wait3A_194 = tpu.memref_slice %arg13[%dma_wait3A_192, %dma_wait3A_193] : memref<10240x128xf32, #tpu.memory_space<vmem_shared>> -> memref<10240x128xf32, #tpu.memory_space<vmem_shared>>
        tpu.wait_indirect_dma semaphore(%run_scoped3A : memref<!tpu.dma_semaphore, #tpu.memory_space<semaphore_mem>>) src(%arg9 : memref<80x128xf32, #tpu.memory_space<vmem>>) dst(%dma_wait3A_194 : memref<10240x128xf32, #tpu.memory_space<vmem_shared>>)
        tpu.yield
      }) : () -> ()
      %add3A_131 = arith.constant 2 : i32
      %add3A_132 = arith.addi %mul3A_72, %add3A_131 : i32
      %mul3A_133 = arith.constant 10000 : i32
      %mul3A_134 = arith.muli %arg1, %mul3A_133 : i32
      %mul3A_135 = arith.constant 80 : i32
      %mul3A_136 = arith.muli %add3A_132, %mul3A_135 : i32
      %add3A_137 = arith.addi %mul3A_134, %mul3A_136 : i32
      "tpu.region"() ({
        %run_scoped3A = tpu.sem_alloc : memref<!tpu.dma_semaphore, #tpu.memory_space<semaphore_mem>>
        %dma_start3A_189 = tpu.memref_slice %arg3[%add3A_137] : memref<160000xi32, #tpu.memory_space<hbm>> -> memref<80xi32, #tpu.memory_space<hbm>>
        %dma_start3A_190 = tpu.memref_slice %arg3[%add3A_137] : memref<160000xi32, #tpu.memory_space<hbm>> -> memref<80xi32, #tpu.memory_space<hbm>>
        tpu.enqueue_dma source(%dma_start3A_190 : memref<80xi32, #tpu.memory_space<hbm>>) target(%arg7 : memref<80xi32, #tpu.memory_space<vmem>>) target_semaphore(%run_scoped3A : memref<!tpu.dma_semaphore, #tpu.memory_space<semaphore_mem>>)
        %dma_wait3A_191 = tpu.memref_slice %arg3[%add3A_137] : memref<160000xi32, #tpu.memory_space<hbm>> -> memref<80xi32, #tpu.memory_space<hbm>>
        %dma_wait3A_192 = tpu.memref_slice %arg3[%add3A_137] : memref<160000xi32, #tpu.memory_space<hbm>> -> memref<80xi32, #tpu.memory_space<hbm>>
        tpu.wait_dma2 semaphore(%run_scoped3A : memref<!tpu.dma_semaphore, #tpu.memory_space<semaphore_mem>>) src(%dma_wait3A_192 : memref<80xi32, #tpu.memory_space<hbm>>) dst(%arg7 : memref<80xi32, #tpu.memory_space<vmem>>)
        tpu.yield
      }) : () -> ()
      "tpu.region"() ({
        %run_scoped3A = tpu.sem_alloc : memref<!tpu.dma_semaphore, #tpu.memory_space<semaphore_mem>>
        %dma_start3A_189 = tpu.memref_slice %arg4[%add3A_137] : memref<160000xi32, #tpu.memory_space<hbm>> -> memref<80xi32, #tpu.memory_space<hbm>>
        %dma_start3A_190 = tpu.memref_slice %arg4[%add3A_137] : memref<160000xi32, #tpu.memory_space<hbm>> -> memref<80xi32, #tpu.memory_space<hbm>>
        tpu.enqueue_dma source(%dma_start3A_190 : memref<80xi32, #tpu.memory_space<hbm>>) target(%arg8 : memref<80xi32, #tpu.memory_space<vmem>>) target_semaphore(%run_scoped3A : memref<!tpu.dma_semaphore, #tpu.memory_space<semaphore_mem>>)
        %dma_wait3A_191 = tpu.memref_slice %arg4[%add3A_137] : memref<160000xi32, #tpu.memory_space<hbm>> -> memref<80xi32, #tpu.memory_space<hbm>>
        %dma_wait3A_192 = tpu.memref_slice %arg4[%add3A_137] : memref<160000xi32, #tpu.memory_space<hbm>> -> memref<80xi32, #tpu.memory_space<hbm>>
        tpu.wait_dma2 semaphore(%run_scoped3A : memref<!tpu.dma_semaphore, #tpu.memory_space<semaphore_mem>>) src(%dma_wait3A_192 : memref<80xi32, #tpu.memory_space<hbm>>) dst(%arg8 : memref<80xi32, #tpu.memory_space<vmem>>)
        tpu.yield
      }) : () -> ()
      %get3A_138 = arith.constant 0 : index
      %get3A_139 = tpu.vector_load %arg8[%get3A_138] {strides = array<i32>} : memref<80xi32, #tpu.memory_space<vmem>>, vector<16xi32>,
      %get3A_140 = vector.shape_cast %get3A_139 : vector<16xi32> to vector<16xi32>
      %add3A_141 = vector.broadcast %mul3A_4 : i32 to vector<16xi32>
      %add3A_142 = arith.addi %get3A_140, %add3A_141 : vector<16xi32>
      %swap3A_143 = arith.constant 0 : index
      %swap3A_144 = tpu.vector_load %arg8[%swap3A_143] {strides = array<i32>} : memref<80xi32, #tpu.memory_space<vmem>>, vector<16xi32>,
      %swap3A_145 = vector.shape_cast %swap3A_144 : vector<16xi32> to vector<16xi32>
      %swap3A_146 = vector.shape_cast %add3A_142 : vector<16xi32> to vector<16xi32>
      tpu.vector_store %arg8[%swap3A_143], %swap3A_146 {strides = array<i32>} : memref<80xi32, #tpu.memory_space<vmem>>, vector<16xi32>,
      %get3A_147 = arith.constant 16 : index
      %get3A_148 = tpu.vector_load %arg8[%get3A_147] {strides = array<i32>} : memref<80xi32, #tpu.memory_space<vmem>>, vector<16xi32>,
      %get3A_149 = vector.shape_cast %get3A_148 : vector<16xi32> to vector<16xi32>
      %add3A_150 = vector.broadcast %mul3A_4 : i32 to vector<16xi32>
      %add3A_151 = arith.addi %get3A_149, %add3A_150 : vector<16xi32>
      %swap3A_152 = arith.constant 16 : index
      %swap3A_153 = tpu.vector_load %arg8[%swap3A_152] {strides = array<i32>} : memref<80xi32, #tpu.memory_space<vmem>>, vector<16xi32>,
      %swap3A_154 = vector.shape_cast %swap3A_153 : vector<16xi32> to vector<16xi32>
      %swap3A_155 = vector.shape_cast %add3A_151 : vector<16xi32> to vector<16xi32>
      tpu.vector_store %arg8[%swap3A_152], %swap3A_155 {strides = array<i32>} : memref<80xi32, #tpu.memory_space<vmem>>, vector<16xi32>,
      %get3A_156 = arith.constant 32 : index
      %get3A_157 = tpu.vector_load %arg8[%get3A_156] {strides = array<i32>} : memref<80xi32, #tpu.memory_space<vmem>>, vector<16xi32>,
      %get3A_158 = vector.shape_cast %get3A_157 : vector<16xi32> to vector<16xi32>
      %add3A_159 = vector.broadcast %mul3A_4 : i32 to vector<16xi32>
      %add3A_160 = arith.addi %get3A_158, %add3A_159 : vector<16xi32>
      %swap3A_161 = arith.constant 32 : index
      %swap3A_162 = tpu.vector_load %arg8[%swap3A_161] {strides = array<i32>} : memref<80xi32, #tpu.memory_space<vmem>>, vector<16xi32>,
      %swap3A_163 = vector.shape_cast %swap3A_162 : vector<16xi32> to vector<16xi32>
      %swap3A_164 = vector.shape_cast %add3A_160 : vector<16xi32> to vector<16xi32>
      tpu.vector_store %arg8[%swap3A_161], %swap3A_164 {strides = array<i32>} : memref<80xi32, #tpu.memory_space<vmem>>, vector<16xi32>,
      %get3A_165 = arith.constant 48 : index
      %get3A_166 = tpu.vector_load %arg8[%get3A_165] {strides = array<i32>} : memref<80xi32, #tpu.memory_space<vmem>>, vector<16xi32>,
      %get3A_167 = vector.shape_cast %get3A_166 : vector<16xi32> to vector<16xi32>
      %add3A_168 = vector.broadcast %mul3A_4 : i32 to vector<16xi32>
      %add3A_169 = arith.addi %get3A_167, %add3A_168 : vector<16xi32>
      %swap3A_170 = arith.constant 48 : index
      %swap3A_171 = tpu.vector_load %arg8[%swap3A_170] {strides = array<i32>} : memref<80xi32, #tpu.memory_space<vmem>>, vector<16xi32>,
      %swap3A_172 = vector.shape_cast %swap3A_171 : vector<16xi32> to vector<16xi32>
      %swap3A_173 = vector.shape_cast %add3A_169 : vector<16xi32> to vector<16xi32>
      tpu.vector_store %arg8[%swap3A_170], %swap3A_173 {strides = array<i32>} : memref<80xi32, #tpu.memory_space<vmem>>, vector<16xi32>,
      %get3A_174 = arith.constant 64 : index
      %get3A_175 = tpu.vector_load %arg8[%get3A_174] {strides = array<i32>} : memref<80xi32, #tpu.memory_space<vmem>>, vector<16xi32>,
      %get3A_176 = vector.shape_cast %get3A_175 : vector<16xi32> to vector<16xi32>
      %add3A_177 = vector.broadcast %mul3A_4 : i32 to vector<16xi32>
      %add3A_178 = arith.addi %get3A_176, %add3A_177 : vector<16xi32>
      %swap3A_179 = arith.constant 64 : index
      %swap3A_180 = tpu.vector_load %arg8[%swap3A_179] {strides = array<i32>} : memref<80xi32, #tpu.memory_space<vmem>>, vector<16xi32>,
      %swap3A_181 = vector.shape_cast %swap3A_180 : vector<16xi32> to vector<16xi32>
      %swap3A_182 = vector.shape_cast %add3A_178 : vector<16xi32> to vector<16xi32>
      tpu.vector_store %arg8[%swap3A_179], %swap3A_182 {strides = array<i32>} : memref<80xi32, #tpu.memory_space<vmem>>, vector<16xi32>,
      %dma_start3A_183 = arith.constant 0 : i32
      %dma_start3A_184 = arith.constant 0 : i32
      %dma_start3A_185 = tpu.memref_slice %arg2[%dma_start3A_183, %dma_start3A_184] : memref<20000x128xf32, #tpu.memory_space<hbm>> -> memref<20000x128xf32, #tpu.memory_space<hbm>>
      tpu.enqueue_indirect_dma source(%dma_start3A_185 : memref<20000x128xf32, #tpu.memory_space<hbm>>) target(%arg9 : memref<80x128xf32, #tpu.memory_space<vmem>>) offsets(%arg8 : memref<80xi32, #tpu.memory_space<vmem>>) semaphore(%arg14 : memref<!tpu.dma_semaphore, #tpu.memory_space<semaphore_mem>>)
      %dma_wait3A_186 = arith.constant 0 : i32
      %dma_wait3A_187 = arith.constant 0 : i32
      %dma_wait3A_188 = tpu.memref_slice %arg2[%dma_wait3A_186, %dma_wait3A_187] : memref<20000x128xf32, #tpu.memory_space<hbm>> -> memref<20000x128xf32, #tpu.memory_space<hbm>>
      tpu.wait_indirect_dma semaphore(%arg15 : memref<!tpu.dma_semaphore, #tpu.memory_space<semaphore_mem>>) src(%dma_wait3A_188 : memref<20000x128xf32, #tpu.memory_space<hbm>>) dst(%arg12 : memref<80x128xf32, #tpu.memory_space<vmem>>)
      "tpu.region"() ({
        %run_scoped3A = tpu.sem_alloc : memref<!tpu.dma_semaphore, #tpu.memory_space<semaphore_mem>>
        %dma_start3A_189 = arith.constant 0 : i32
        %dma_start3A_190 = arith.constant 0 : i32
        %dma_start3A_191 = tpu.memref_slice %arg13[%dma_start3A_189, %dma_start3A_190] : memref<10240x128xf32, #tpu.memory_space<vmem_shared>> -> memref<10240x128xf32, #tpu.memory_space<vmem_shared>>
        tpu.enqueue_indirect_dma source(%arg12 : memref<80x128xf32, #tpu.memory_space<vmem>>) target(%dma_start3A_191 : memref<10240x128xf32, #tpu.memory_space<vmem_shared>>) offsets(%arg10 : memref<80xi32, #tpu.memory_space<vmem>>) semaphore(%run_scoped3A : memref<!tpu.dma_semaphore, #tpu.memory_space<semaphore_mem>>) {add = true}
        %dma_wait3A_192 = arith.constant 0 : i32
        %dma_wait3A_193 = arith.constant 0 : i32
        %dma_wait3A_194 = tpu.memref_slice %arg13[%dma_wait3A_192, %dma_wait3A_193] : memref<10240x128xf32, #tpu.memory_space<vmem_shared>> -> memref<10240x128xf32, #tpu.memory_space<vmem_shared>>
        tpu.wait_indirect_dma semaphore(%run_scoped3A : memref<!tpu.dma_semaphore, #tpu.memory_space<semaphore_mem>>) src(%arg12 : memref<80x128xf32, #tpu.memory_space<vmem>>) dst(%dma_wait3A_194 : memref<10240x128xf32, #tpu.memory_space<vmem_shared>>)
        tpu.yield
      }) : () -> ()
    }
    %scan3A_57 = arith.constant 62 : i32
    %dma_wait3A = arith.constant 0 : i32
    %dma_wait3A_58 = arith.constant 0 : i32
    %dma_wait3A_59 = tpu.memref_slice %arg2[%dma_wait3A, %dma_wait3A_58] : memref<20000x128xf32, #tpu.memory_space<hbm>> -> memref<20000x128xf32, #tpu.memory_space<hbm>>
    tpu.wait_indirect_dma semaphore(%arg14 : memref<!tpu.dma_semaphore, #tpu.memory_space<semaphore_mem>>) src(%dma_wait3A_59 : memref<20000x128xf32, #tpu.memory_space<hbm>>) dst(%arg9 : memref<80x128xf32, #tpu.memory_space<vmem>>)
    "tpu.region"() ({
      %run_scoped3A = tpu.sem_alloc : memref<!tpu.dma_semaphore, #tpu.memory_space<semaphore_mem>>
      %dma_start3A_66 = arith.constant 0 : i32
      %dma_start3A_67 = arith.constant 0 : i32
      %dma_start3A_68 = tpu.memref_slice %arg13[%dma_start3A_66, %dma_start3A_67] : memref<10240x128xf32, #tpu.memory_space<vmem_shared>> -> memref<10240x128xf32, #tpu.memory_space<vmem_shared>>
      tpu.enqueue_indirect_dma source(%arg9 : memref<80x128xf32, #tpu.memory_space<vmem>>) target(%dma_start3A_68 : memref<10240x128xf32, #tpu.memory_space<vmem_shared>>) offsets(%arg7 : memref<80xi32, #tpu.memory_space<vmem>>) semaphore(%run_scoped3A : memref<!tpu.dma_semaphore, #tpu.memory_space<semaphore_mem>>) {add = true}
      %dma_wait3A_69 = arith.constant 0 : i32
      %dma_wait3A_70 = arith.constant 0 : i32
      %dma_wait3A_71 = tpu.memref_slice %arg13[%dma_wait3A_69, %dma_wait3A_70] : memref<10240x128xf32, #tpu.memory_space<vmem_shared>> -> memref<10240x128xf32, #tpu.memory_space<vmem_shared>>
      tpu.wait_indirect_dma semaphore(%run_scoped3A : memref<!tpu.dma_semaphore, #tpu.memory_space<semaphore_mem>>) src(%arg9 : memref<80x128xf32, #tpu.memory_space<vmem>>) dst(%dma_wait3A_71 : memref<10240x128xf32, #tpu.memory_space<vmem_shared>>)
      tpu.yield
    }) : () -> ()
    %barrier3A_60 = arith.constant 0 : index
    tpu.barrier barrier_id(%barrier3A_60)
    %scan3A_61 = arith.constant 0 : i32
    %scan3A_62 = arith.constant 8 : i32
    %scan3A_63 = arith.addi %scan3A_61, %scan3A_62 : i32
    %scan3A_64 = arith.constant 1 : i32
    scf.for %scan3A_66 = %scan3A_61 to %scan3A_63 step %scan3A_64  : i32 {
      %mul3A_67 = arith.constant 1 : i32
      %mul3A_68 = arith.muli %scan3A_66, %mul3A_67 : i32
      %add3A_69 = arith.constant 0 : i32
      %add3A_70 = arith.addi %add3A_69, %mul3A_68 : i32
      %mul3A_71 = arith.constant 640 : i32
      %mul3A_72 = arith.muli %arg1, %mul3A_71 : i32
      %mul3A_73 = arith.constant 80 : i32
      %mul3A_74 = arith.muli %add3A_70, %mul3A_73 : i32
      %add3A_75 = arith.addi %mul3A_72, %mul3A_74 : i32
      "tpu.region"() ({
        %run_scoped3A = tpu.sem_alloc : memref<!tpu.dma_semaphore, #tpu.memory_space<semaphore_mem>>
        %dma_start3A_79 = arith.constant 0 : i32
        %dma_start3A_80 = tpu.memref_slice %arg13[%add3A_75, %dma_start3A_79] : memref<10240x128xf32, #tpu.memory_space<vmem_shared>> -> memref<80x128xf32, #tpu.memory_space<vmem_shared>>
        %dma_start3A_81 = arith.constant 0 : i32
        %dma_start3A_82 = tpu.memref_slice %arg13[%add3A_75, %dma_start3A_81] : memref<10240x128xf32, #tpu.memory_space<vmem_shared>> -> memref<80x128xf32, #tpu.memory_space<vmem_shared>>
        tpu.enqueue_dma source(%dma_start3A_82 : memref<80x128xf32, #tpu.memory_space<vmem_shared>>) target(%arg9 : memref<80x128xf32, #tpu.memory_space<vmem>>) target_semaphore(%run_scoped3A : memref<!tpu.dma_semaphore, #tpu.memory_space<semaphore_mem>>)
        %dma_wait3A_83 = arith.constant 0 : i32
        %dma_wait3A_84 = tpu.memref_slice %arg13[%add3A_75, %dma_wait3A_83] : memref<10240x128xf32, #tpu.memory_space<vmem_shared>> -> memref<80x128xf32, #tpu.memory_space<vmem_shared>>
        %dma_wait3A_85 = arith.constant 0 : i32
        %dma_wait3A_86 = tpu.memref_slice %arg13[%add3A_75, %dma_wait3A_85] : memref<10240x128xf32, #tpu.memory_space<vmem_shared>> -> memref<80x128xf32, #tpu.memory_space<vmem_shared>>
        tpu.wait_dma2 semaphore(%run_scoped3A : memref<!tpu.dma_semaphore, #tpu.memory_space<semaphore_mem>>) src(%dma_wait3A_86 : memref<80x128xf32, #tpu.memory_space<vmem_shared>>) dst(%arg9 : memref<80x128xf32, #tpu.memory_space<vmem>>)
        tpu.yield
      }) : () -> ()
      %mul3A_76 = arith.constant 10240 : i32
      %mul3A_77 = arith.muli %arg0, %mul3A_76 : i32
      %add3A_78 = arith.addi %mul3A_77, %add3A_75 : i32
      "tpu.region"() ({
        %run_scoped3A = tpu.sem_alloc : memref<!tpu.dma_semaphore, #tpu.memory_space<semaphore_mem>>
        %dma_start3A_79 = arith.constant 0 : i32
        %dma_start3A_80 = tpu.memref_slice %arg6[%add3A_78, %dma_start3A_79] : memref<20480x128xf32, #tpu.memory_space<hbm>> -> memref<80x128xf32, #tpu.memory_space<hbm>>
        %dma_start3A_81 = arith.constant 0 : i32
        %dma_start3A_82 = tpu.memref_slice %arg6[%add3A_78, %dma_start3A_81] : memref<20480x128xf32, #tpu.memory_space<hbm>> -> memref<80x128xf32, #tpu.memory_space<hbm>>
        tpu.enqueue_dma source(%arg9 : memref<80x128xf32, #tpu.memory_space<vmem>>) target(%dma_start3A_82 : memref<80x128xf32, #tpu.memory_space<hbm>>) target_semaphore(%run_scoped3A : memref<!tpu.dma_semaphore, #tpu.memory_space<semaphore_mem>>)
        %dma_wait3A_83 = arith.constant 0 : i32
        %dma_wait3A_84 = tpu.memref_slice %arg6[%add3A_78, %dma_wait3A_83] : memref<20480x128xf32, #tpu.memory_space<hbm>> -> memref<80x128xf32, #tpu.memory_space<hbm>>
        %dma_wait3A_85 = arith.constant 0 : i32
        %dma_wait3A_86 = tpu.memref_slice %arg6[%add3A_78, %dma_wait3A_85] : memref<20480x128xf32, #tpu.memory_space<hbm>> -> memref<80x128xf32, #tpu.memory_space<hbm>>
        tpu.wait_dma2 semaphore(%run_scoped3A : memref<!tpu.dma_semaphore, #tpu.memory_space<semaphore_mem>>) src(%arg9 : memref<80x128xf32, #tpu.memory_space<vmem>>) dst(%dma_wait3A_86 : memref<80x128xf32, #tpu.memory_space<hbm>>)
        tpu.yield
      }) : () -> ()
    }
    %scan3A_65 = arith.constant 8 : i32
    return
  }
}

module attributes {stable_mosaic.version = 14 : i64} {
  func.func @_ffn2_body(%arg0: i32, %arg1: memref<2000x256xf32, #tpu.memory_space<vmem>>, %arg2: memref<256x256xf32, #tpu.memory_space<vmem>>, %arg3: memref<1x256xf32, #tpu.memory_space<vmem>>, %arg4: memref<256x256xf32, #tpu.memory_space<vmem>>, %arg5: memref<1x256xf32, #tpu.memory_space<vmem>>, %arg6: memref<2000x256xf32, #tpu.memory_space<vmem>>, %arg7: memref<2x2000x128xf32, #tpu.memory_space<vmem>>) attributes {dimension_semantics = [#tpu.dimension_semantics<arbitrary>], iteration_bounds = array<i64: 5>, scalar_prefetch = 0 : i64, scratch_operands = 0 : i64, tpu.core_type = #tpu.core_type<tc>, window_params = [{transform_indices = @transform_0, window_bounds = array<i64: 2000, 256>}, {pipeline_mode = #tpu.pipeline_mode<synchronous>, transform_indices = @transform_1, window_bounds = array<i64: 256, 256>}, {pipeline_mode = #tpu.pipeline_mode<synchronous>, transform_indices = @transform_2, window_bounds = array<i64: 1, 256>}, {pipeline_mode = #tpu.pipeline_mode<synchronous>, transform_indices = @transform_3, window_bounds = array<i64: 256, 256>}, {pipeline_mode = #tpu.pipeline_mode<synchronous>, transform_indices = @transform_4, window_bounds = array<i64: 1, 256>}, {transform_indices = @transform_5, window_bounds = array<i64: 2000, 256>}, {transform_indices = @transform_6, window_bounds = array<i64: 2, 2000, 128>}]} {
    %get3A = arith.constant 0 : index
    %get3A_0 = arith.constant 0 : index
    %get3A_1 = vector.load %arg1[%get3A, %get3A_0] : memref<2000x256xf32, #tpu.memory_space<vmem>>, vector<2000x256xf32>
    %get3A_2 = arith.constant 0 : index
    %get3A_3 = arith.constant 0 : index
    %get3A_4 = vector.load %arg2[%get3A_2, %get3A_3] : memref<256x256xf32, #tpu.memory_space<vmem>>, vector<256x256xf32>
    %dot_general3A = arith.constant dense<0.000000e+00> : vector<2000x256xf32>
    %dot_general3A_5 = tpu.matmul %get3A_1, %get3A_4, %dot_general3A {dimension_numbers = #tpu.dot_dimension_numbers<[1], [0], [0], [1], [0, 0, 1, 1], [], []>, transpose_lhs_hint = false} : vector<2000x256xf32>, vector<256x256xf32>, vector<2000x256xf32> -> vector<2000x256xf32>
    %get3A_6 = arith.constant 0 : index
    %get3A_7 = arith.constant 0 : index
    %get3A_8 = vector.load %arg3[%get3A_6, %get3A_7] : memref<1x256xf32, #tpu.memory_space<vmem>>, vector<1x256xf32>
    %add3A = vector.broadcast %get3A_8 : vector<1x256xf32> to vector<2000x256xf32>
    %add3A_9 = arith.addf %dot_general3A_5, %add3A : vector<2000x256xf32>
    %mul3A = arith.constant 5.000000e-01 : f32
    %mul3A_10 = vector.broadcast %mul3A : f32 to vector<2000x256xf32>
    %mul3A_11 = arith.mulf %mul3A_10, %add3A_9 : vector<2000x256xf32>
    %mul3A_12 = arith.constant 0.707106769 : f32
    %mul3A_13 = vector.broadcast %mul3A_12 : f32 to vector<2000x256xf32>
    %mul3A_14 = arith.mulf %add3A_9, %mul3A_13 : vector<2000x256xf32>
    %erf3A = math.erf %mul3A_14 : vector<2000x256xf32>
    %add3A_15 = arith.constant 1.000000e+00 : f32
    %add3A_16 = vector.broadcast %add3A_15 : f32 to vector<2000x256xf32>
    %add3A_17 = arith.addf %add3A_16, %erf3A : vector<2000x256xf32>
    %mul3A_18 = arith.mulf %mul3A_11, %add3A_17 : vector<2000x256xf32>
    %swap3A = arith.constant 0 : index
    %swap3A_19 = arith.constant 0 : index
    %swap3A_20 = vector.load %arg6[%swap3A, %swap3A_19] : memref<2000x256xf32, #tpu.memory_space<vmem>>, vector<2000x256xf32>
    tpu.vector_store %arg6[%swap3A, %swap3A_19], %mul3A_18 {strides = array<i32>} : memref<2000x256xf32, #tpu.memory_space<vmem>>, vector<2000x256xf32>,
    %get3A_21 = arith.constant 0 : index
    %get3A_22 = arith.constant 0 : index
    %get3A_23 = vector.load %arg4[%get3A_21, %get3A_22] : memref<256x256xf32, #tpu.memory_space<vmem>>, vector<256x256xf32>
    %dot_general3A_24 = arith.constant dense<0.000000e+00> : vector<2000x256xf32>
    %dot_general3A_25 = tpu.matmul %mul3A_18, %get3A_23, %dot_general3A_24 {dimension_numbers = #tpu.dot_dimension_numbers<[1], [0], [0], [1], [0, 0, 1, 1], [], []>, transpose_lhs_hint = false} : vector<2000x256xf32>, vector<256x256xf32>, vector<2000x256xf32> -> vector<2000x256xf32>
    %get3A_26 = arith.constant 0 : index
    %get3A_27 = arith.constant 0 : index
    %get3A_28 = vector.load %arg5[%get3A_26, %get3A_27] : memref<1x256xf32, #tpu.memory_space<vmem>>, vector<1x256xf32>
    %add3A_29 = vector.broadcast %get3A_28 : vector<1x256xf32> to vector<2000x256xf32>
    %add3A_30 = arith.addf %dot_general3A_25, %add3A_29 : vector<2000x256xf32>
    %mul3A_31 = arith.constant 5.000000e-01 : f32
    %mul3A_32 = vector.broadcast %mul3A_31 : f32 to vector<2000x256xf32>
    %mul3A_33 = arith.mulf %mul3A_32, %add3A_30 : vector<2000x256xf32>
    %mul3A_34 = arith.constant 0.707106769 : f32
    %mul3A_35 = vector.broadcast %mul3A_34 : f32 to vector<2000x256xf32>
    %mul3A_36 = arith.mulf %add3A_30, %mul3A_35 : vector<2000x256xf32>
    %erf3A_37 = math.erf %mul3A_36 : vector<2000x256xf32>
    %add3A_38 = arith.constant 1.000000e+00 : f32
    %add3A_39 = vector.broadcast %add3A_38 : f32 to vector<2000x256xf32>
    %add3A_40 = arith.addf %add3A_39, %erf3A_37 : vector<2000x256xf32>
    %mul3A_41 = arith.mulf %mul3A_33, %add3A_40 : vector<2000x256xf32>
    %slice3A = vector.extract_strided_slice %mul3A_41 {offsets = [0, 0], sizes = [2000, 128], strides = [1, 1]} : vector<2000x256xf32> to vector<2000x128xf32>
    %swap3A_42 = arith.constant 0 : index
    %swap3A_43 = arith.constant 0 : index
    %swap3A_44 = arith.constant 0 : index
    %swap3A_45 = vector.load %arg7[%swap3A_42, %swap3A_43, %swap3A_44] : memref<2x2000x128xf32, #tpu.memory_space<vmem>>, vector<1x2000x128xf32>
    %swap3A_46 = vector.shape_cast %swap3A_45 : vector<1x2000x128xf32> to vector<2000x128xf32>
    %swap3A_47 = vector.shape_cast %slice3A : vector<2000x128xf32> to vector<1x2000x128xf32>
    tpu.vector_store %arg7[%swap3A_42, %swap3A_43, %swap3A_44], %swap3A_47 {strides = array<i32>} : memref<2x2000x128xf32, #tpu.memory_space<vmem>>, vector<1x2000x128xf32>,
    %slice3A_48 = vector.extract_strided_slice %mul3A_41 {offsets = [0, 128], sizes = [2000, 128], strides = [1, 1]} : vector<2000x256xf32> to vector<2000x128xf32>
    %swap3A_49 = arith.constant 1 : index
    %swap3A_50 = arith.constant 0 : index
    %swap3A_51 = arith.constant 0 : index
    %swap3A_52 = vector.load %arg7[%swap3A_49, %swap3A_50, %swap3A_51] : memref<2x2000x128xf32, #tpu.memory_space<vmem>>, vector<1x2000x128xf32>
    %swap3A_53 = vector.shape_cast %swap3A_52 : vector<1x2000x128xf32> to vector<2000x128xf32>
    %swap3A_54 = vector.shape_cast %slice3A_48 : vector<2000x128xf32> to vector<1x2000x128xf32>
    tpu.vector_store %arg7[%swap3A_49, %swap3A_50, %swap3A_51], %swap3A_54 {strides = array<i32>} : memref<2x2000x128xf32, #tpu.memory_space<vmem>>, vector<1x2000x128xf32>,
    return
  }
  func.func @transform_0(%arg0: i32) -> (i32, i32) {
    %c0_i32 = arith.constant 0 : i32
    %c0_i32_0 = arith.constant 0 : i32
    return %arg0, %c0_i32 : i32, i32
  }
  func.func @transform_1(%arg0: i32) -> (i32, i32) {
    %c0_i32 = arith.constant 0 : i32
    %c0_i32_0 = arith.constant 0 : i32
    %c0_i32_1 = arith.constant 0 : i32
    return %c0_i32, %c0_i32_0 : i32, i32
  }
  func.func @transform_2(%arg0: i32) -> (i32, i32) {
    %c0_i32 = arith.constant 0 : i32
    %c0_i32_0 = arith.constant 0 : i32
    %c0_i32_1 = arith.constant 0 : i32
    return %c0_i32, %c0_i32_0 : i32, i32
  }
  func.func @transform_3(%arg0: i32) -> (i32, i32) {
    %c0_i32 = arith.constant 0 : i32
    %c0_i32_0 = arith.constant 0 : i32
    %c0_i32_1 = arith.constant 0 : i32
    return %c0_i32, %c0_i32_0 : i32, i32
  }
  func.func @transform_4(%arg0: i32) -> (i32, i32) {
    %c0_i32 = arith.constant 0 : i32
    %c0_i32_0 = arith.constant 0 : i32
    %c0_i32_1 = arith.constant 0 : i32
    return %c0_i32, %c0_i32_0 : i32, i32
  }
  func.func @transform_5(%arg0: i32) -> (i32, i32) {
    %c0_i32 = arith.constant 0 : i32
    %c0_i32_0 = arith.constant 0 : i32
    return %arg0, %c0_i32 : i32, i32
  }
  func.func @transform_6(%arg0: i32) -> (i32, i32, i32) {
    %c0_i32 = arith.constant 0 : i32
    %c0_i32_0 = arith.constant 0 : i32
    %c0_i32_1 = arith.constant 0 : i32
    return %c0_i32, %arg0, %c0_i32_0 : i32, i32, i32
  }
}

module attributes {stable_mosaic.version = 14 : i64} {
  func.func @_upd_last_body(%arg0: i32, %arg1: memref<2000x256xf32, #tpu.memory_space<vmem>>, %arg2: memref<2x2000x128xf32, #tpu.memory_space<vmem>>, %arg3: memref<2x2000x16xf32, #tpu.memory_space<vmem>>, %arg4: memref<256x256xf32, #tpu.memory_space<vmem>>, %arg5: memref<128x256xf32, #tpu.memory_space<vmem>>, %arg6: memref<128x256xf32, #tpu.memory_space<vmem>>, %arg7: memref<1x256xf32, #tpu.memory_space<vmem>>, %arg8: memref<2000x256xf32, #tpu.memory_space<vmem>>) attributes {dimension_semantics = [#tpu.dimension_semantics<arbitrary>], iteration_bounds = array<i64: 5>, scalar_prefetch = 0 : i64, scratch_operands = 0 : i64, tpu.core_type = #tpu.core_type<tc>, window_params = [{transform_indices = @transform_0, window_bounds = array<i64: 2000, 256>}, {transform_indices = @transform_1, window_bounds = array<i64: 2, 2000, 128>}, {transform_indices = @transform_2, window_bounds = array<i64: 2, 2000, 16>}, {pipeline_mode = #tpu.pipeline_mode<synchronous>, transform_indices = @transform_3, window_bounds = array<i64: 256, 256>}, {pipeline_mode = #tpu.pipeline_mode<synchronous>, transform_indices = @transform_4, window_bounds = array<i64: 128, 256>}, {pipeline_mode = #tpu.pipeline_mode<synchronous>, transform_indices = @transform_5, window_bounds = array<i64: 128, 256>}, {pipeline_mode = #tpu.pipeline_mode<synchronous>, transform_indices = @transform_6, window_bounds = array<i64: 1, 256>}, {transform_indices = @transform_7, window_bounds = array<i64: 2000, 256>}]} {
    %get3A = arith.constant 0 : index
    %get3A_0 = arith.constant 0 : index
    %get3A_1 = arith.constant 0 : index
    %get3A_2 = vector.load %arg3[%get3A, %get3A_0, %get3A_1] : memref<2x2000x16xf32, #tpu.memory_space<vmem>>, vector<1x2000x1xf32>
    %get3A_3 = vector.shape_cast %get3A_2 : vector<1x2000x1xf32> to vector<2000x1xf32>
    %get3A_4 = arith.constant 1 : index
    %get3A_5 = arith.constant 0 : index
    %get3A_6 = arith.constant 0 : index
    %get3A_7 = vector.load %arg3[%get3A_4, %get3A_5, %get3A_6] : memref<2x2000x16xf32, #tpu.memory_space<vmem>>, vector<1x2000x1xf32>
    %get3A_8 = vector.shape_cast %get3A_7 : vector<1x2000x1xf32> to vector<2000x1xf32>
    %add3A = arith.addf %get3A_3, %get3A_8 : vector<2000x1xf32>
    %max3A = arith.constant 1.000000e+00 : f32
    %max3A_9 = vector.broadcast %max3A : f32 to vector<2000x1xf32>
    %max3A_10 = arith.maximumf %add3A, %max3A_9 : vector<2000x1xf32>
    %div3A = arith.constant 1.000000e+00 : f32
    %div3A_11 = vector.broadcast %div3A : f32 to vector<2000x1xf32>
    %div3A_12 = arith.divf %div3A_11, %max3A_10 : vector<2000x1xf32>
    %get3A_13 = arith.constant 0 : index
    %get3A_14 = arith.constant 0 : index
    %get3A_15 = arith.constant 0 : index
    %get3A_16 = vector.load %arg2[%get3A_13, %get3A_14, %get3A_15] : memref<2x2000x128xf32, #tpu.memory_space<vmem>>, vector<1x2000x128xf32>
    %get3A_17 = vector.shape_cast %get3A_16 : vector<1x2000x128xf32> to vector<2000x128xf32>
    %get3A_18 = arith.constant 0 : index
    %get3A_19 = arith.constant 0 : index
    %get3A_20 = vector.load %arg5[%get3A_18, %get3A_19] : memref<128x256xf32, #tpu.memory_space<vmem>>, vector<128x256xf32>
    %dot_general3A = arith.constant dense<0.000000e+00> : vector<2000x256xf32>
    %dot_general3A_21 = tpu.matmul %get3A_17, %get3A_20, %dot_general3A {dimension_numbers = #tpu.dot_dimension_numbers<[1], [0], [0], [1], [0, 0, 1, 1], [], []>, transpose_lhs_hint = false} : vector<2000x128xf32>, vector<128x256xf32>, vector<2000x256xf32> -> vector<2000x256xf32>
    %get3A_22 = arith.constant 1 : index
    %get3A_23 = arith.constant 0 : index
    %get3A_24 = arith.constant 0 : index
    %get3A_25 = vector.load %arg2[%get3A_22, %get3A_23, %get3A_24] : memref<2x2000x128xf32, #tpu.memory_space<vmem>>, vector<1x2000x128xf32>
    %get3A_26 = vector.shape_cast %get3A_25 : vector<1x2000x128xf32> to vector<2000x128xf32>
    %get3A_27 = arith.constant 0 : index
    %get3A_28 = arith.constant 0 : index
    %get3A_29 = vector.load %arg6[%get3A_27, %get3A_28] : memref<128x256xf32, #tpu.memory_space<vmem>>, vector<128x256xf32>
    %dot_general3A_30 = arith.constant dense<0.000000e+00> : vector<2000x256xf32>
    %dot_general3A_31 = tpu.matmul %get3A_26, %get3A_29, %dot_general3A_30 {dimension_numbers = #tpu.dot_dimension_numbers<[1], [0], [0], [1], [0, 0, 1, 1], [], []>, transpose_lhs_hint = false} : vector<2000x128xf32>, vector<128x256xf32>, vector<2000x256xf32> -> vector<2000x256xf32>
    %add3A_32 = arith.addf %dot_general3A_21, %dot_general3A_31 : vector<2000x256xf32>
    %get3A_33 = arith.constant 0 : index
    %get3A_34 = arith.constant 0 : index
    %get3A_35 = vector.load %arg1[%get3A_33, %get3A_34] : memref<2000x256xf32, #tpu.memory_space<vmem>>, vector<2000x256xf32>
    %get3A_36 = arith.constant 0 : index
    %get3A_37 = arith.constant 0 : index
    %get3A_38 = vector.load %arg4[%get3A_36, %get3A_37] : memref<256x256xf32, #tpu.memory_space<vmem>>, vector<256x256xf32>
    %dot_general3A_39 = arith.constant dense<0.000000e+00> : vector<2000x256xf32>
    %dot_general3A_40 = tpu.matmul %get3A_35, %get3A_38, %dot_general3A_39 {dimension_numbers = #tpu.dot_dimension_numbers<[1], [0], [0], [1], [0, 0, 1, 1], [], []>, transpose_lhs_hint = false} : vector<2000x256xf32>, vector<256x256xf32>, vector<2000x256xf32> -> vector<2000x256xf32>
    %mul3A = vector.broadcast %div3A_12 : vector<2000x1xf32> to vector<2000x256xf32>
    %mul3A_41 = arith.mulf %mul3A, %add3A_32 : vector<2000x256xf32>
    %add3A_42 = arith.addf %dot_general3A_40, %mul3A_41 : vector<2000x256xf32>
    %get3A_43 = arith.constant 0 : index
    %get3A_44 = arith.constant 0 : index
    %get3A_45 = vector.load %arg7[%get3A_43, %get3A_44] : memref<1x256xf32, #tpu.memory_space<vmem>>, vector<1x256xf32>
    %add3A_46 = vector.broadcast %get3A_45 : vector<1x256xf32> to vector<2000x256xf32>
    %add3A_47 = arith.addf %add3A_42, %add3A_46 : vector<2000x256xf32>
    %mul3A_48 = arith.constant 5.000000e-01 : f32
    %mul3A_49 = vector.broadcast %mul3A_48 : f32 to vector<2000x256xf32>
    %mul3A_50 = arith.mulf %mul3A_49, %add3A_47 : vector<2000x256xf32>
    %mul3A_51 = arith.constant 0.707106769 : f32
    %mul3A_52 = vector.broadcast %mul3A_51 : f32 to vector<2000x256xf32>
    %mul3A_53 = arith.mulf %add3A_47, %mul3A_52 : vector<2000x256xf32>
    %erf3A = math.erf %mul3A_53 : vector<2000x256xf32>
    %add3A_54 = arith.constant 1.000000e+00 : f32
    %add3A_55 = vector.broadcast %add3A_54 : f32 to vector<2000x256xf32>
    %add3A_56 = arith.addf %add3A_55, %erf3A : vector<2000x256xf32>
    %mul3A_57 = arith.mulf %mul3A_50, %add3A_56 : vector<2000x256xf32>
    %swap3A = arith.constant 0 : index
    %swap3A_58 = arith.constant 0 : index
    %swap3A_59 = vector.load %arg8[%swap3A, %swap3A_58] : memref<2000x256xf32, #tpu.memory_space<vmem>>, vector<2000x256xf32>
    tpu.vector_store %arg8[%swap3A, %swap3A_58], %mul3A_57 {strides = array<i32>} : memref<2000x256xf32, #tpu.memory_space<vmem>>, vector<2000x256xf32>,
    return
  }
  func.func @transform_0(%arg0: i32) -> (i32, i32) {
    %c0_i32 = arith.constant 0 : i32
    %c0_i32_0 = arith.constant 0 : i32
    return %arg0, %c0_i32 : i32, i32
  }
  func.func @transform_1(%arg0: i32) -> (i32, i32, i32) {
    %c0_i32 = arith.constant 0 : i32
    %c0_i32_0 = arith.constant 0 : i32
    %c0_i32_1 = arith.constant 0 : i32
    return %c0_i32, %arg0, %c0_i32_0 : i32, i32, i32
  }
  func.func @transform_2(%arg0: i32) -> (i32, i32, i32) {
    %c0_i32 = arith.constant 0 : i32
    %c0_i32_0 = arith.constant 0 : i32
    %c0_i32_1 = arith.constant 0 : i32
    return %c0_i32, %arg0, %c0_i32_0 : i32, i32, i32
  }
  func.func @transform_3(%arg0: i32) -> (i32, i32) {
    %c0_i32 = arith.constant 0 : i32
    %c0_i32_0 = arith.constant 0 : i32
    %c0_i32_1 = arith.constant 0 : i32
    return %c0_i32, %c0_i32_0 : i32, i32
  }
  func.func @transform_4(%arg0: i32) -> (i32, i32) {
    %c0_i32 = arith.constant 0 : i32
    %c0_i32_0 = arith.constant 0 : i32
    %c0_i32_1 = arith.constant 0 : i32
    return %c0_i32, %c0_i32_0 : i32, i32
  }
  func.func @transform_5(%arg0: i32) -> (i32, i32) {
    %c0_i32 = arith.constant 0 : i32
    %c0_i32_0 = arith.constant 0 : i32
    %c0_i32_1 = arith.constant 0 : i32
    return %c0_i32, %c0_i32_0 : i32, i32
  }
  func.func @transform_6(%arg0: i32) -> (i32, i32) {
    %c0_i32 = arith.constant 0 : i32
    %c0_i32_0 = arith.constant 0 : i32
    %c0_i32_1 = arith.constant 0 : i32
    return %c0_i32, %c0_i32_0 : i32, i32
  }
  func.func @transform_7(%arg0: i32) -> (i32, i32) {
    %c0_i32 = arith.constant 0 : i32
    %c0_i32_0 = arith.constant 0 : i32
    return %arg0, %c0_i32 : i32, i32
  }
}

module attributes {stable_mosaic.version = 14 : i64} {
  func.func @_upd_body(%arg0: i32, %arg1: memref<2000x256xf32, #tpu.memory_space<vmem>>, %arg2: memref<2x2000x128xf32, #tpu.memory_space<vmem>>, %arg3: memref<2x2000x16xf32, #tpu.memory_space<vmem>>, %arg4: memref<256x256xf32, #tpu.memory_space<vmem>>, %arg5: memref<128x256xf32, #tpu.memory_space<vmem>>, %arg6: memref<128x256xf32, #tpu.memory_space<vmem>>, %arg7: memref<1x256xf32, #tpu.memory_space<vmem>>, %arg8: memref<256x256xf32, #tpu.memory_space<vmem>>, %arg9: memref<1x256xf32, #tpu.memory_space<vmem>>, %arg10: memref<2000x256xf32, #tpu.memory_space<vmem>>, %arg11: memref<2x2000x128xf32, #tpu.memory_space<vmem>>) attributes {dimension_semantics = [#tpu.dimension_semantics<arbitrary>], iteration_bounds = array<i64: 5>, scalar_prefetch = 0 : i64, scratch_operands = 0 : i64, tpu.core_type = #tpu.core_type<tc>, window_params = [{transform_indices = @transform_0, window_bounds = array<i64: 2000, 256>}, {transform_indices = @transform_1, window_bounds = array<i64: 2, 2000, 128>}, {transform_indices = @transform_2, window_bounds = array<i64: 2, 2000, 16>}, {pipeline_mode = #tpu.pipeline_mode<synchronous>, transform_indices = @transform_3, window_bounds = array<i64: 256, 256>}, {pipeline_mode = #tpu.pipeline_mode<synchronous>, transform_indices = @transform_4, window_bounds = array<i64: 128, 256>}, {pipeline_mode = #tpu.pipeline_mode<synchronous>, transform_indices = @transform_5, window_bounds = array<i64: 128, 256>}, {pipeline_mode = #tpu.pipeline_mode<synchronous>, transform_indices = @transform_6, window_bounds = array<i64: 1, 256>}, {pipeline_mode = #tpu.pipeline_mode<synchronous>, transform_indices = @transform_7, window_bounds = array<i64: 256, 256>}, {pipeline_mode = #tpu.pipeline_mode<synchronous>, transform_indices = @transform_8, window_bounds = array<i64: 1, 256>}, {transform_indices = @transform_9, window_bounds = array<i64: 2000, 256>}, {transform_indices = @transform_10, window_bounds = array<i64: 2, 2000, 128>}]} {
    %get3A = arith.constant 0 : index
    %get3A_0 = arith.constant 0 : index
    %get3A_1 = arith.constant 0 : index
    %get3A_2 = vector.load %arg3[%get3A, %get3A_0, %get3A_1] : memref<2x2000x16xf32, #tpu.memory_space<vmem>>, vector<1x2000x1xf32>
    %get3A_3 = vector.shape_cast %get3A_2 : vector<1x2000x1xf32> to vector<2000x1xf32>
    %get3A_4 = arith.constant 1 : index
    %get3A_5 = arith.constant 0 : index
    %get3A_6 = arith.constant 0 : index
    %get3A_7 = vector.load %arg3[%get3A_4, %get3A_5, %get3A_6] : memref<2x2000x16xf32, #tpu.memory_space<vmem>>, vector<1x2000x1xf32>
    %get3A_8 = vector.shape_cast %get3A_7 : vector<1x2000x1xf32> to vector<2000x1xf32>
    %add3A = arith.addf %get3A_3, %get3A_8 : vector<2000x1xf32>
    %max3A = arith.constant 1.000000e+00 : f32
    %max3A_9 = vector.broadcast %max3A : f32 to vector<2000x1xf32>
    %max3A_10 = arith.maximumf %add3A, %max3A_9 : vector<2000x1xf32>
    %div3A = arith.constant 1.000000e+00 : f32
    %div3A_11 = vector.broadcast %div3A : f32 to vector<2000x1xf32>
    %div3A_12 = arith.divf %div3A_11, %max3A_10 : vector<2000x1xf32>
    %get3A_13 = arith.constant 0 : index
    %get3A_14 = arith.constant 0 : index
    %get3A_15 = arith.constant 0 : index
    %get3A_16 = vector.load %arg2[%get3A_13, %get3A_14, %get3A_15] : memref<2x2000x128xf32, #tpu.memory_space<vmem>>, vector<1x2000x128xf32>
    %get3A_17 = vector.shape_cast %get3A_16 : vector<1x2000x128xf32> to vector<2000x128xf32>
    %get3A_18 = arith.constant 0 : index
    %get3A_19 = arith.constant 0 : index
    %get3A_20 = vector.load %arg5[%get3A_18, %get3A_19] : memref<128x256xf32, #tpu.memory_space<vmem>>, vector<128x256xf32>
    %dot_general3A = arith.constant dense<0.000000e+00> : vector<2000x256xf32>
    %dot_general3A_21 = tpu.matmul %get3A_17, %get3A_20, %dot_general3A {dimension_numbers = #tpu.dot_dimension_numbers<[1], [0], [0], [1], [0, 0, 1, 1], [], []>, transpose_lhs_hint = false} : vector<2000x128xf32>, vector<128x256xf32>, vector<2000x256xf32> -> vector<2000x256xf32>
    %get3A_22 = arith.constant 1 : index
    %get3A_23 = arith.constant 0 : index
    %get3A_24 = arith.constant 0 : index
    %get3A_25 = vector.load %arg2[%get3A_22, %get3A_23, %get3A_24] : memref<2x2000x128xf32, #tpu.memory_space<vmem>>, vector<1x2000x128xf32>
    %get3A_26 = vector.shape_cast %get3A_25 : vector<1x2000x128xf32> to vector<2000x128xf32>
    %get3A_27 = arith.constant 0 : index
    %get3A_28 = arith.constant 0 : index
    %get3A_29 = vector.load %arg6[%get3A_27, %get3A_28] : memref<128x256xf32, #tpu.memory_space<vmem>>, vector<128x256xf32>
    %dot_general3A_30 = arith.constant dense<0.000000e+00> : vector<2000x256xf32>
    %dot_general3A_31 = tpu.matmul %get3A_26, %get3A_29, %dot_general3A_30 {dimension_numbers = #tpu.dot_dimension_numbers<[1], [0], [0], [1], [0, 0, 1, 1], [], []>, transpose_lhs_hint = false} : vector<2000x128xf32>, vector<128x256xf32>, vector<2000x256xf32> -> vector<2000x256xf32>
    %add3A_32 = arith.addf %dot_general3A_21, %dot_general3A_31 : vector<2000x256xf32>
    %get3A_33 = arith.constant 0 : index
    %get3A_34 = arith.constant 0 : index
    %get3A_35 = vector.load %arg1[%get3A_33, %get3A_34] : memref<2000x256xf32, #tpu.memory_space<vmem>>, vector<2000x256xf32>
    %get3A_36 = arith.constant 0 : index
    %get3A_37 = arith.constant 0 : index
    %get3A_38 = vector.load %arg4[%get3A_36, %get3A_37] : memref<256x256xf32, #tpu.memory_space<vmem>>, vector<256x256xf32>
    %dot_general3A_39 = arith.constant dense<0.000000e+00> : vector<2000x256xf32>
    %dot_general3A_40 = tpu.matmul %get3A_35, %get3A_38, %dot_general3A_39 {dimension_numbers = #tpu.dot_dimension_numbers<[1], [0], [0], [1], [0, 0, 1, 1], [], []>, transpose_lhs_hint = false} : vector<2000x256xf32>, vector<256x256xf32>, vector<2000x256xf32> -> vector<2000x256xf32>
    %mul3A = vector.broadcast %div3A_12 : vector<2000x1xf32> to vector<2000x256xf32>
    %mul3A_41 = arith.mulf %mul3A, %add3A_32 : vector<2000x256xf32>
    %add3A_42 = arith.addf %dot_general3A_40, %mul3A_41 : vector<2000x256xf32>
    %get3A_43 = arith.constant 0 : index
    %get3A_44 = arith.constant 0 : index
    %get3A_45 = vector.load %arg7[%get3A_43, %get3A_44] : memref<1x256xf32, #tpu.memory_space<vmem>>, vector<1x256xf32>
    %add3A_46 = vector.broadcast %get3A_45 : vector<1x256xf32> to vector<2000x256xf32>
    %add3A_47 = arith.addf %add3A_42, %add3A_46 : vector<2000x256xf32>
    %mul3A_48 = arith.constant 5.000000e-01 : f32
    %mul3A_49 = vector.broadcast %mul3A_48 : f32 to vector<2000x256xf32>
    %mul3A_50 = arith.mulf %mul3A_49, %add3A_47 : vector<2000x256xf32>
    %mul3A_51 = arith.constant 0.707106769 : f32
    %mul3A_52 = vector.broadcast %mul3A_51 : f32 to vector<2000x256xf32>
    %mul3A_53 = arith.mulf %add3A_47, %mul3A_52 : vector<2000x256xf32>
    %erf3A = math.erf %mul3A_53 : vector<2000x256xf32>
    %add3A_54 = arith.constant 1.000000e+00 : f32
    %add3A_55 = vector.broadcast %add3A_54 : f32 to vector<2000x256xf32>
    %add3A_56 = arith.addf %add3A_55, %erf3A : vector<2000x256xf32>
    %mul3A_57 = arith.mulf %mul3A_50, %add3A_56 : vector<2000x256xf32>
    %swap3A = arith.constant 0 : index
    %swap3A_58 = arith.constant 0 : index
    %swap3A_59 = vector.load %arg10[%swap3A, %swap3A_58] : memref<2000x256xf32, #tpu.memory_space<vmem>>, vector<2000x256xf32>
    tpu.vector_store %arg10[%swap3A, %swap3A_58], %mul3A_57 {strides = array<i32>} : memref<2000x256xf32, #tpu.memory_space<vmem>>, vector<2000x256xf32>,
    %get3A_60 = arith.constant 0 : index
    %get3A_61 = arith.constant 0 : index
    %get3A_62 = vector.load %arg8[%get3A_60, %get3A_61] : memref<256x256xf32, #tpu.memory_space<vmem>>, vector<256x256xf32>
    %dot_general3A_63 = arith.constant dense<0.000000e+00> : vector<2000x256xf32>
    %dot_general3A_64 = tpu.matmul %mul3A_57, %get3A_62, %dot_general3A_63 {dimension_numbers = #tpu.dot_dimension_numbers<[1], [0], [0], [1], [0, 0, 1, 1], [], []>, transpose_lhs_hint = false} : vector<2000x256xf32>, vector<256x256xf32>, vector<2000x256xf32> -> vector<2000x256xf32>
    %get3A_65 = arith.constant 0 : index
    %get3A_66 = arith.constant 0 : index
    %get3A_67 = vector.load %arg9[%get3A_65, %get3A_66] : memref<1x256xf32, #tpu.memory_space<vmem>>, vector<1x256xf32>
    %add3A_68 = vector.broadcast %get3A_67 : vector<1x256xf32> to vector<2000x256xf32>
    %add3A_69 = arith.addf %dot_general3A_64, %add3A_68 : vector<2000x256xf32>
    %mul3A_70 = arith.constant 5.000000e-01 : f32
    %mul3A_71 = vector.broadcast %mul3A_70 : f32 to vector<2000x256xf32>
    %mul3A_72 = arith.mulf %mul3A_71, %add3A_69 : vector<2000x256xf32>
    %mul3A_73 = arith.constant 0.707106769 : f32
    %mul3A_74 = vector.broadcast %mul3A_73 : f32 to vector<2000x256xf32>
    %mul3A_75 = arith.mulf %add3A_69, %mul3A_74 : vector<2000x256xf32>
    %erf3A_76 = math.erf %mul3A_75 : vector<2000x256xf32>
    %add3A_77 = arith.constant 1.000000e+00 : f32
    %add3A_78 = vector.broadcast %add3A_77 : f32 to vector<2000x256xf32>
    %add3A_79 = arith.addf %add3A_78, %erf3A_76 : vector<2000x256xf32>
    %mul3A_80 = arith.mulf %mul3A_72, %add3A_79 : vector<2000x256xf32>
    %slice3A = vector.extract_strided_slice %mul3A_80 {offsets = [0, 0], sizes = [2000, 128], strides = [1, 1]} : vector<2000x256xf32> to vector<2000x128xf32>
    %swap3A_81 = arith.constant 0 : index
    %swap3A_82 = arith.constant 0 : index
    %swap3A_83 = arith.constant 0 : index
    %swap3A_84 = vector.load %arg11[%swap3A_81, %swap3A_82, %swap3A_83] : memref<2x2000x128xf32, #tpu.memory_space<vmem>>, vector<1x2000x128xf32>
    %swap3A_85 = vector.shape_cast %swap3A_84 : vector<1x2000x128xf32> to vector<2000x128xf32>
    %swap3A_86 = vector.shape_cast %slice3A : vector<2000x128xf32> to vector<1x2000x128xf32>
    tpu.vector_store %arg11[%swap3A_81, %swap3A_82, %swap3A_83], %swap3A_86 {strides = array<i32>} : memref<2x2000x128xf32, #tpu.memory_space<vmem>>, vector<1x2000x128xf32>,
    %slice3A_87 = vector.extract_strided_slice %mul3A_80 {offsets = [0, 128], sizes = [2000, 128], strides = [1, 1]} : vector<2000x256xf32> to vector<2000x128xf32>
    %swap3A_88 = arith.constant 1 : index
    %swap3A_89 = arith.constant 0 : index
    %swap3A_90 = arith.constant 0 : index
    %swap3A_91 = vector.load %arg11[%swap3A_88, %swap3A_89, %swap3A_90] : memref<2x2000x128xf32, #tpu.memory_space<vmem>>, vector<1x2000x128xf32>
    %swap3A_92 = vector.shape_cast %swap3A_91 : vector<1x2000x128xf32> to vector<2000x128xf32>
    %swap3A_93 = vector.shape_cast %slice3A_87 : vector<2000x128xf32> to vector<1x2000x128xf32>
    tpu.vector_store %arg11[%swap3A_88, %swap3A_89, %swap3A_90], %swap3A_93 {strides = array<i32>} : memref<2x2000x128xf32, #tpu.memory_space<vmem>>, vector<1x2000x128xf32>,
    return
  }
  func.func @transform_0(%arg0: i32) -> (i32, i32) {
    %c0_i32 = arith.constant 0 : i32
    %c0_i32_0 = arith.constant 0 : i32
    return %arg0, %c0_i32 : i32, i32
  }
  func.func @transform_1(%arg0: i32) -> (i32, i32, i32) {
    %c0_i32 = arith.constant 0 : i32
    %c0_i32_0 = arith.constant 0 : i32
    %c0_i32_1 = arith.constant 0 : i32
    return %c0_i32, %arg0, %c0_i32_0 : i32, i32, i32
  }
  func.func @transform_2(%arg0: i32) -> (i32, i32, i32) {
    %c0_i32 = arith.constant 0 : i32
    %c0_i32_0 = arith.constant 0 : i32
    %c0_i32_1 = arith.constant 0 : i32
    return %c0_i32, %arg0, %c0_i32_0 : i32, i32, i32
  }
  func.func @transform_3(%arg0: i32) -> (i32, i32) {
    %c0_i32 = arith.constant 0 : i32
    %c0_i32_0 = arith.constant 0 : i32
    %c0_i32_1 = arith.constant 0 : i32
    return %c0_i32, %c0_i32_0 : i32, i32
  }
  func.func @transform_4(%arg0: i32) -> (i32, i32) {
    %c0_i32 = arith.constant 0 : i32
    %c0_i32_0 = arith.constant 0 : i32
    %c0_i32_1 = arith.constant 0 : i32
    return %c0_i32, %c0_i32_0 : i32, i32
  }
  func.func @transform_5(%arg0: i32) -> (i32, i32) {
    %c0_i32 = arith.constant 0 : i32
    %c0_i32_0 = arith.constant 0 : i32
    %c0_i32_1 = arith.constant 0 : i32
    return %c0_i32, %c0_i32_0 : i32, i32
  }
  func.func @transform_6(%arg0: i32) -> (i32, i32) {
    %c0_i32 = arith.constant 0 : i32
    %c0_i32_0 = arith.constant 0 : i32
    %c0_i32_1 = arith.constant 0 : i32
    return %c0_i32, %c0_i32_0 : i32, i32
  }
  func.func @transform_7(%arg0: i32) -> (i32, i32) {
    %c0_i32 = arith.constant 0 : i32
    %c0_i32_0 = arith.constant 0 : i32
    %c0_i32_1 = arith.constant 0 : i32
    return %c0_i32, %c0_i32_0 : i32, i32
  }
  func.func @transform_8(%arg0: i32) -> (i32, i32) {
    %c0_i32 = arith.constant 0 : i32
    %c0_i32_0 = arith.constant 0 : i32
    %c0_i32_1 = arith.constant 0 : i32
    return %c0_i32, %c0_i32_0 : i32, i32
  }
  func.func @transform_9(%arg0: i32) -> (i32, i32) {
    %c0_i32 = arith.constant 0 : i32
    %c0_i32_0 = arith.constant 0 : i32
    return %arg0, %c0_i32 : i32, i32
  }
  func.func @transform_10(%arg0: i32) -> (i32, i32, i32) {
    %c0_i32 = arith.constant 0 : i32
    %c0_i32_0 = arith.constant 0 : i32
    %c0_i32_1 = arith.constant 0 : i32
    return %c0_i32, %arg0, %c0_i32_0 : i32, i32, i32
  }
}

module attributes {stable_mosaic.version = 14 : i64} {
  func.func @_head_body(%arg0: memref<2048x256xf32, #tpu.memory_space<vmem>>, %arg1: memref<256x256xf32, #tpu.memory_space<vmem>>, %arg2: memref<1x256xf32, #tpu.memory_space<vmem>>, %arg3: memref<256x7xf32, #tpu.memory_space<vmem>>, %arg4: memref<1x7xf32, #tpu.memory_space<vmem>>, %arg5: memref<2048x7xf32, #tpu.memory_space<vmem>>) attributes {dimension_semantics = [], scalar_prefetch = 0 : i64, scratch_operands = 0 : i64, tpu.core_type = #tpu.core_type<tc>} {
    %get3A = arith.constant 0 : index
    %get3A_0 = arith.constant 0 : index
    %get3A_1 = vector.load %arg0[%get3A, %get3A_0] : memref<2048x256xf32, #tpu.memory_space<vmem>>, vector<2048x256xf32>
    %get3A_2 = arith.constant 0 : index
    %get3A_3 = arith.constant 0 : index
    %get3A_4 = vector.load %arg1[%get3A_2, %get3A_3] : memref<256x256xf32, #tpu.memory_space<vmem>>, vector<256x256xf32>
    %dot_general3A = arith.constant dense<0.000000e+00> : vector<2048x256xf32>
    %dot_general3A_5 = tpu.matmul %get3A_1, %get3A_4, %dot_general3A {dimension_numbers = #tpu.dot_dimension_numbers<[1], [0], [0], [1], [0, 0, 1, 1], [], []>, transpose_lhs_hint = false} : vector<2048x256xf32>, vector<256x256xf32>, vector<2048x256xf32> -> vector<2048x256xf32>
    %get3A_6 = arith.constant 0 : index
    %get3A_7 = arith.constant 0 : index
    %get3A_8 = vector.load %arg2[%get3A_6, %get3A_7] : memref<1x256xf32, #tpu.memory_space<vmem>>, vector<1x256xf32>
    %add3A = vector.broadcast %get3A_8 : vector<1x256xf32> to vector<2048x256xf32>
    %add3A_9 = arith.addf %dot_general3A_5, %add3A : vector<2048x256xf32>
    %mul3A = arith.constant 5.000000e-01 : f32
    %mul3A_10 = vector.broadcast %mul3A : f32 to vector<2048x256xf32>
    %mul3A_11 = arith.mulf %mul3A_10, %add3A_9 : vector<2048x256xf32>
    %mul3A_12 = arith.constant 0.707106769 : f32
    %mul3A_13 = vector.broadcast %mul3A_12 : f32 to vector<2048x256xf32>
    %mul3A_14 = arith.mulf %add3A_9, %mul3A_13 : vector<2048x256xf32>
    %erf3A = math.erf %mul3A_14 : vector<2048x256xf32>
    %add3A_15 = arith.constant 1.000000e+00 : f32
    %add3A_16 = vector.broadcast %add3A_15 : f32 to vector<2048x256xf32>
    %add3A_17 = arith.addf %add3A_16, %erf3A : vector<2048x256xf32>
    %mul3A_18 = arith.mulf %mul3A_11, %add3A_17 : vector<2048x256xf32>
    %get3A_19 = arith.constant 0 : index
    %get3A_20 = arith.constant 0 : index
    %get3A_21 = vector.load %arg3[%get3A_19, %get3A_20] : memref<256x7xf32, #tpu.memory_space<vmem>>, vector<256x7xf32>
    %dot_general3A_22 = arith.constant dense<0.000000e+00> : vector<2048x7xf32>
    %dot_general3A_23 = tpu.matmul %mul3A_18, %get3A_21, %dot_general3A_22 {dimension_numbers = #tpu.dot_dimension_numbers<[1], [0], [0], [1], [0, 0, 1, 1], [], []>, transpose_lhs_hint = false} : vector<2048x256xf32>, vector<256x7xf32>, vector<2048x7xf32> -> vector<2048x7xf32>
    %get3A_24 = arith.constant 0 : index
    %get3A_25 = arith.constant 0 : index
    %get3A_26 = vector.load %arg4[%get3A_24, %get3A_25] : memref<1x7xf32, #tpu.memory_space<vmem>>, vector<1x7xf32>
    %add3A_27 = vector.broadcast %get3A_26 : vector<1x7xf32> to vector<2048x7xf32>
    %add3A_28 = arith.addf %dot_general3A_23, %add3A_27 : vector<2048x7xf32>
    %swap3A = arith.constant 0 : index
    %swap3A_29 = arith.constant 0 : index
    %swap3A_30 = vector.load %arg5[%swap3A, %swap3A_29] : memref<2048x7xf32, #tpu.memory_space<vmem>>, vector<2048x7xf32>
    tpu.vector_store %arg5[%swap3A, %swap3A_29], %add3A_28 {strides = array<i32>} : memref<2048x7xf32, #tpu.memory_space<vmem>>, vector<2048x7xf32>,
    return
  }
}

</mosaic_0001>

<sc_bundles>
// kernel: kernel.10.cloned.1.call-start
scs
__scs_entry_jumppad:
0x0: {  	(pc) =	sbr.rel $0x88, $3  }
0x1: {  	(tag) =	ssettag $0x0;
	lr =	simm.s32 $0x1  }
0x2: {  	[smem:$0x3F84] =	sst lr;
	_ =	strace $0xD0000000  }
0x3: {  	_ = 	snop  }
0x4: {  	_ = 	snop  }
0x5: {  	_ = 	snop  }
0x6: {  	_ = 	snop  }
0x7: {  	_ = 	snop  }
__scs_overlays_trampoline_lowered:
0x8: {  	[smem:$0x3F93] =	sst s0  }
0x9: {  	[smem:$0x3F94] =	sst s1  }
0xa: {  	[smem:$0x3F95] =	sst s2  }
0xb: {  	[smem:$0x3F96] =	sst s3  }
0xc: {  	[smem:$0x3F97] =	sst s4  }
0xd: {  	[smem:$0x3F98] =	sst s5  }
0xe: {  	[smem:$0x3F99] =	sst s6  }
0xf: {  	[smem:$0x3F9A] =	sst s7  }
0x10: {  	[smem:$0x3F9B] =	sst s8  }
0x11: {  	[smem:$0x3F9C] =	sst s9;
	s0 =	simm.s32 @!p0 $0x0  }
0x12: {  	s1 =	sld [smem:$0x3F82];
	s0 =	simm.s32 @p0 $0x1  }
0x13: {  	[smem:$0x3F9D] =	sst s0;
	s0 =	simm.s32 @!p1 $0x0  }
0x14: {  	s2 =	sld [smem:$0x3F81];
	s0 =	simm.s32 @p1 $0x1  }
0x15: {  	[smem:$0x3F9E] =	sst s0;
	s0 =	simm.s32 @!p2 $0x0  }
0x16: {  	s3 =	sld [smem:$0x3FDB];
	s0 =	simm.s32 @p2 $0x1  }
0x17: {  	s4 =	simm.s32 $0x1BF5;
	[smem:$0x3FA0] =	sst s0  }
0x18: {  	s0 =	sld [smem:$0x3F83];
	_ =	swait.ge [sflag:s4], $0x0  }
0x19: {  	s7 =	sld [smem:$0x3F84]  }
0x1a: {  	s8 =	sadd.s32 $0xFFFFE003, lr  }
0x1b: {  	s9 =	sadd.s32 $0xFFFFFEF7, lr;
	s5 =	simm.s32 $0xFFFFFFFF;
	p2 =	slt.u32 s8, $0xFFFFF086  }
0x1c: {  	p1 =	slt.u32 s9, $0xF7A;
	s5 =	simm.s32 @!p2 $0x0  }
0x1d: {  	s5 =	simm.s32 @p1 $0x1;
	p0 =	seq.s32 s7, s2  }
0x1e: {  	s7 =	smul.u32 @!p0 $0xF7A, s2;
	p2 =	seq.s32 @!p0 s5, $0x0  }
0x1f: {  	s9 =	smul.u32 $0xF7A, s1;
	s8 =	simm.s32 @!p0 $0x1BF5;
	p2 =	por !p2, p0  }
0x20: {  	[sflag:s8] =	ssyncset.s32 @!p0 $0xFFFFF086;
	s6 =	sadd.s32 @!p0 s3, s7;
	s7 =	simm.s32 @!p0 $0x108  }
0x21: {  	s3 =	sadd.s32 s3, s9;
	s6 =	sadd.s32 @!p0 $0x88, s6;
	s7 =	simm.s32 @p2 $0x1082  }
0x22: {  	[simem:s7], [sflag:s8] =	dma.local @!p0 [hbm:s6], $0xF7A  }
0x23: {  	s9 =	sor.u32 $0xD0000000, s2;
	s6 =	simm.s32 $0x108;
	_ =	swait.ge @!p0 [sflag:s8], $0x0  }
0x24: {  	s3 =	sadd.s32 $0x88, s3;
	s6 =	simm.s32 @!p1 $0x1082;
	[sflag:s4] =	ssyncset.s32 $0xFFFFF086  }
0x25: {  	[simem:s6], [sflag:s4] =	dma.local [hbm:s3], $0xF7A  }
0x26: {  	[smem:$0x3F84] =	sst s1;
	(tag) =	ssettag s2;
	_ =	strace s9  }
0x27: {  	s1 =	sld [smem:$0x3F94]  }
0x28: {  	s2 =	sld [smem:$0x3F95]  }
0x29: {  	s4 =	sld [smem:$0x3F97]  }
0x2a: {  	p0 =	seq.s32 s5, $0x0;
	s5 =	sld [smem:$0x3F98]  }
0x2b: {  	s6 =	sld [smem:$0x3F99]  }
0x2c: {  	s7 =	sld [smem:$0x3F9A]  }
0x2d: {  	s3 =	simm.s32 $0x108;
	s8 =	sld [smem:$0x3F9B]  }
0x2e: {  	s3 =	simm.s32 @!p0 $0x1082;
	s9 =	sld [smem:$0x3F9C]  }
0x2f: {  	lr =	sadd.s32 s0, s3;
	s0 =	sld [smem:$0x3F93]  }
0x30: {  	s3 =	sld [smem:$0x3F96]  }
0x31: {  	[smem:$0x3F9F] =	sst s10  }
0x32: {  	s10 =	sld [smem:$0x3F9D];
	_ =	sdelay $0x3  }
0x33: {  	p0 =	seq.s32 s10, $0x1;
	s10 =	sld [smem:$0x3F9F];
	_ =	sdelay $0x3  }
0x34: {  	[smem:$0x3F9F] =	sst s10  }
0x35: {  	s10 =	sld [smem:$0x3F9E];
	_ =	sdelay $0x3  }
0x36: {  	p1 =	seq.s32 s10, $0x1;
	s10 =	sld [smem:$0x3F9F];
	_ =	sdelay $0x3  }
0x37: {  	[smem:$0x3F9F] =	sst s10  }
0x38: {  	s10 =	sld [smem:$0x3FA0]  }
0x39: {  	_ = 	snop;
	(pc) =	sbr.ind lr, $3  }
0x3a: {  	_ = 	snop  }
0x3b: {  	_ = 	snop  }
0x3c: {  	p2 =	seq.s32 s10, $0x1;
	s10 =	sld [smem:$0x3F9F]  }
0x3d: {  	_ =	shalt  }
0x3e: {  	_ =	shalt  }
0x3f: {  	_ =	shalt  }
0x40: {  	_ =	shalt  }
0x41: {  	_ =	shalt  }
0x42: {  	_ =	shalt  }
0x43: {  	_ =	shalt  }
0x44: {  	_ =	shalt  }
0x45: {  	_ =	shalt  }
0x46: {  	_ =	shalt  }
0x47: {  	_ =	shalt  }
0x48: {  	_ =	shalt  }
0x49: {  	_ =	shalt  }
0x4a: {  	_ =	shalt  }
0x4b: {  	_ =	shalt  }
0x4c: {  	_ =	shalt  }
0x4d: {  	_ =	shalt  }
0x4e: {  	_ =	shalt  }
0x4f: {  	_ =	shalt  }
0x50: {  	_ =	shalt  }
0x51: {  	_ =	shalt  }
0x52: {  	_ =	shalt  }
0x53: {  	_ =	shalt  }
0x54: {  	_ =	shalt  }
0x55: {  	_ =	shalt  }
0x56: {  	_ =	shalt  }
0x57: {  	_ =	shalt  }
0x58: {  	_ =	shalt  }
0x59: {  	_ =	shalt  }
0x5a: {  	_ =	shalt  }
0x5b: {  	_ =	shalt  }
0x5c: {  	_ =	shalt  }
0x5d: {  	_ =	shalt  }
0x5e: {  	_ =	shalt  }
0x5f: {  	_ =	shalt  }
0x60: {  	_ =	shalt  }
0x61: {  	_ =	shalt  }
0x62: {  	_ =	shalt  }
0x63: {  	_ =	shalt  }
0x64: {  	_ =	shalt  }
0x65: {  	_ =	shalt  }
0x66: {  	_ =	shalt  }
0x67: {  	_ =	shalt  }
0x68: {  	_ =	shalt  }
0x69: {  	_ =	shalt  }
0x6a: {  	_ =	shalt  }
0x6b: {  	_ =	shalt  }
0x6c: {  	_ =	shalt  }
0x6d: {  	_ =	shalt  }
0x6e: {  	_ =	shalt  }
0x6f: {  	_ =	shalt  }
0x70: {  	_ =	shalt  }
0x71: {  	_ =	shalt  }
0x72: {  	_ =	shalt  }
0x73: {  	_ =	shalt  }
0x74: {  	_ =	shalt  }
0x75: {  	_ =	shalt  }
0x76: {  	_ =	shalt  }
0x77: {  	_ =	shalt  }
0x78: {  	_ =	shalt  }
0x79: {  	_ =	shalt  }
0x7a: {  	_ =	shalt  }
0x7b: {  	_ =	shalt  }
0x7c: {  	_ =	shalt  }
0x7d: {  	_ =	shalt  }
0x7e: {  	_ =	shalt  }
0x7f: {  	_ =	shalt  }
0x80: {  	_ =	shalt  }
0x81: {  	_ =	shalt  }
0x82: {  	_ =	shalt  }
0x83: {  	_ =	shalt  }
0x84: {  	_ =	shalt  }
0x85: {  	_ =	shalt  }
0x86: {  	_ =	shalt  }
0x87: {  	_ =	shalt  }
.Lfunc_end0:
.L_simem_size_0:
called_computation_lowered:
.L_overlay_start_0:
0x88: {  	s2 =	sld [smem:$0x3FD9]  }
0x89: {  	s3 =	sld [smem:$0x3FFE];
	_ =	sdelay $0x1  }
0x8a: {  	s1 =	srdreg.scid  }
0x8b: {  	s0 =	sand.u32 $0x1, s1  }
0x8c: {  	s17 =	sshll.u32 s0, $0xA;
	s2 =	sadd.s32 s3, s2  }
0x8d: {  	s2 =	sadd.s32 s2, s17  }
0x8e: {  	[smem:$0x3FAB] =	sst s2  }
0x8f: {  	_ = 	snop  }
0x90: {  	s18 =	sld [smem:$0x3FD0];
	(tm) =	ssettm $0x1  }
0x91: {  	s19 =	sld [smem:$0x3FFB];
	_ =	sdelay $0x3  }
0x92: {  	_ =	strace s19  }
0x93: {  	s2 =	sld [smem:$0x3FFC];
	_ =	sdelay $0x3  }
0x94: {  	_ =	strace s2  }
0x95: {  	s2 =	sld [smem:$0x3FFD];
	_ =	sdelay $0x3  }
0x96: {  	_ =	strace s2  }
0x97: {  	_ =	strace $0x8FFFFFFF  }
0x98: {  	s20 =	sld [smem:$0x3FDB];
	_ =	sdelay $0x1  }
0x99: {  	s4 =	simm.s32 $_scs_section_size  }
0x9a: {  	s5 =	simm.s32 $_size__tile_overlayer_lowered;
	s6 =	simm.s32 $_tile_overlayer_lowered  }
0x9b: {  	s7 =	simm.s32 $0x1BFF;
	s21 =	sshll.u32 s6, $0x1;
	s4 =	sadd.s32 s4, s20  }
0x9c: {  	s22 =	simm.s32 $0x0;
	s5 =	sshll.u32 s5, $0x1;
	s6 =	sadd.s32 s21, s4  }
0x9d: {  	[timem:s22], [sflag:s7] =	dma.local [hbm:s6], s5  }
0x9e: {  	_ =	swait.ge [sflag:s7], s5  }
0x9f: {  	s5 =	ssub.s32 $0x0, s5;
	[sflag:s7] =	ssyncset.done $0x0  }
0xa0: {  	[sflag:s7] =	ssyncadd.s32 s5;
	_ =	sdelay $0x1  }
0xa1: {  	s23 =	simm.s32 $0x1B8B  }
0xa2: {  	_ =	swait.ge [sflag:s23], $0x1  }
0xa3: {  	[sflag:s23] =	ssyncset.done $0x0  }
0xa4: {  	[sflag:s23] =	ssyncadd.s32 $0xFFFFFFFF  }
0xa5: {  	s5 =	sld [smem:$0x0]  }
0xa6: {  	s6 =	sand.u32 $0xFFFFFFFE, s1  }
0xa7: {  	p0 =	sne.s32 s1, s6  }
0xa8: {  	s6 =	sshll.u32 @p0 s6, $0xE  }
0xa9: {  	s6 =	sadd.s32 @p0 $0x11B8D, s6;
	s7 =	sshll.u32 @p0 s5, $0x11  }
0xaa: {  	s6 =	sor.u32 @p0 s7, s6  }
0xab: {  	[sflag:s6] =	ssyncadd.remote.s32 @p0 $0x1;
	_ =	sdelay $0x1  }
0xac: {  	s6 =	simm.s32 @p0 $0x1B8D  }
0xad: {  	_ =	swait.eq @p0 [sflag:s6], $0x1  }
0xae: {  	[sflag:s6] =	ssyncadd.s32 @p0 $0xFFFFFFFF  }
0xaf: {  	s7 =	sshll.u32 @!p0 s1, $0xE  }
0xb0: {  	s7 =	sor.u32 @!p0 $0x4000, s7;
	s6 =	simm.s32 @!p0 $0x1B8D  }
0xb1: {  	s5 =	sshll.u32 @!p0 s5, $0x11;
	s7 =	sadd.s32 @!p0 $0x11B8D, s7;
	_ =	swait.eq @!p0 [sflag:s6], $0x1  }
0xb2: {  	s5 =	sor.u32 @!p0 s5, s7;
	[sflag:s6] =	ssyncadd.s32 @!p0 $0xFFFFFFFF  }
0xb3: {  	s25 =	simm.s32 $0x1B8E;
	s24 =	sld [smem:$0x3FFE];
	[sflag:s5] =	ssyncadd.remote.s32 @!p0 $0x1  }
0xb4: {  	s26 =	simm.s32 $execute0_lowered;
	[smem:$0x3FD2] =	sst s25  }
0xb5: {  	s6 =	sshll.u32 s26, $0x1;
	_ =	strace $0x80000049;
	[dreg:$0x1] =	wrdreg $0xFFFFFFFF  }
0xb6: {  	s28 =	simm.s32 $_size_execute0_lowered;
	s4 =	sadd.s32 s4, s6;
	[dreg:$0x0] =	wrdreg $0x0  }
0xb7: {  	s6 =	sshll.u32 s28, $0x1;
	[dreg:$0x2] =	wrdreg s4  }
0xb8: {  	[dreg:$0x3] =	wrdreg s6  }
0xb9: {  	[dreg:$0x4] =	wrdreg $0xC0  }
0xba: {  	_ =	task [dreg:s22], $0x5FFFF  }
0xbb: {  	[dreg:$0x1] =	wrdreg $0xFFFFFFFF  }
0xbc: {  	[dreg:$0x0] =	wrdreg $0x60  }
0xbd: {  	[dreg:$0x2] =	wrdreg s24  }
0xbe: {  	[dreg:$0x3] =	wrdreg s18  }
0xbf: {  	[dreg:$0x4] =	wrdreg $0x3D000  }
0xc0: {  	[dreg:$0x5] =	wrdreg $0x9  }
0xc1: {  	_ =	task.clear_ibuf [dreg:s22], $0x6FFFF;
	_ =	strace $0x90000049  }
0xc2: {  	s29 =	simm.s32 $0x9;
	_ =	strace $0x8000004B  }
0xc3: {  	_ =	swait.ge [sflag:s29], $0x1  }
0xc4: {  	[sflag:s29] =	ssyncadd.s32 $0xFFFFFFFF  }
0xc5: {  	_ =	strace $0x9000004B  }
0xc6: {  	_ =	sfence  }
0xc7: {  	s30 =	sld [smem:$0x0];
	_ =	sdelay $0x2  }
0xc8: {  	s31 =	sshll.u32 s1, $0xD;
	s1 =	sshrl.u32 s1, $0x2  }
0xc9: {  	s4 =	sand.u32 $0x4000, s31;
	s1 =	sadd.s32 s1, s30  }
0xca: {  	s0 =	sor.u32 s4, s0;
	s1 =	sshll.u32 s1, $0x11  }
0xcb: {  	s0 =	sor.u32 s1, s0  }
0xcc: {  	s0 =	sadd.s32 $0x8F2B, s0  }
0xcd: {  	[sflag:s0] =	ssyncadd.remote.s32 $0x1  }
0xce: {  	_ =	sfence.sel $0xFFFF  }
0xcf: {  	[dreg:$0x0] =	wrdreg $0xFFFFFFFF;
	(pc) =	sbr.abs _section_cstart, $3  }
0xd0: {  	[dreg:$0x1] =	wrdreg $0xFFFFFFFF  }
0xd1: {  	_ =	task.clear_ibuf [dreg:s22], $0x2FFFF;
	_ =	strace $0x9FFFFFFF  }
0xd2: {  	(tm) =	ssettm $0x7FFFFFFF  }
0xd3: {  	_ =	shalt  }
tec
execute0_lowered:
.L_overlay_start_1:
0x0: {  	(tag) =	ssettag $0x1  }
0x1: {  	s0 =	rddreg [dreg:$0x0]  }
0x2: {  	s2 =	rddreg [dreg:$0x2];
	s1 =	srdreg.scid;
	s4 =	simm.s32 $0x0  }
0x3: {  	s12 =	stileid.u32;
	s28 =	simm.s32 $0x100;
	s29 =	simm.s32 $0x3  }
0x4: {  	s30 =	simm.s32 $0x2900;
	s31 =	simm.s32 $0x80;
	s1 =	sand.u32 $0x1, s1  }
0x5: {  	s6 =	smul.u32 $0x280, s12;
	[smem:$0x7FF] =	sst s4;
	s3 =	sshll.u32 s1, $0x4  }
0x6: {  	s8 =	sadd.s32 $0xFAA00, s0;
	s5 =	ssub.s32 $0x2, s1;
	s3 =	sor.u32 s12, s3  }
0x7: {  	s7 =	sshrl.u32 s5, $0x1;
	s18 =	sor.u32 $0x50, s6;
	s19 =	sadd.s32 $0xA0, s6  }
0x8: {  	s20 =	sadd.s32 $0xF0, s6;
	s21 =	sadd.s32 $0x140, s6;
	s3 =	smul.u32 $0x1388, s3  }
0x9: {  	s22 =	sadd.s32 $0x190, s6;
	s5 =	ssub.s32 s5, s7;
	s7 =	smul.u32 $0x2800, s1  }
0xa: {  	s23 =	sadd.s32 $0x1E0, s6;
	s24 =	sadd.s32 $0x230, s6;
	s1 =	smul.u32 $0x13880, s1  }
0xb: {  	s6 =	sadd.s32 s7, s6;
	s9 =	sadd.s32 s7, s18;
	s10 =	sadd.s32 s7, s19  }
0xc: {  	s17 =	sadd.s32 s7, s20;
	s25 =	sadd.s32 s7, s21;
	s26 =	sadd.s32 s7, s22  }
0xd: {  	s14 =	sadd.s32 s7, s23;
	s7 =	sadd.s32 s7, s24;
	s3 =	sshrl.u32 s3, $0x3  }
0xe: {  	s6 =	sshll.u32 s6, $0x4;
	s9 =	sshll.u32 s9, $0x4;
	s16 =	sshll.u32 s10, $0x4  }
0xf: {  	s13 =	sshll.u32 s26, $0x4;
	s26 =	sshll.u32 s19, $0x7;
	s6 =	sadd.s32 s8, s6  }
0x10: {  	s15 =	sadd.s32 s8, s9;
	s9 =	sshll.u32 s25, $0x4;
	[dreg:$0x4] =	wrdreg s6  }
0x11: {  	s25 =	sshll.u32 s18, $0x7;
	s19 =	sadd.s32 s26, s2;
	[dreg:$0x5] =	wrdreg s15  }
0x12: {  	s6 =	sadd.s32 s8, s16;
	s11 =	sadd.s32 s8, s9;
	s15 =	sshll.u32 s7, $0x4  }
0x13: {  	s16 =	smul.u32 $0x50000, s12;
	s18 =	sadd.s32 s25, s2;
	s7 =	sshll.u32 s22, $0x7  }
0x14: {  	s9 =	sshll.u32 s24, $0x7;
	[dreg:$0x6] =	wrdreg s6;
	s6 =	sshll.u32 s17, $0x4  }
0x15: {  	[dreg:$0x8] =	wrdreg s11;
	s22 =	sadd.s32 s7, s2;
	s6 =	sadd.s32 s8, s6  }
0x16: {  	s24 =	sadd.s32 s9, s2;
	s17 =	sshrl.u32 s16, $0x2;
	[dreg:$0x7] =	wrdreg s6  }
0x17: {  	s6 =	sadd.s32 s8, s13;
	s13 =	smul.u32 $0x1388, s12;
	s12 =	sadd.s32 s8, s15  }
0x18: {  	s16 =	sadd.s32 s17, s2;
	s17 =	smax.u32 s5, $0x1;
	s5 =	sshll.u32 s20, $0x7  }
0x19: {  	[dreg:$0x9] =	wrdreg s6;
	s6 =	sshll.u32 s14, $0x4;
	s14 =	sadd.s32 $0xFA600, s0  }
0x1a: {  	s20 =	sadd.s32 s5, s2;
	s5 =	simm.s32 $0x0;
	s11 =	sadd.s32 s8, s6  }
0x1b: {  	_ =	strace $0x8000004A;
	s1 =	sadd.s32 s13, s1;
	s13 =	sadd.s32 $0x9200, s0  }
0x1c: {  	s6 =	sshll.u32 s21, $0x7;
	s8 =	sshll.u32 s23, $0x7;
	s0 =	simm.s32 $0x1  }
0x1d: {  	s15 =	sadd.s32 s13, s3;
	s21 =	sadd.s32 s6, s2;
	s10 =	sadd.s32 $0x28, s1  }
0x1e: {  	s23 =	sadd.s32 s8, s2;
	s25 =	sadd.s32 $0x50, s1;
	s26 =	sshrl.u32 s10, $0x3  }
0x1f: {  	s3 =	simm.s32 $0x28;
	s1 =	simm.s32 $0x2;
	s26 =	sadd.s32 s26, s13  }
.LBB2_1:
0x20: {  	s6 =	rddreg [dreg:$0x1]  }
0x21: {  	[tilespmem:s28], [sflag:$0x3] =	stream.linear.gather [hbm4b:s6+s4], $0x2800, $0x38;
	[tilespmem:$0x17D00] =	vst v63  }
0x22: {  	_ =	swait.ge [sflag:s29], $0x2800  }
0x23: {  	[sflag:s29] =	ssyncset.done $0x0  }
0x24: {  	[sflag:s29] =	ssyncadd.s32 $0xFFFFD800  }
0x25: {  	[tilespmem:s30], [sflag:$0x3] =	stream.linear.gather [hbm4b:s14+s4], $0x1400, $0x38;
	[tilespmem:$0x17D00] =	vst v63  }
0x26: {  	_ =	swait.ge [sflag:s29], $0x1400  }
0x27: {  	[sflag:s29] =	ssyncset.done $0x0  }
0x28: {  	[sflag:s29] =	ssyncadd.s32 $0xFFFFEC00  }
0x29: {  	[spmem:s16] =	stream.linear.scatter [tilespmem:s28], [sflag:$0x3], $0x2800, $0x38;
	[tilespmem:$0x17D00] =	vst v63  }
0x2a: {  	_ =	swait.ge [sflag:s29], $0x2800  }
0x2b: {  	[sflag:s29] =	ssyncset.done $0x0  }
0x2c: {  	[sflag:s29] =	ssyncadd.s32 $0xFFFFD800  }
0x2d: {  	[spmem:s18] =	stream.linear.scatter [tilespmem:s28], [sflag:$0x3], $0x2800, $0x38;
	[tilespmem:$0x17D00] =	vst v63  }
0x2e: {  	_ =	swait.ge [sflag:s29], $0x2800  }
0x2f: {  	[sflag:s29] =	ssyncset.done $0x0  }
0x30: {  	[sflag:s29] =	ssyncadd.s32 $0xFFFFD800  }
0x31: {  	[spmem:s19] =	stream.linear.scatter [tilespmem:s28], [sflag:$0x3], $0x2800, $0x38;
	[tilespmem:$0x17D00] =	vst v63  }
0x32: {  	_ =	swait.ge [sflag:s29], $0x2800  }
0x33: {  	[sflag:s29] =	ssyncset.done $0x0  }
0x34: {  	[sflag:s29] =	ssyncadd.s32 $0xFFFFD800  }
0x35: {  	[spmem:s20] =	stream.linear.scatter [tilespmem:s28], [sflag:$0x3], $0x2800, $0x38;
	[tilespmem:$0x17D00] =	vst v63  }
0x36: {  	_ =	swait.ge [sflag:s29], $0x2800  }
0x37: {  	[sflag:s29] =	ssyncset.done $0x0  }
0x38: {  	[sflag:s29] =	ssyncadd.s32 $0xFFFFD800  }
0x39: {  	[spmem:s21] =	stream.linear.scatter [tilespmem:s28], [sflag:$0x3], $0x2800, $0x38;
	[tilespmem:$0x17D00] =	vst v63  }
0x3a: {  	_ =	swait.ge [sflag:s29], $0x2800  }
0x3b: {  	[sflag:s29] =	ssyncset.done $0x0  }
0x3c: {  	[sflag:s29] =	ssyncadd.s32 $0xFFFFD800  }
0x3d: {  	[spmem:s22] =	stream.linear.scatter [tilespmem:s28], [sflag:$0x3], $0x2800, $0x38;
	[tilespmem:$0x17D00] =	vst v63  }
0x3e: {  	_ =	swait.ge [sflag:s29], $0x2800  }
0x3f: {  	[sflag:s29] =	ssyncset.done $0x0  }
0x40: {  	[sflag:s29] =	ssyncadd.s32 $0xFFFFD800  }
0x41: {  	[spmem:s23] =	stream.linear.scatter [tilespmem:s28], [sflag:$0x3], $0x2800, $0x38;
	[tilespmem:$0x17D00] =	vst v63  }
0x42: {  	_ =	swait.ge [sflag:s29], $0x2800  }
0x43: {  	[sflag:s29] =	ssyncset.done $0x0  }
0x44: {  	[sflag:s29] =	ssyncadd.s32 $0xFFFFD800  }
0x45: {  	[spmem:s24] =	stream.linear.scatter [tilespmem:s28], [sflag:$0x3], $0x2800, $0x38;
	[tilespmem:$0x17D00] =	vst v63  }
0x46: {  	_ =	swait.ge [sflag:s29], $0x2800  }
0x47: {  	[sflag:s29] =	ssyncset.done $0x0  }
0x48: {  	[sflag:s29] =	ssyncadd.s32 $0xFFFFD800  }
0x49: {  	[bflag:$0x0] =	sbarrier.arrive $0xFFFF  }
0x4a: {  	[tilespmem:s4], [sflag:$0x1] =	stream.linear.gather [hbm4b:s15+s4], $0x28, $0x38;
	[tilespmem:$0x17D00] =	vst v63  }
0x4b: {  	s9 =	sadd.s32 $0x0, s26  }
0x4c: {  	[tilespmem:s31], [sflag:$0x2] =	stream.linear.gather [hbm4b:s9+s4], $0x28, $0x38;
	[tilespmem:$0x17D00] =	vst v63  }
0x4d: {  	_ =	swait.ge [sflag:s0], $0x28  }
0x4e: {  	[sflag:s0] =	ssyncset.done $0x0  }
0x4f: {  	[sflag:s0] =	ssyncadd.s32 $0xFFFFFFD8  }
0x50: {  	[spmem:s2] =	stream.indirect.scatter.add.f32 [tilespmem:s30], [sflag:$0x3], $0x80, s4, s3, $0xb8;
	[tilespmem:$0x17D00] =	vst v63  }
0x51: {  	_ =	swait.ge [sflag:s29], $0x1400  }
0x52: {  	s10 =	sshrl.u32 s25, $0x3;
	[sflag:s29] =	ssyncset.done $0x0  }
0x53: {  	s6 =	sadd.s32 s13, s10;
	[sflag:s29] =	ssyncadd.s32 $0xFFFFEC00  }
0x54: {  	[tilespmem:s4], [sflag:$0x1] =	stream.linear.gather [hbm4b:s6+s4], $0x28, $0x38;
	[tilespmem:$0x17D00] =	vst v63  }
0x55: {  	_ =	swait.ge [sflag:s1], $0x28  }
0x56: {  	[sflag:s1] =	ssyncset.done $0x0  }
0x57: {  	[sflag:s1] =	ssyncadd.s32 $0xFFFFFFD8  }
0x58: {  	[spmem:s2] =	stream.indirect.scatter.add.f32 [tilespmem:s30], [sflag:$0x3], $0x80, s31, s3, $0xb8;
	[tilespmem:$0x17D00] =	vst v63  }
0x59: {  	s7 =	simm.s32 $0xA;
	_ =	swait.ge [sflag:s29], $0x1400  }
0x5a: {  	s8 =	simm.s32 $0x14;
	s6 =	sadd.s32 $0x50, s25;
	[sflag:s29] =	ssyncset.done $0x0  }
.LBB2_2:
0x5b: {  	s9 =	sadd.s32 s7, s26  }
0x5c: {  	[sflag:s29] =	ssyncadd.s32 $0xFFFFEC00;
	s7 =	smov.u32 s8;
	s10 =	sadd.s32 $0xA, s8  }
0x5d: {  	[tilespmem:s31], [sflag:$0x2] =	stream.linear.gather [hbm4b:s9+s4], $0x28, $0x38;
	[tilespmem:$0x17D00] =	vst v63  }
0x5e: {  	p0 =	sne.s32 s8, $0x262;
	_ =	swait.ge [sflag:s0], $0x28  }
0x5f: {  	[sflag:s0] =	ssyncset.done $0x0  }
0x60: {  	[sflag:s0] =	ssyncadd.s32 $0xFFFFFFD8  }
0x61: {  	[spmem:s2] =	stream.indirect.scatter.add.f32 [tilespmem:s30], [sflag:$0x3], $0x80, s4, s3, $0xb8;
	[tilespmem:$0x17D00] =	vst v63  }
0x62: {  	_ =	swait.ge [sflag:s29], $0x1400  }
0x63: {  	s8 =	sshrl.u32 s6, $0x3;
	[sflag:s29] =	ssyncset.done $0x0  }
0x64: {  	s8 =	sadd.s32 s13, s8;
	[sflag:s29] =	ssyncadd.s32 $0xFFFFEC00  }
0x65: {  	[tilespmem:s4], [sflag:$0x1] =	stream.linear.gather [hbm4b:s8+s4], $0x28, $0x38;
	[tilespmem:$0x17D00] =	vst v63  }
0x66: {  	_ =	swait.ge [sflag:s1], $0x28  }
.Ltmp0:
0x67: {  	[sflag:s1] =	ssyncset.done $0x0;
	(pc) =	sbr.rel @p0 .LBB2_2-.Ltmp0, $4  }
0x68: {  	[sflag:s1] =	ssyncadd.s32 $0xFFFFFFD8  }
0x69: {  	[spmem:s2] =	stream.indirect.scatter.add.f32 [tilespmem:s30], [sflag:$0x3], $0x80, s31, s3, $0xb8;
	[tilespmem:$0x17D00] =	vst v63  }
0x6a: {  	_ =	swait.ge [sflag:s29], $0x1400  }
0x6b: {  	s6 =	sadd.s32 $0x50, s6;
	s8 =	smov.u32 s10;
	[sflag:s29] =	ssyncset.done $0x0  }
0x6c: {  	s7 =	sadd.s32 s7, s26;
	[sflag:s29] =	ssyncadd.s32 $0xFFFFEC00  }
0x6d: {  	[tilespmem:s31], [sflag:$0x2] =	stream.linear.gather [hbm4b:s7+s4], $0x28, $0x38;
	[tilespmem:$0x17D00] =	vst v63  }
0x6e: {  	_ =	swait.ge [sflag:s0], $0x28  }
0x6f: {  	[sflag:s0] =	ssyncset.done $0x0  }
0x70: {  	[sflag:s0] =	ssyncadd.s32 $0xFFFFFFD8  }
0x71: {  	[spmem:s2] =	stream.indirect.scatter.add.f32 [tilespmem:s30], [sflag:$0x3], $0x80, s4, s3, $0xb8;
	[tilespmem:$0x17D00] =	vst v63  }
0x72: {  	_ =	swait.ge [sflag:s29], $0x1400  }
0x73: {  	s6 =	sshrl.u32 s6, $0x3;
	[sflag:s29] =	ssyncset.done $0x0  }
0x74: {  	s6 =	sadd.s32 s13, s6;
	[sflag:s29] =	ssyncadd.s32 $0xFFFFEC00  }
0x75: {  	[tilespmem:s4], [sflag:$0x1] =	stream.linear.gather [hbm4b:s6+s4], $0x28, $0x38;
	[tilespmem:$0x17D00] =	vst v63  }
0x76: {  	_ =	swait.ge [sflag:s1], $0x28  }
0x77: {  	[sflag:s1] =	ssyncset.done $0x0  }
0x78: {  	[sflag:s1] =	ssyncadd.s32 $0xFFFFFFD8  }
0x79: {  	[spmem:s2] =	stream.indirect.scatter.add.f32 [tilespmem:s30], [sflag:$0x3], $0x80, s31, s3, $0xb8;
	[tilespmem:$0x17D00] =	vst v63  }
0x7a: {  	_ =	swait.ge [sflag:s29], $0x1400  }
0x7b: {  	[sflag:s29] =	ssyncset.done $0x0  }
0x7c: {  	[sflag:s29] =	ssyncadd.s32 $0xFFFFEC00  }
0x7d: {  	_ =	swait.ge [sflag:s0], $0x28  }
0x7e: {  	[sflag:s0] =	ssyncset.done $0x0  }
0x7f: {  	[sflag:s0] =	ssyncadd.s32 $0xFFFFFFD8  }
0x80: {  	[spmem:s2] =	stream.indirect.scatter.add.f32 [tilespmem:s30], [sflag:$0x3], $0x80, s4, s3, $0xb8;
	[tilespmem:$0x17D00] =	vst v63  }
0x81: {  	_ =	swait.ge [sflag:s29], $0x1400  }
0x82: {  	[sflag:s29] =	ssyncset.done $0x0  }
0x83: {  	[sflag:s29] =	ssyncadd.s32 $0xFFFFEC00  }
0x84: {  	[bflag:$0x0] =	sbarrier.arrive $0xFFFF  }
0x85: {  	[tilespmem:s28], [sflag:$0x3] =	stream.linear.gather [spmem:s16], $0x2800, $0x38;
	[tilespmem:$0x17D00] =	vst v63  }
0x86: {  	_ =	swait.ge [sflag:s29], $0x2800  }
0x87: {  	[sflag:s29] =	ssyncset.done $0x0  }
0x88: {  	s9 =	rddreg [dreg:$0x4];
	[sflag:s29] =	ssyncadd.s32 $0xFFFFD800  }
0x89: {  	[hbm4b:s9+s4] =	stream.linear.scatter [tilespmem:s28], [sflag:$0x3], $0x2800, $0x38;
	[tilespmem:$0x17D00] =	vst v63  }
0x8a: {  	_ =	swait.ge [sflag:s29], $0x2800  }
0x8b: {  	[sflag:s29] =	ssyncset.done $0x0  }
0x8c: {  	[sflag:s29] =	ssyncadd.s32 $0xFFFFD800  }
0x8d: {  	[tilespmem:s28], [sflag:$0x3] =	stream.linear.gather [spmem:s18], $0x2800, $0x38;
	[tilespmem:$0x17D00] =	vst v63  }
0x8e: {  	_ =	swait.ge [sflag:s29], $0x2800  }
0x8f: {  	[sflag:s29] =	ssyncset.done $0x0  }
0x90: {  	s10 =	rddreg [dreg:$0x5];
	[sflag:s29] =	ssyncadd.s32 $0xFFFFD800  }
0x91: {  	[hbm4b:s10+s4] =	stream.linear.scatter [tilespmem:s28], [sflag:$0x3], $0x2800, $0x38;
	[tilespmem:$0x17D00] =	vst v63  }
0x92: {  	_ =	swait.ge [sflag:s29], $0x2800  }
0x93: {  	[sflag:s29] =	ssyncset.done $0x0  }
0x94: {  	[sflag:s29] =	ssyncadd.s32 $0xFFFFD800  }
0x95: {  	[tilespmem:s28], [sflag:$0x3] =	stream.linear.gather [spmem:s19], $0x2800, $0x38;
	[tilespmem:$0x17D00] =	vst v63  }
0x96: {  	_ =	swait.ge [sflag:s29], $0x2800  }
0x97: {  	[sflag:s29] =	ssyncset.done $0x0  }
0x98: {  	s7 =	rddreg [dreg:$0x6];
	[sflag:s29] =	ssyncadd.s32 $0xFFFFD800  }
0x99: {  	[hbm4b:s7+s4] =	stream.linear.scatter [tilespmem:s28], [sflag:$0x3], $0x2800, $0x38;
	[tilespmem:$0x17D00] =	vst v63  }
0x9a: {  	_ =	swait.ge [sflag:s29], $0x2800  }
0x9b: {  	[sflag:s29] =	ssyncset.done $0x0  }
0x9c: {  	[sflag:s29] =	ssyncadd.s32 $0xFFFFD800  }
0x9d: {  	[tilespmem:s28], [sflag:$0x3] =	stream.linear.gather [spmem:s20], $0x2800, $0x38;
	[tilespmem:$0x17D00] =	vst v63  }
0x9e: {  	_ =	swait.ge [sflag:s29], $0x2800  }
0x9f: {  	[sflag:s29] =	ssyncset.done $0x0  }
0xa0: {  	s8 =	rddreg [dreg:$0x7];
	[sflag:s29] =	ssyncadd.s32 $0xFFFFD800  }
0xa1: {  	[hbm4b:s8+s4] =	stream.linear.scatter [tilespmem:s28], [sflag:$0x3], $0x2800, $0x38;
	[tilespmem:$0x17D00] =	vst v63  }
0xa2: {  	_ =	swait.ge [sflag:s29], $0x2800  }
0xa3: {  	[sflag:s29] =	ssyncset.done $0x0  }
0xa4: {  	[sflag:s29] =	ssyncadd.s32 $0xFFFFD800  }
0xa5: {  	[tilespmem:s28], [sflag:$0x3] =	stream.linear.gather [spmem:s21], $0x2800, $0x38;
	[tilespmem:$0x17D00] =	vst v63  }
0xa6: {  	_ =	swait.ge [sflag:s29], $0x2800  }
0xa7: {  	[sflag:s29] =	ssyncset.done $0x0  }
0xa8: {  	s9 =	rddreg [dreg:$0x8];
	[sflag:s29] =	ssyncadd.s32 $0xFFFFD800  }
0xa9: {  	[hbm4b:s9+s4] =	stream.linear.scatter [tilespmem:s28], [sflag:$0x3], $0x2800, $0x38;
	[tilespmem:$0x17D00] =	vst v63  }
0xaa: {  	_ =	swait.ge [sflag:s29], $0x2800  }
0xab: {  	[sflag:s29] =	ssyncset.done $0x0  }
0xac: {  	[sflag:s29] =	ssyncadd.s32 $0xFFFFD800  }
0xad: {  	[tilespmem:s28], [sflag:$0x3] =	stream.linear.gather [spmem:s22], $0x2800, $0x38;
	[tilespmem:$0x17D00] =	vst v63  }
0xae: {  	_ =	swait.ge [sflag:s29], $0x2800  }
0xaf: {  	[sflag:s29] =	ssyncset.done $0x0  }
0xb0: {  	s10 =	rddreg [dreg:$0x9];
	[sflag:s29] =	ssyncadd.s32 $0xFFFFD800  }
0xb1: {  	[hbm4b:s10+s4] =	stream.linear.scatter [tilespmem:s28], [sflag:$0x3], $0x2800, $0x38;
	[tilespmem:$0x17D00] =	vst v63  }
0xb2: {  	_ =	swait.ge [sflag:s29], $0x2800  }
0xb3: {  	[sflag:s29] =	ssyncset.done $0x0  }
0xb4: {  	[sflag:s29] =	ssyncadd.s32 $0xFFFFD800  }
0xb5: {  	[tilespmem:s28], [sflag:$0x3] =	stream.linear.gather [spmem:s23], $0x2800, $0x38;
	[tilespmem:$0x17D00] =	vst v63  }
0xb6: {  	_ =	swait.ge [sflag:s29], $0x2800  }
0xb7: {  	[sflag:s29] =	ssyncset.done $0x0  }
0xb8: {  	[sflag:s29] =	ssyncadd.s32 $0xFFFFD800  }
0xb9: {  	[hbm4b:s11+s4] =	stream.linear.scatter [tilespmem:s28], [sflag:$0x3], $0x2800, $0x38;
	[tilespmem:$0x17D00] =	vst v63  }
0xba: {  	_ =	swait.ge [sflag:s29], $0x2800  }
0xbb: {  	[sflag:s29] =	ssyncset.done $0x0  }
0xbc: {  	[sflag:s29] =	ssyncadd.s32 $0xFFFFD800  }
0xbd: {  	[tilespmem:s28], [sflag:$0x3] =	stream.linear.gather [spmem:s24], $0x2800, $0x38;
	[tilespmem:$0x17D00] =	vst v63  }
0xbe: {  	s5 =	sadd.s32 $0x1, s5;
	_ =	swait.ge [sflag:s29], $0x2800  }
0xbf: {  	p0 =	sne.s32 s5, s17;
	[sflag:s29] =	ssyncset.done $0x0  }
.Ltmp1:
0xc0: {  	[sflag:s29] =	ssyncadd.s32 $0xFFFFD800;
	(pc) =	sbr.rel @p0 .LBB2_1-.Ltmp1, $4  }
0xc1: {  	[hbm4b:s12+s4] =	stream.linear.scatter [tilespmem:s28], [sflag:$0x3], $0x2800, $0x38;
	[tilespmem:$0x17D00] =	vst v63  }
0xc2: {  	_ =	swait.ge [sflag:s29], $0x2800  }
0xc3: {  	[sflag:s29] =	ssyncset.done $0x0  }
0xc4: {  	[sflag:s29] =	ssyncadd.s32 $0xFFFFD800  }
0xc5: {  	_ =	sfence.sel $0x180000  }
0xc6: {  	[bflag:$0x0] =	sbarrier.arrive $0xFFFF  }
0xc7: {  	_ =	strace $0x9000004A  }
0xc8: {  	s0 =	stileid.u32;
	[bflag:$0x2] =	sbarrier.arrive $0xFFFF  }
0xc9: {  	p0 =	sne.s32 s0, $0x0;
	s0 =	rddreg [dreg:$0x3]  }
0xca: {  	s0 =	sadd.s32 @!p0 $0x100000, s0  }
0xcb: {  	[sflag:s0] =	ssyncadd.tile.s32 @!p0 $0x1;
	_ =	shalt  }
.Lfunc_end2:
_tile_overlayer_lowered:
.L_overlay_start_2:
0xcc: {  	(tag) =	ssettag $0x2  }
0xcd: {  	s0 =	rddreg [dreg:$0x0];
	s2 =	stileid.u32  }
0xce: {  	s1 =	rddreg [dreg:$0x1];
	p0 =	sne.s32 s2, $0x0  }
0xcf: {  	s3 =	rddreg [dreg:$0x2];
	[bflag:$0x3] =	sbarrier.arrive $0xFFFF;
	s2 =	simm.s32 @!p0 $0x1C03  }
0xd0: {  	[timem:s3], [sflag:s2] =	dma.local @!p0 [hbm:s0], s1  }
0xd1: {  	s0 =	simm.s32 @!p0 $0x3  }
0xd2: {  	_ =	swait.ge @!p0 [sflag:s0], s1  }
0xd3: {  	s1 =	ssub.s32 @!p0 $0x0, s1;
	[sflag:s0] =	ssyncset.done @!p0 $0x0  }
0xd4: {  	[sflag:s0] =	ssyncadd.s32 @!p0 s1  }
0xd5: {  	[bflag:$0x3] =	sbarrier.arrive $0xFFFF  }
0xd6: {  	_ =	shalt  }

// kernel: kernel.13.cloned.1.call-start
scs
__scs_entry_jumppad:
0x0: {  	(pc) =	sbr.rel $0x88, $3  }
0x1: {  	(tag) =	ssettag $0x0;
	lr =	simm.s32 $0x1  }
0x2: {  	[smem:$0x3F84] =	sst lr;
	_ =	strace $0xD0000000  }
0x3: {  	_ = 	snop  }
0x4: {  	_ = 	snop  }
0x5: {  	_ = 	snop  }
0x6: {  	_ = 	snop  }
0x7: {  	_ = 	snop  }
__scs_overlays_trampoline_lowered:
0x8: {  	[smem:$0x3F93] =	sst s0  }
0x9: {  	[smem:$0x3F94] =	sst s1  }
0xa: {  	[smem:$0x3F95] =	sst s2  }
0xb: {  	[smem:$0x3F96] =	sst s3  }
0xc: {  	[smem:$0x3F97] =	sst s4  }
0xd: {  	[smem:$0x3F98] =	sst s5  }
0xe: {  	[smem:$0x3F99] =	sst s6  }
0xf: {  	[smem:$0x3F9A] =	sst s7  }
0x10: {  	[smem:$0x3F9B] =	sst s8  }
0x11: {  	[smem:$0x3F9C] =	sst s9;
	s0 =	simm.s32 @!p0 $0x0  }
0x12: {  	s1 =	sld [smem:$0x3F82];
	s0 =	simm.s32 @p0 $0x1  }
0x13: {  	[smem:$0x3F9D] =	sst s0;
	s0 =	simm.s32 @!p1 $0x0  }
0x14: {  	s2 =	sld [smem:$0x3F81];
	s0 =	simm.s32 @p1 $0x1  }
0x15: {  	[smem:$0x3F9E] =	sst s0;
	s0 =	simm.s32 @!p2 $0x0  }
0x16: {  	s3 =	sld [smem:$0x3FDB];
	s0 =	simm.s32 @p2 $0x1  }
0x17: {  	s4 =	simm.s32 $0x1BF5;
	[smem:$0x3FA0] =	sst s0  }
0x18: {  	s0 =	sld [smem:$0x3F83];
	_ =	swait.ge [sflag:s4], $0x0  }
0x19: {  	s7 =	sld [smem:$0x3F84]  }
0x1a: {  	s8 =	sadd.s32 $0xFFFFE003, lr  }
0x1b: {  	s9 =	sadd.s32 $0xFFFFFEF7, lr;
	s5 =	simm.s32 $0xFFFFFFFF;
	p2 =	slt.u32 s8, $0xFFFFF086  }
0x1c: {  	p1 =	slt.u32 s9, $0xF7A;
	s5 =	simm.s32 @!p2 $0x0  }
0x1d: {  	s5 =	simm.s32 @p1 $0x1;
	p0 =	seq.s32 s7, s2  }
0x1e: {  	s7 =	smul.u32 @!p0 $0xF7A, s2;
	p2 =	seq.s32 @!p0 s5, $0x0  }
0x1f: {  	s9 =	smul.u32 $0xF7A, s1;
	s8 =	simm.s32 @!p0 $0x1BF5;
	p2 =	por !p2, p0  }
0x20: {  	[sflag:s8] =	ssyncset.s32 @!p0 $0xFFFFF086;
	s6 =	sadd.s32 @!p0 s3, s7;
	s7 =	simm.s32 @!p0 $0x108  }
0x21: {  	s3 =	sadd.s32 s3, s9;
	s6 =	sadd.s32 @!p0 $0x88, s6;
	s7 =	simm.s32 @p2 $0x1082  }
0x22: {  	[simem:s7], [sflag:s8] =	dma.local @!p0 [hbm:s6], $0xF7A  }
0x23: {  	s9 =	sor.u32 $0xD0000000, s2;
	s6 =	simm.s32 $0x108;
	_ =	swait.ge @!p0 [sflag:s8], $0x0  }
0x24: {  	s3 =	sadd.s32 $0x88, s3;
	s6 =	simm.s32 @!p1 $0x1082;
	[sflag:s4] =	ssyncset.s32 $0xFFFFF086  }
0x25: {  	[simem:s6], [sflag:s4] =	dma.local [hbm:s3], $0xF7A  }
0x26: {  	[smem:$0x3F84] =	sst s1;
	(tag) =	ssettag s2;
	_ =	strace s9  }
0x27: {  	s1 =	sld [smem:$0x3F94]  }
0x28: {  	s2 =	sld [smem:$0x3F95]  }
0x29: {  	s4 =	sld [smem:$0x3F97]  }
0x2a: {  	p0 =	seq.s32 s5, $0x0;
	s5 =	sld [smem:$0x3F98]  }
0x2b: {  	s6 =	sld [smem:$0x3F99]  }
0x2c: {  	s7 =	sld [smem:$0x3F9A]  }
0x2d: {  	s3 =	simm.s32 $0x108;
	s8 =	sld [smem:$0x3F9B]  }
0x2e: {  	s3 =	simm.s32 @!p0 $0x1082;
	s9 =	sld [smem:$0x3F9C]  }
0x2f: {  	lr =	sadd.s32 s0, s3;
	s0 =	sld [smem:$0x3F93]  }
0x30: {  	s3 =	sld [smem:$0x3F96]  }
0x31: {  	[smem:$0x3F9F] =	sst s10  }
0x32: {  	s10 =	sld [smem:$0x3F9D];
	_ =	sdelay $0x3  }
0x33: {  	p0 =	seq.s32 s10, $0x1;
	s10 =	sld [smem:$0x3F9F];
	_ =	sdelay $0x3  }
0x34: {  	[smem:$0x3F9F] =	sst s10  }
0x35: {  	s10 =	sld [smem:$0x3F9E];
	_ =	sdelay $0x3  }
0x36: {  	p1 =	seq.s32 s10, $0x1;
	s10 =	sld [smem:$0x3F9F];
	_ =	sdelay $0x3  }
0x37: {  	[smem:$0x3F9F] =	sst s10  }
0x38: {  	s10 =	sld [smem:$0x3FA0]  }
0x39: {  	_ = 	snop;
	(pc) =	sbr.ind lr, $3  }
0x3a: {  	_ = 	snop  }
0x3b: {  	_ = 	snop  }
0x3c: {  	p2 =	seq.s32 s10, $0x1;
	s10 =	sld [smem:$0x3F9F]  }
0x3d: {  	_ =	shalt  }
0x3e: {  	_ =	shalt  }
0x3f: {  	_ =	shalt  }
0x40: {  	_ =	shalt  }
0x41: {  	_ =	shalt  }
0x42: {  	_ =	shalt  }
0x43: {  	_ =	shalt  }
0x44: {  	_ =	shalt  }
0x45: {  	_ =	shalt  }
0x46: {  	_ =	shalt  }
0x47: {  	_ =	shalt  }
0x48: {  	_ =	shalt  }
0x49: {  	_ =	shalt  }
0x4a: {  	_ =	shalt  }
0x4b: {  	_ =	shalt  }
0x4c: {  	_ =	shalt  }
0x4d: {  	_ =	shalt  }
0x4e: {  	_ =	shalt  }
0x4f: {  	_ =	shalt  }
0x50: {  	_ =	shalt  }
0x51: {  	_ =	shalt  }
0x52: {  	_ =	shalt  }
0x53: {  	_ =	shalt  }
0x54: {  	_ =	shalt  }
0x55: {  	_ =	shalt  }
0x56: {  	_ =	shalt  }
0x57: {  	_ =	shalt  }
0x58: {  	_ =	shalt  }
0x59: {  	_ =	shalt  }
0x5a: {  	_ =	shalt  }
0x5b: {  	_ =	shalt  }
0x5c: {  	_ =	shalt  }
0x5d: {  	_ =	shalt  }
0x5e: {  	_ =	shalt  }
0x5f: {  	_ =	shalt  }
0x60: {  	_ =	shalt  }
0x61: {  	_ =	shalt  }
0x62: {  	_ =	shalt  }
0x63: {  	_ =	shalt  }
0x64: {  	_ =	shalt  }
0x65: {  	_ =	shalt  }
0x66: {  	_ =	shalt  }
0x67: {  	_ =	shalt  }
0x68: {  	_ =	shalt  }
0x69: {  	_ =	shalt  }
0x6a: {  	_ =	shalt  }
0x6b: {  	_ =	shalt  }
0x6c: {  	_ =	shalt  }
0x6d: {  	_ =	shalt  }
0x6e: {  	_ =	shalt  }
0x6f: {  	_ =	shalt  }
0x70: {  	_ =	shalt  }
0x71: {  	_ =	shalt  }
0x72: {  	_ =	shalt  }
0x73: {  	_ =	shalt  }
0x74: {  	_ =	shalt  }
0x75: {  	_ =	shalt  }
0x76: {  	_ =	shalt  }
0x77: {  	_ =	shalt  }
0x78: {  	_ =	shalt  }
0x79: {  	_ =	shalt  }
0x7a: {  	_ =	shalt  }
0x7b: {  	_ =	shalt  }
0x7c: {  	_ =	shalt  }
0x7d: {  	_ =	shalt  }
0x7e: {  	_ =	shalt  }
0x7f: {  	_ =	shalt  }
0x80: {  	_ =	shalt  }
0x81: {  	_ =	shalt  }
0x82: {  	_ =	shalt  }
0x83: {  	_ =	shalt  }
0x84: {  	_ =	shalt  }
0x85: {  	_ =	shalt  }
0x86: {  	_ =	shalt  }
0x87: {  	_ =	shalt  }
.Lfunc_end0:
.L_simem_size_0:
called_computation.1_lowered:
.L_overlay_start_0:
0x88: {  	s2 =	sld [smem:$0x3FD9]  }
0x89: {  	s3 =	sld [smem:$0x3FFE];
	_ =	sdelay $0x1  }
0x8a: {  	s1 =	srdreg.scid  }
0x8b: {  	s0 =	sand.u32 $0x1, s1  }
0x8c: {  	s17 =	sshll.u32 s0, $0xA;
	s2 =	sadd.s32 s3, s2  }
0x8d: {  	s2 =	sadd.s32 s2, s17  }
0x8e: {  	[smem:$0x3FAB] =	sst s2  }
0x8f: {  	_ = 	snop  }
0x90: {  	s2 =	sld [smem:$0x3FD0];
	(tm) =	ssettm $0x1  }
0x91: {  	s18 =	sld [smem:$0x3FFB];
	_ =	sdelay $0x3  }
0x92: {  	_ =	strace s18  }
0x93: {  	s3 =	sld [smem:$0x3FFC];
	_ =	sdelay $0x3  }
0x94: {  	_ =	strace s3  }
0x95: {  	s3 =	sld [smem:$0x3FFD];
	_ =	sdelay $0x3  }
0x96: {  	_ =	strace s3  }
0x97: {  	_ =	strace $0x8FFFFFFF  }
0x98: {  	s19 =	sld [smem:$0x3FDB];
	_ =	sdelay $0x1  }
0x99: {  	s4 =	simm.s32 $_scs_section_size  }
0x9a: {  	s5 =	simm.s32 $_size__tile_overlayer_lowered;
	s6 =	simm.s32 $_tile_overlayer_lowered  }
0x9b: {  	s22 =	simm.s32 $0x1BFF;
	s21 =	sshll.u32 s6, $0x1;
	s3 =	sadd.s32 s4, s19  }
0x9c: {  	s7 =	simm.s32 $0x0;
	s20 =	sshll.u32 s5, $0x1;
	s5 =	sadd.s32 s21, s3  }
0x9d: {  	[timem:s7], [sflag:s22] =	dma.local [hbm:s5], s20  }
0x9e: {  	_ =	swait.ge [sflag:s22], s20  }
0x9f: {  	s4 =	ssub.s32 $0x0, s20;
	[sflag:s22] =	ssyncset.done $0x0  }
0xa0: {  	[sflag:s22] =	ssyncadd.s32 s4;
	_ =	sdelay $0x1  }
0xa1: {  	s23 =	simm.s32 $0x1B8B  }
0xa2: {  	_ =	swait.ge [sflag:s23], $0x1  }
0xa3: {  	[sflag:s23] =	ssyncset.done $0x0  }
0xa4: {  	s25 =	simm.s32 $0x1B8E;
	s24 =	sld [smem:$0x3FFE];
	[sflag:s23] =	ssyncadd.s32 $0xFFFFFFFF  }
0xa5: {  	s26 =	simm.s32 $execute0_lowered;
	[smem:$0x3FD2] =	sst s25  }
0xa6: {  	s5 =	sshll.u32 s26, $0x1;
	_ =	strace $0x80000046;
	[dreg:$0x1] =	wrdreg $0xFFFFFFFF  }
0xa7: {  	s28 =	simm.s32 $_size_execute0_lowered;
	s3 =	sadd.s32 s3, s5;
	[dreg:$0x0] =	wrdreg $0x0  }
0xa8: {  	s5 =	sshll.u32 s28, $0x1;
	[dreg:$0x2] =	wrdreg s3  }
0xa9: {  	[dreg:$0x3] =	wrdreg s5  }
0xaa: {  	[dreg:$0x4] =	wrdreg $0xC0  }
0xab: {  	_ =	task [dreg:s7], $0x5FFFF  }
0xac: {  	[dreg:$0x1] =	wrdreg $0xFFFFFFFF  }
0xad: {  	[dreg:$0x0] =	wrdreg $0x60  }
0xae: {  	[dreg:$0x2] =	wrdreg s24  }
0xaf: {  	[dreg:$0x3] =	wrdreg s2  }
0xb0: {  	[dreg:$0x4] =	wrdreg $0x52000  }
0xb1: {  	[dreg:$0x5] =	wrdreg $0xA  }
0xb2: {  	_ =	task.clear_ibuf [dreg:s7], $0x6FFFF;
	_ =	strace $0x90000046  }
0xb3: {  	s29 =	simm.s32 $0xA;
	_ =	strace $0x80000048  }
0xb4: {  	_ =	swait.ge [sflag:s29], $0x1  }
0xb5: {  	[sflag:s29] =	ssyncadd.s32 $0xFFFFFFFF  }
0xb6: {  	_ =	strace $0x90000048  }
0xb7: {  	_ =	sfence  }
0xb8: {  	s30 =	sld [smem:$0x0];
	_ =	sdelay $0x2  }
0xb9: {  	s31 =	sshll.u32 s1, $0xD;
	s1 =	sshrl.u32 s1, $0x2  }
0xba: {  	s3 =	sand.u32 $0x4000, s31;
	s1 =	sadd.s32 s1, s30  }
0xbb: {  	s0 =	sor.u32 s3, s0;
	s1 =	sshll.u32 s1, $0x11  }
0xbc: {  	s0 =	sor.u32 s1, s0  }
0xbd: {  	s0 =	sadd.s32 $0x8F2B, s0  }
0xbe: {  	[sflag:s0] =	ssyncadd.remote.s32 $0x1  }
0xbf: {  	_ =	sfence.sel $0xFFFF  }
0xc0: {  	[dreg:$0x0] =	wrdreg $0xFFFFFFFF;
	(pc) =	sbr.abs _section_cstart, $3  }
0xc1: {  	[dreg:$0x1] =	wrdreg $0xFFFFFFFF  }
0xc2: {  	_ =	task.clear_ibuf [dreg:s7], $0x2FFFF;
	_ =	strace $0x9FFFFFFF  }
0xc3: {  	(tm) =	ssettm $0x7FFFFFFF  }
tec
execute0_lowered:
.L_overlay_start_1:
0x0: {  	(tag) =	ssettag $0x1  }
0x1: {  	s0 =	rddreg [dreg:$0x0]  }
0x2: {  	s2 =	simm.s32 $0x0;
	s1 =	srdreg.scid;
	s15 =	stileid.u32  }
0x3: {  	s28 =	simm.s32 $0x100;
	s29 =	simm.s32 $0x3;
	s30 =	simm.s32 $0x80  }
0x4: {  	s31 =	simm.s32 $0x50;
	[smem:$0x7FF] =	sst s2;
	s3 =	smul.u32 $0x2710, s15  }
0x5: {  	s1 =	sand.u32 $0x1, s1;
	s4 =	sadd.s32 $0x9200, s0;
	s8 =	smul.u32 $0x280, s15  }
0x6: {  	s5 =	sadd.s32 $0x4200, s0;
	s11 =	sadd.s32 $0xAA600, s0;
	s6 =	ssub.s32 $0x2, s1  }
0x7: {  	s7 =	sshrl.u32 s6, $0x1;
	s3 =	sshrl.u32 s3, $0x3;
	s12 =	sor.u32 $0x50, s8  }
0x8: {  	s21 =	sadd.s32 $0xA0, s8;
	s22 =	sadd.s32 $0xF0, s8;
	s23 =	sadd.s32 $0x140, s8  }
0x9: {  	s6 =	ssub.s32 s6, s7;
	s18 =	sadd.s32 s4, s3;
	s7 =	smul.u32 $0x2800, s1  }
0xa: {  	s24 =	sadd.s32 $0x190, s8;
	s25 =	sadd.s32 $0x1E0, s8;
	[dreg:$0x4] =	wrdreg s18  }
0xb: {  	s9 =	sadd.s32 s7, s8;
	s10 =	sadd.s32 s7, s12;
	s8 =	sadd.s32 $0x230, s8  }
0xc: {  	s20 =	sadd.s32 s7, s21;
	s26 =	sadd.s32 s7, s22;
	s13 =	sadd.s32 s7, s23  }
0xd: {  	s18 =	sadd.s32 s7, s24;
	s21 =	sshll.u32 s21, $0x7;
	s22 =	sshll.u32 s22, $0x7  }
0xe: {  	s23 =	sshll.u32 s23, $0x7;
	s24 =	sshll.u32 s24, $0x7;
	s9 =	sshll.u32 s9, $0x4  }
0xf: {  	s10 =	sshll.u32 s10, $0x4;
	s14 =	sshll.u32 s26, $0x4;
	s16 =	sshll.u32 s13, $0x4  }
0x10: {  	s13 =	sadd.s32 s5, s3;
	s26 =	smul.u32 $0x50000, s15;
	s9 =	sadd.s32 s11, s9  }
0x11: {  	s3 =	simm.s32 $0x1;
	s19 =	sadd.s32 s11, s10;
	[dreg:$0x5] =	wrdreg s9  }
0x12: {  	s17 =	sadd.s32 s11, s16;
	[dreg:$0x6] =	wrdreg s19;
	s9 =	sshll.u32 s20, $0x4  }
0x13: {  	[dreg:$0x9] =	wrdreg s17;
	s19 =	sadd.s32 s7, s25;
	s7 =	sadd.s32 s7, s8  }
0x14: {  	s20 =	smul.u32 $0x4E2, s15;
	s17 =	sadd.s32 $0xE200, s0;
	s25 =	sshll.u32 s25, $0x7  }
0x15: {  	s0 =	simm.s32 $0x2980;
	s9 =	sadd.s32 s11, s9;
	s10 =	sshll.u32 s19, $0x4  }
0x16: {  	s7 =	sshll.u32 s7, $0x4;
	s19 =	smax.u32 s6, $0x1;
	[dreg:$0x7] =	wrdreg s9  }
0x17: {  	s9 =	sadd.s32 s11, s14;
	s10 =	sadd.s32 s11, s10;
	s14 =	rddreg [dreg:$0x2]  }
0x18: {  	s15 =	sadd.s32 s20, s5;
	s16 =	sadd.s32 s20, s4;
	s20 =	sshll.u32 s12, $0x7  }
0x19: {  	s12 =	simm.s32 $0x2900;
	s4 =	simm.s32 $0x2;
	s5 =	simm.s32 $0x0  }
0x1a: {  	[dreg:$0x8] =	wrdreg s9;
	s9 =	sshll.u32 s18, $0x4;
	s20 =	sadd.s32 s20, s14  }
0x1b: {  	s21 =	sadd.s32 s21, s14;
	s22 =	sadd.s32 s22, s14;
	s23 =	sadd.s32 s23, s14  }
0x1c: {  	s24 =	sadd.s32 s24, s14;
	s9 =	sadd.s32 s11, s9;
	s11 =	sadd.s32 s11, s7  }
0x1d: {  	s7 =	sshrl.u32 s26, $0x2;
	[dreg:$0xa] =	wrdreg s9;
	s9 =	smul.u32 $0x2710, s1  }
0x1e: {  	s25 =	sadd.s32 s25, s14;
	s26 =	sshll.u32 s8, $0x7;
	s18 =	sadd.s32 s7, s14  }
0x1f: {  	s26 =	sadd.s32 s26, s14;
	s1 =	simm.s32 $0x2A00;
	_ =	strace $0x80000047;
	v0 =	vmov s9  }
.LBB2_1:
0x20: {  	s6 =	rddreg [dreg:$0x1]  }
0x21: {  	[tilespmem:s28], [sflag:$0x3] =	stream.linear.gather [hbm4b:s6+s2], $0x2800, $0x38;
	[tilespmem:$0x19200] =	vst v63  }
0x22: {  	_ =	swait.ge [sflag:s29], $0x2800  }
0x23: {  	[sflag:s29] =	ssyncset.done $0x0  }
0x24: {  	[sflag:s29] =	ssyncadd.s32 $0xFFFFD800  }
0x25: {  	[spmem:s18] =	stream.linear.scatter [tilespmem:s28], [sflag:$0x3], $0x2800, $0x38;
	[tilespmem:$0x19200] =	vst v63  }
0x26: {  	_ =	swait.ge [sflag:s29], $0x2800  }
0x27: {  	[sflag:s29] =	ssyncset.done $0x0  }
0x28: {  	[sflag:s29] =	ssyncadd.s32 $0xFFFFD800  }
0x29: {  	[spmem:s20] =	stream.linear.scatter [tilespmem:s28], [sflag:$0x3], $0x2800, $0x38;
	[tilespmem:$0x19200] =	vst v63  }
0x2a: {  	_ =	swait.ge [sflag:s29], $0x2800  }
0x2b: {  	[sflag:s29] =	ssyncset.done $0x0  }
0x2c: {  	[sflag:s29] =	ssyncadd.s32 $0xFFFFD800  }
0x2d: {  	[spmem:s21] =	stream.linear.scatter [tilespmem:s28], [sflag:$0x3], $0x2800, $0x38;
	[tilespmem:$0x19200] =	vst v63  }
0x2e: {  	_ =	swait.ge [sflag:s29], $0x2800  }
0x2f: {  	[sflag:s29] =	ssyncset.done $0x0  }
0x30: {  	[sflag:s29] =	ssyncadd.s32 $0xFFFFD800  }
0x31: {  	[spmem:s22] =	stream.linear.scatter [tilespmem:s28], [sflag:$0x3], $0x2800, $0x38;
	[tilespmem:$0x19200] =	vst v63  }
0x32: {  	_ =	swait.ge [sflag:s29], $0x2800  }
0x33: {  	[sflag:s29] =	ssyncset.done $0x0  }
0x34: {  	[sflag:s29] =	ssyncadd.s32 $0xFFFFD800  }
0x35: {  	[spmem:s23] =	stream.linear.scatter [tilespmem:s28], [sflag:$0x3], $0x2800, $0x38;
	[tilespmem:$0x19200] =	vst v63  }
0x36: {  	_ =	swait.ge [sflag:s29], $0x2800  }
0x37: {  	[sflag:s29] =	ssyncset.done $0x0  }
0x38: {  	[sflag:s29] =	ssyncadd.s32 $0xFFFFD800  }
0x39: {  	[spmem:s24] =	stream.linear.scatter [tilespmem:s28], [sflag:$0x3], $0x2800, $0x38;
	[tilespmem:$0x19200] =	vst v63  }
0x3a: {  	_ =	swait.ge [sflag:s29], $0x2800  }
0x3b: {  	[sflag:s29] =	ssyncset.done $0x0  }
0x3c: {  	[sflag:s29] =	ssyncadd.s32 $0xFFFFD800  }
0x3d: {  	[spmem:s25] =	stream.linear.scatter [tilespmem:s28], [sflag:$0x3], $0x2800, $0x38;
	[tilespmem:$0x19200] =	vst v63  }
0x3e: {  	_ =	swait.ge [sflag:s29], $0x2800  }
0x3f: {  	[sflag:s29] =	ssyncset.done $0x0  }
0x40: {  	[sflag:s29] =	ssyncadd.s32 $0xFFFFD800  }
0x41: {  	[spmem:s26] =	stream.linear.scatter [tilespmem:s28], [sflag:$0x3], $0x2800, $0x38;
	[tilespmem:$0x19200] =	vst v63  }
0x42: {  	_ =	swait.ge [sflag:s29], $0x2800  }
0x43: {  	[sflag:s29] =	ssyncset.done $0x0  }
0x44: {  	[sflag:s29] =	ssyncadd.s32 $0xFFFFD800  }
0x45: {  	[bflag:$0x0] =	sbarrier.arrive $0xFFFF  }
0x46: {  	s8 =	rddreg [dreg:$0x4]  }
0x47: {  	[tilespmem:s2], [sflag:$0x3] =	stream.linear.gather [hbm4b:s8+s2], $0x50, $0x38;
	[tilespmem:$0x19200] =	vst v63  }
0x48: {  	_ =	swait.ge [sflag:s29], $0x50  }
0x49: {  	[sflag:s29] =	ssyncset.done $0x0  }
0x4a: {  	[sflag:s29] =	ssyncadd.s32 $0xFFFFFFB0  }
0x4b: {  	[tilespmem:s30], [sflag:$0x3] =	stream.linear.gather [hbm4b:s13+s2], $0x50, $0x38;
	[tilespmem:$0x19200] =	vst v63  }
0x4c: {  	_ =	swait.ge [sflag:s29], $0x50  }
0x4d: {  	[sflag:s29] =	ssyncset.done $0x0  }
0x4e: {  	[sflag:s29] =	ssyncadd.s32 $0xFFFFFFB0  }
0x4f: {  	v1 =	vld [tilespmem:$0x80]  }
0x50: {  	v2 =	vld [tilespmem:$0x90]  }
0x51: {  	v3 =	vld [tilespmem:$0xA0]  }
0x52: {  	v4 =	vld [tilespmem:$0xB0]  }
0x53: {  	v5 =	vld [tilespmem:$0xC0]  }
0x54: {  	v1 =	vadd.s32 v0, v1  }
0x55: {  	[tilespmem:$0x80] =	vst v1;
	v1 =	vadd.s32 v0, v2  }
0x56: {  	[tilespmem:$0x90] =	vst v1;
	v1 =	vadd.s32 v0, v3  }
0x57: {  	[tilespmem:$0xA0] =	vst v1;
	v1 =	vadd.s32 v0, v4  }
0x58: {  	[tilespmem:$0xB0] =	vst v1;
	v1 =	vadd.s32 v0, v5  }
0x59: {  	s6 =	sadd.s32 $0xFFFFFB28, s16;
	[tilespmem:$0xC0] =	vst v1  }
0x5a: {  	[tilespmem:s28], [sflag:$0x1] =	stream.indirect.gather [hbm4b:s17+s31], $0x80, s30, s31, $0xb8;
	[tilespmem:$0x19200] =	vst v63  }
0x5b: {  	s7 =	sadd.s32 $0x4E2, s6  }
0x5c: {  	[tilespmem:s12], [sflag:$0x3] =	stream.linear.gather [hbm4b:s7+s2], $0x50, $0x38;
	[tilespmem:$0x19200] =	vst v63  }
0x5d: {  	_ =	swait.ge [sflag:s29], $0x50  }
0x5e: {  	s9 =	sadd.s32 $0xFFFFFB28, s15;
	[sflag:s29] =	ssyncset.done $0x0  }
0x5f: {  	s8 =	sadd.s32 $0x4E2, s9;
	[sflag:s29] =	ssyncadd.s32 $0xFFFFFFB0  }
0x60: {  	[tilespmem:s0], [sflag:$0x3] =	stream.linear.gather [hbm4b:s8+s2], $0x50, $0x38;
	[tilespmem:$0x19200] =	vst v63  }
0x61: {  	_ =	swait.ge [sflag:s29], $0x50  }
0x62: {  	[sflag:s29] =	ssyncset.done $0x0  }
0x63: {  	[sflag:s29] =	ssyncadd.s32 $0xFFFFFFB0  }
0x64: {  	v1 =	vld [tilespmem:$0x29C0]  }
0x65: {  	v2 =	vld [tilespmem:$0x29A0]  }
0x66: {  	v3 =	vld [tilespmem:$0x2990]  }
0x67: {  	v60 =	vld [tilespmem:$0x2980]  }
0x68: {  	v61 =	vld [tilespmem:$0x29B0]  }
0x69: {  	v1 =	vadd.s32 v0, v1  }
0x6a: {  	v2 =	vadd.s32 v0, v2;
	[tilespmem:$0x29C0] =	vst v1  }
0x6b: {  	v1 =	vadd.s32 v0, v3;
	[tilespmem:$0x29A0] =	vst v2  }
0x6c: {  	v2 =	vadd.s32 v0, v60;
	[tilespmem:$0x2990] =	vst v1  }
0x6d: {  	[tilespmem:$0x2980] =	vst v2;
	v1 =	vadd.s32 v0, v61  }
0x6e: {  	[tilespmem:$0x29B0] =	vst v1  }
0x6f: {  	[tilespmem:s1], [sflag:$0x2] =	stream.indirect.gather [hbm4b:s17+s31], $0x80, s0, s31, $0xb8;
	[tilespmem:$0x19200] =	vst v63  }
0x70: {  	_ =	swait.ge [sflag:s3], $0x2800  }
0x71: {  	[sflag:s3] =	ssyncset.done $0x0  }
0x72: {  	[sflag:s3] =	ssyncadd.s32 $0xFFFFD800  }
0x73: {  	[spmem:s14] =	stream.indirect.scatter.add.f32 [tilespmem:s28], [sflag:$0x3], $0x80, s2, s31, $0xb8;
	[tilespmem:$0x19200] =	vst v63  }
0x74: {  	_ =	swait.ge [sflag:s29], $0x2800  }
0x75: {  	[sflag:s29] =	ssyncset.done $0x0  }
0x76: {  	s6 =	sadd.s32 $0x4EC, s6;
	[sflag:s29] =	ssyncadd.s32 $0xFFFFD800  }
0x77: {  	[tilespmem:s2], [sflag:$0x3] =	stream.linear.gather [hbm4b:s6+s2], $0x50, $0x38;
	[tilespmem:$0x19200] =	vst v63  }
0x78: {  	_ =	swait.ge [sflag:s29], $0x50  }
0x79: {  	[sflag:s29] =	ssyncset.done $0x0  }
0x7a: {  	s9 =	sadd.s32 $0x4EC, s9;
	[sflag:s29] =	ssyncadd.s32 $0xFFFFFFB0  }
0x7b: {  	[tilespmem:s30], [sflag:$0x3] =	stream.linear.gather [hbm4b:s9+s2], $0x50, $0x38;
	[tilespmem:$0x19200] =	vst v63  }
0x7c: {  	_ =	swait.ge [sflag:s29], $0x50  }
0x7d: {  	[sflag:s29] =	ssyncset.done $0x0  }
0x7e: {  	[sflag:s29] =	ssyncadd.s32 $0xFFFFFFB0  }
0x7f: {  	v1 =	vld [tilespmem:$0xC0]  }
0x80: {  	v2 =	vld [tilespmem:$0xB0]  }
0x81: {  	v3 =	vld [tilespmem:$0x90]  }
0x82: {  	v62 =	vld [tilespmem:$0x80]  }
0x83: {  	v63 =	vld [tilespmem:$0xA0]  }
0x84: {  	v1 =	vadd.s32 v0, v1  }
0x85: {  	v2 =	vadd.s32 v0, v2;
	[tilespmem:$0xC0] =	vst v1  }
0x86: {  	v1 =	vadd.s32 v0, v3;
	[tilespmem:$0xB0] =	vst v2  }
0x87: {  	v2 =	vadd.s32 v0, v62;
	[tilespmem:$0x90] =	vst v1  }
0x88: {  	s6 =	simm.s32 $0xFFFFFB3C;
	[tilespmem:$0x80] =	vst v2;
	v1 =	vadd.s32 v0, v63  }
.LBB2_2:
0x89: {  	p0 =	sne.s32 s6, $0xFFFFFFEC;
	[tilespmem:$0xA0] =	vst v1;
	s8 =	smov.u32 s6;
	s6 =	sadd.s32 $0x14, s6  }
0x8a: {  	[tilespmem:s28], [sflag:$0x1] =	stream.indirect.gather [hbm4b:s17+s31], $0x80, s30, s31, $0xb8;
	[tilespmem:$0x19200] =	vst v63  }
0x8b: {  	_ =	swait.ge [sflag:s4], $0x2800  }
0x8c: {  	[sflag:s4] =	ssyncset.done $0x0  }
0x8d: {  	[sflag:s4] =	ssyncadd.s32 $0xFFFFD800  }
0x8e: {  	[spmem:s14] =	stream.indirect.scatter.add.f32 [tilespmem:s1], [sflag:$0x3], $0x80, s12, s31, $0xb8;
	[tilespmem:$0x19200] =	vst v63  }
0x8f: {  	_ =	swait.ge [sflag:s29], $0x2800  }
0x90: {  	s7 =	sadd.s32 s8, s16;
	[sflag:s29] =	ssyncset.done $0x0  }
0x91: {  	s9 =	sadd.s32 $0x4E2, s7;
	[sflag:s29] =	ssyncadd.s32 $0xFFFFD800  }
0x92: {  	[tilespmem:s12], [sflag:$0x3] =	stream.linear.gather [hbm4b:s9+s2], $0x50, $0x38;
	[tilespmem:$0x19200] =	vst v63  }
0x93: {  	_ =	swait.ge [sflag:s29], $0x50  }
0x94: {  	s8 =	sadd.s32 s8, s15;
	[sflag:s29] =	ssyncset.done $0x0  }
0x95: {  	s9 =	sadd.s32 $0x4E2, s8;
	[sflag:s29] =	ssyncadd.s32 $0xFFFFFFB0  }
0x96: {  	[tilespmem:s0], [sflag:$0x3] =	stream.linear.gather [hbm4b:s9+s2], $0x50, $0x38;
	[tilespmem:$0x19200] =	vst v63  }
0x97: {  	_ =	swait.ge [sflag:s29], $0x50  }
0x98: {  	[sflag:s29] =	ssyncset.done $0x0  }
0x99: {  	[sflag:s29] =	ssyncadd.s32 $0xFFFFFFB0  }
0x9a: {  	v1 =	vld [tilespmem:$0x29C0]  }
0x9b: {  	v2 =	vld [tilespmem:$0x29A0]  }
0x9c: {  	v3 =	vld [tilespmem:$0x2990]  }
0x9d: {  	v4 =	vld [tilespmem:$0x2980]  }
0x9e: {  	v5 =	vld [tilespmem:$0x29B0]  }
0x9f: {  	v1 =	vadd.s32 v0, v1  }
0xa0: {  	v2 =	vadd.s32 v0, v2;
	[tilespmem:$0x29C0] =	vst v1  }
0xa1: {  	v1 =	vadd.s32 v0, v3;
	[tilespmem:$0x29A0] =	vst v2  }
0xa2: {  	v2 =	vadd.s32 v0, v4;
	[tilespmem:$0x2990] =	vst v1  }
0xa3: {  	[tilespmem:$0x2980] =	vst v2;
	v1 =	vadd.s32 v0, v5  }
0xa4: {  	[tilespmem:$0x29B0] =	vst v1  }
0xa5: {  	[tilespmem:s1], [sflag:$0x2] =	stream.indirect.gather [hbm4b:s17+s31], $0x80, s0, s31, $0xb8;
	[tilespmem:$0x19200] =	vst v63  }
0xa6: {  	_ =	swait.ge [sflag:s3], $0x2800  }
0xa7: {  	[sflag:s3] =	ssyncset.done $0x0  }
0xa8: {  	[sflag:s3] =	ssyncadd.s32 $0xFFFFD800  }
0xa9: {  	[spmem:s14] =	stream.indirect.scatter.add.f32 [tilespmem:s28], [sflag:$0x3], $0x80, s2, s31, $0xb8;
	[tilespmem:$0x19200] =	vst v63  }
0xaa: {  	_ =	swait.ge [sflag:s29], $0x2800  }
0xab: {  	[sflag:s29] =	ssyncset.done $0x0  }
0xac: {  	s7 =	sadd.s32 $0x4EC, s7;
	[sflag:s29] =	ssyncadd.s32 $0xFFFFD800  }
0xad: {  	[tilespmem:s2], [sflag:$0x3] =	stream.linear.gather [hbm4b:s7+s2], $0x50, $0x38;
	[tilespmem:$0x19200] =	vst v63  }
0xae: {  	_ =	swait.ge [sflag:s29], $0x50  }
0xaf: {  	[sflag:s29] =	ssyncset.done $0x0  }
0xb0: {  	s7 =	sadd.s32 $0x4EC, s8;
	[sflag:s29] =	ssyncadd.s32 $0xFFFFFFB0  }
0xb1: {  	[tilespmem:s30], [sflag:$0x3] =	stream.linear.gather [hbm4b:s7+s2], $0x50, $0x38;
	[tilespmem:$0x19200] =	vst v63  }
0xb2: {  	_ =	swait.ge [sflag:s29], $0x50  }
0xb3: {  	[sflag:s29] =	ssyncset.done $0x0  }
0xb4: {  	[sflag:s29] =	ssyncadd.s32 $0xFFFFFFB0  }
0xb5: {  	v1 =	vld [tilespmem:$0xC0]  }
0xb6: {  	v2 =	vld [tilespmem:$0xB0]  }
0xb7: {  	v3 =	vld [tilespmem:$0x90]  }
0xb8: {  	v4 =	vld [tilespmem:$0x80]  }
0xb9: {  	v5 =	vld [tilespmem:$0xA0]  }
.Ltmp0:
0xba: {  	v1 =	vadd.s32 v0, v1;
	(pc) =	sbr.rel @p0 .LBB2_2-.Ltmp0, $4  }
0xbb: {  	v2 =	vadd.s32 v0, v2;
	[tilespmem:$0xC0] =	vst v1  }
0xbc: {  	v1 =	vadd.s32 v0, v3;
	[tilespmem:$0xB0] =	vst v2  }
0xbd: {  	v2 =	vadd.s32 v0, v4;
	[tilespmem:$0x90] =	vst v1  }
0xbe: {  	[tilespmem:$0x80] =	vst v2;
	v1 =	vadd.s32 v0, v5  }
0xbf: {  	[tilespmem:$0xA0] =	vst v1  }
0xc0: {  	[tilespmem:s28], [sflag:$0x1] =	stream.indirect.gather [hbm4b:s17+s31], $0x80, s30, s31, $0xb8;
	[tilespmem:$0x19200] =	vst v63  }
0xc1: {  	_ =	swait.ge [sflag:s4], $0x2800  }
0xc2: {  	[sflag:s4] =	ssyncset.done $0x0  }
0xc3: {  	[sflag:s4] =	ssyncadd.s32 $0xFFFFD800  }
0xc4: {  	[spmem:s14] =	stream.indirect.scatter.add.f32 [tilespmem:s1], [sflag:$0x3], $0x80, s12, s31, $0xb8;
	[tilespmem:$0x19200] =	vst v63  }
0xc5: {  	_ =	swait.ge [sflag:s29], $0x2800  }
0xc6: {  	[sflag:s29] =	ssyncset.done $0x0  }
0xc7: {  	[sflag:s29] =	ssyncadd.s32 $0xFFFFD800  }
0xc8: {  	_ =	swait.ge [sflag:s3], $0x2800  }
0xc9: {  	[sflag:s3] =	ssyncset.done $0x0  }
0xca: {  	[sflag:s3] =	ssyncadd.s32 $0xFFFFD800  }
0xcb: {  	[spmem:s14] =	stream.indirect.scatter.add.f32 [tilespmem:s28], [sflag:$0x3], $0x80, s2, s31, $0xb8;
	[tilespmem:$0x19200] =	vst v63  }
0xcc: {  	_ =	swait.ge [sflag:s29], $0x2800  }
0xcd: {  	[sflag:s29] =	ssyncset.done $0x0  }
0xce: {  	[sflag:s29] =	ssyncadd.s32 $0xFFFFD800  }
0xcf: {  	[bflag:$0x0] =	sbarrier.arrive $0xFFFF  }
0xd0: {  	[tilespmem:s28], [sflag:$0x3] =	stream.linear.gather [spmem:s18], $0x2800, $0x38;
	[tilespmem:$0x19200] =	vst v63  }
0xd1: {  	_ =	swait.ge [sflag:s29], $0x2800  }
0xd2: {  	[sflag:s29] =	ssyncset.done $0x0  }
0xd3: {  	s6 =	rddreg [dreg:$0x5];
	[sflag:s29] =	ssyncadd.s32 $0xFFFFD800  }
0xd4: {  	[hbm4b:s6+s2] =	stream.linear.scatter [tilespmem:s28], [sflag:$0x3], $0x2800, $0x38;
	[tilespmem:$0x19200] =	vst v63  }
0xd5: {  	_ =	swait.ge [sflag:s29], $0x2800  }
0xd6: {  	[sflag:s29] =	ssyncset.done $0x0  }
0xd7: {  	[sflag:s29] =	ssyncadd.s32 $0xFFFFD800  }
0xd8: {  	[tilespmem:s28], [sflag:$0x3] =	stream.linear.gather [spmem:s20], $0x2800, $0x38;
	[tilespmem:$0x19200] =	vst v63  }
0xd9: {  	_ =	swait.ge [sflag:s29], $0x2800  }
0xda: {  	[sflag:s29] =	ssyncset.done $0x0  }
0xdb: {  	s8 =	rddreg [dreg:$0x6];
	[sflag:s29] =	ssyncadd.s32 $0xFFFFD800  }
0xdc: {  	[hbm4b:s8+s2] =	stream.linear.scatter [tilespmem:s28], [sflag:$0x3], $0x2800, $0x38;
	[tilespmem:$0x19200] =	vst v63  }
0xdd: {  	_ =	swait.ge [sflag:s29], $0x2800  }
0xde: {  	[sflag:s29] =	ssyncset.done $0x0  }
0xdf: {  	[sflag:s29] =	ssyncadd.s32 $0xFFFFD800  }
0xe0: {  	[tilespmem:s28], [sflag:$0x3] =	stream.linear.gather [spmem:s21], $0x2800, $0x38;
	[tilespmem:$0x19200] =	vst v63  }
0xe1: {  	_ =	swait.ge [sflag:s29], $0x2800  }
0xe2: {  	[sflag:s29] =	ssyncset.done $0x0  }
0xe3: {  	s9 =	rddreg [dreg:$0x7];
	[sflag:s29] =	ssyncadd.s32 $0xFFFFD800  }
0xe4: {  	[hbm4b:s9+s2] =	stream.linear.scatter [tilespmem:s28], [sflag:$0x3], $0x2800, $0x38;
	[tilespmem:$0x19200] =	vst v63  }
0xe5: {  	_ =	swait.ge [sflag:s29], $0x2800  }
0xe6: {  	[sflag:s29] =	ssyncset.done $0x0  }
0xe7: {  	[sflag:s29] =	ssyncadd.s32 $0xFFFFD800  }
0xe8: {  	[tilespmem:s28], [sflag:$0x3] =	stream.linear.gather [spmem:s22], $0x2800, $0x38;
	[tilespmem:$0x19200] =	vst v63  }
0xe9: {  	_ =	swait.ge [sflag:s29], $0x2800  }
0xea: {  	[sflag:s29] =	ssyncset.done $0x0  }
0xeb: {  	s7 =	rddreg [dreg:$0x8];
	[sflag:s29] =	ssyncadd.s32 $0xFFFFD800  }
0xec: {  	[hbm4b:s7+s2] =	stream.linear.scatter [tilespmem:s28], [sflag:$0x3], $0x2800, $0x38;
	[tilespmem:$0x19200] =	vst v63  }
0xed: {  	_ =	swait.ge [sflag:s29], $0x2800  }
0xee: {  	[sflag:s29] =	ssyncset.done $0x0  }
0xef: {  	[sflag:s29] =	ssyncadd.s32 $0xFFFFD800  }
0xf0: {  	[tilespmem:s28], [sflag:$0x3] =	stream.linear.gather [spmem:s23], $0x2800, $0x38;
	[tilespmem:$0x19200] =	vst v63  }
0xf1: {  	_ =	swait.ge [sflag:s29], $0x2800  }
0xf2: {  	[sflag:s29] =	ssyncset.done $0x0  }
0xf3: {  	s8 =	rddreg [dreg:$0x9];
	[sflag:s29] =	ssyncadd.s32 $0xFFFFD800  }
0xf4: {  	[hbm4b:s8+s2] =	stream.linear.scatter [tilespmem:s28], [sflag:$0x3], $0x2800, $0x38;
	[tilespmem:$0x19200] =	vst v63  }
0xf5: {  	_ =	swait.ge [sflag:s29], $0x2800  }
0xf6: {  	[sflag:s29] =	ssyncset.done $0x0  }
0xf7: {  	[sflag:s29] =	ssyncadd.s32 $0xFFFFD800  }
0xf8: {  	[tilespmem:s28], [sflag:$0x3] =	stream.linear.gather [spmem:s24], $0x2800, $0x38;
	[tilespmem:$0x19200] =	vst v63  }
0xf9: {  	_ =	swait.ge [sflag:s29], $0x2800  }
0xfa: {  	[sflag:s29] =	ssyncset.done $0x0  }
0xfb: {  	s9 =	rddreg [dreg:$0xa];
	[sflag:s29] =	ssyncadd.s32 $0xFFFFD800  }
0xfc: {  	[hbm4b:s9+s2] =	stream.linear.scatter [tilespmem:s28], [sflag:$0x3], $0x2800, $0x38;
	[tilespmem:$0x19200] =	vst v63  }
0xfd: {  	_ =	swait.ge [sflag:s29], $0x2800  }
0xfe: {  	[sflag:s29] =	ssyncset.done $0x0  }
0xff: {  	[sflag:s29] =	ssyncadd.s32 $0xFFFFD800  }
0x100: {  	[tilespmem:s28], [sflag:$0x3] =	stream.linear.gather [spmem:s25], $0x2800, $0x38;
	[tilespmem:$0x19200] =	vst v63  }
0x101: {  	_ =	swait.ge [sflag:s29], $0x2800  }
0x102: {  	[sflag:s29] =	ssyncset.done $0x0  }
0x103: {  	[sflag:s29] =	ssyncadd.s32 $0xFFFFD800  }
0x104: {  	[hbm4b:s10+s2] =	stream.linear.scatter [tilespmem:s28], [sflag:$0x3], $0x2800, $0x38;
	[tilespmem:$0x19200] =	vst v63  }
0x105: {  	_ =	swait.ge [sflag:s29], $0x2800  }
0x106: {  	[sflag:s29] =	ssyncset.done $0x0  }
0x107: {  	[sflag:s29] =	ssyncadd.s32 $0xFFFFD800  }
0x108: {  	[tilespmem:s28], [sflag:$0x3] =	stream.linear.gather [spmem:s26], $0x2800, $0x38;
	[tilespmem:$0x19200] =	vst v63  }
0x109: {  	s5 =	sadd.s32 $0x1, s5;
	_ =	swait.ge [sflag:s29], $0x2800  }
0x10a: {  	p0 =	sne.s32 s5, s19;
	[sflag:s29] =	ssyncset.done $0x0  }
.Ltmp1:
0x10b: {  	[sflag:s29] =	ssyncadd.s32 $0xFFFFD800;
	(pc) =	sbr.rel @p0 .LBB2_1-.Ltmp1, $4  }
0x10c: {  	[hbm4b:s11+s2] =	stream.linear.scatter [tilespmem:s28], [sflag:$0x3], $0x2800, $0x38;
	[tilespmem:$0x19200] =	vst v63  }
0x10d: {  	_ =	swait.ge [sflag:s29], $0x2800  }
0x10e: {  	[sflag:s29] =	ssyncset.done $0x0  }
0x10f: {  	[sflag:s29] =	ssyncadd.s32 $0xFFFFD800  }
0x110: {  	_ =	sfence.sel $0x180000  }
0x111: {  	[bflag:$0x0] =	sbarrier.arrive $0xFFFF  }
0x112: {  	_ =	strace $0x90000047  }
0x113: {  	s0 =	stileid.u32;
	[bflag:$0x2] =	sbarrier.arrive $0xFFFF  }
0x114: {  	p0 =	sne.s32 s0, $0x0;
	s0 =	rddreg [dreg:$0x3]  }
0x115: {  	s0 =	sadd.s32 @!p0 $0x100000, s0  }
0x116: {  	[sflag:s0] =	ssyncadd.tile.s32 @!p0 $0x1;
	_ =	shalt  }
.Lfunc_end2:
_tile_overlayer_lowered:
.L_overlay_start_2:
0x117: {  	(tag) =	ssettag $0x2  }
0x118: {  	s0 =	rddreg [dreg:$0x0];
	s2 =	stileid.u32  }
0x119: {  	s1 =	rddreg [dreg:$0x1];
	p0 =	sne.s32 s2, $0x0  }
0x11a: {  	s3 =	rddreg [dreg:$0x2];
	[bflag:$0x3] =	sbarrier.arrive $0xFFFF;
	s2 =	simm.s32 @!p0 $0x1C03  }
0x11b: {  	[timem:s3], [sflag:s2] =	dma.local @!p0 [hbm:s0], s1  }
0x11c: {  	s0 =	simm.s32 @!p0 $0x3  }
0x11d: {  	_ =	swait.ge @!p0 [sflag:s0], s1  }
0x11e: {  	s1 =	ssub.s32 @!p0 $0x0, s1;
	[sflag:s0] =	ssyncset.done @!p0 $0x0  }
0x11f: {  	[sflag:s0] =	ssyncadd.s32 @!p0 s1  }
0x120: {  	[bflag:$0x3] =	sbarrier.arrive $0xFFFF  }
0x121: {  	_ =	shalt  }

// kernel: kernel.16.cloned.1.call-start
scs
__scs_entry_jumppad:
0x0: {  	(pc) =	sbr.rel $0x88, $3  }
0x1: {  	(tag) =	ssettag $0x0;
	lr =	simm.s32 $0x1  }
0x2: {  	[smem:$0x3F84] =	sst lr;
	_ =	strace $0xD0000000  }
0x3: {  	_ = 	snop  }
0x4: {  	_ = 	snop  }
0x5: {  	_ = 	snop  }
0x6: {  	_ = 	snop  }
0x7: {  	_ = 	snop  }
__scs_overlays_trampoline_lowered:
0x8: {  	[smem:$0x3F93] =	sst s0  }
0x9: {  	[smem:$0x3F94] =	sst s1  }
0xa: {  	[smem:$0x3F95] =	sst s2  }
0xb: {  	[smem:$0x3F96] =	sst s3  }
0xc: {  	[smem:$0x3F97] =	sst s4  }
0xd: {  	[smem:$0x3F98] =	sst s5  }
0xe: {  	[smem:$0x3F99] =	sst s6  }
0xf: {  	[smem:$0x3F9A] =	sst s7  }
0x10: {  	[smem:$0x3F9B] =	sst s8  }
0x11: {  	[smem:$0x3F9C] =	sst s9;
	s0 =	simm.s32 @!p0 $0x0  }
0x12: {  	s1 =	sld [smem:$0x3F82];
	s0 =	simm.s32 @p0 $0x1  }
0x13: {  	[smem:$0x3F9D] =	sst s0;
	s0 =	simm.s32 @!p1 $0x0  }
0x14: {  	s2 =	sld [smem:$0x3F81];
	s0 =	simm.s32 @p1 $0x1  }
0x15: {  	[smem:$0x3F9E] =	sst s0;
	s0 =	simm.s32 @!p2 $0x0  }
0x16: {  	s3 =	sld [smem:$0x3FDB];
	s0 =	simm.s32 @p2 $0x1  }
0x17: {  	s4 =	simm.s32 $0x1BF5;
	[smem:$0x3FA0] =	sst s0  }
0x18: {  	s0 =	sld [smem:$0x3F83];
	_ =	swait.ge [sflag:s4], $0x0  }
0x19: {  	s7 =	sld [smem:$0x3F84]  }
0x1a: {  	s8 =	sadd.s32 $0xFFFFE003, lr  }
0x1b: {  	s9 =	sadd.s32 $0xFFFFFEF7, lr;
	s5 =	simm.s32 $0xFFFFFFFF;
	p2 =	slt.u32 s8, $0xFFFFF086  }
0x1c: {  	p1 =	slt.u32 s9, $0xF7A;
	s5 =	simm.s32 @!p2 $0x0  }
0x1d: {  	s5 =	simm.s32 @p1 $0x1;
	p0 =	seq.s32 s7, s2  }
0x1e: {  	s7 =	smul.u32 @!p0 $0xF7A, s2;
	p2 =	seq.s32 @!p0 s5, $0x0  }
0x1f: {  	s9 =	smul.u32 $0xF7A, s1;
	s8 =	simm.s32 @!p0 $0x1BF5;
	p2 =	por !p2, p0  }
0x20: {  	[sflag:s8] =	ssyncset.s32 @!p0 $0xFFFFF086;
	s6 =	sadd.s32 @!p0 s3, s7;
	s7 =	simm.s32 @!p0 $0x108  }
0x21: {  	s3 =	sadd.s32 s3, s9;
	s6 =	sadd.s32 @!p0 $0x88, s6;
	s7 =	simm.s32 @p2 $0x1082  }
0x22: {  	[simem:s7], [sflag:s8] =	dma.local @!p0 [hbm:s6], $0xF7A  }
0x23: {  	s9 =	sor.u32 $0xD0000000, s2;
	s6 =	simm.s32 $0x108;
	_ =	swait.ge @!p0 [sflag:s8], $0x0  }
0x24: {  	s3 =	sadd.s32 $0x88, s3;
	s6 =	simm.s32 @!p1 $0x1082;
	[sflag:s4] =	ssyncset.s32 $0xFFFFF086  }
0x25: {  	[simem:s6], [sflag:s4] =	dma.local [hbm:s3], $0xF7A  }
0x26: {  	[smem:$0x3F84] =	sst s1;
	(tag) =	ssettag s2;
	_ =	strace s9  }
0x27: {  	s1 =	sld [smem:$0x3F94]  }
0x28: {  	s2 =	sld [smem:$0x3F95]  }
0x29: {  	s4 =	sld [smem:$0x3F97]  }
0x2a: {  	p0 =	seq.s32 s5, $0x0;
	s5 =	sld [smem:$0x3F98]  }
0x2b: {  	s6 =	sld [smem:$0x3F99]  }
0x2c: {  	s7 =	sld [smem:$0x3F9A]  }
0x2d: {  	s3 =	simm.s32 $0x108;
	s8 =	sld [smem:$0x3F9B]  }
0x2e: {  	s3 =	simm.s32 @!p0 $0x1082;
	s9 =	sld [smem:$0x3F9C]  }
0x2f: {  	lr =	sadd.s32 s0, s3;
	s0 =	sld [smem:$0x3F93]  }
0x30: {  	s3 =	sld [smem:$0x3F96]  }
0x31: {  	[smem:$0x3F9F] =	sst s10  }
0x32: {  	s10 =	sld [smem:$0x3F9D];
	_ =	sdelay $0x3  }
0x33: {  	p0 =	seq.s32 s10, $0x1;
	s10 =	sld [smem:$0x3F9F];
	_ =	sdelay $0x3  }
0x34: {  	[smem:$0x3F9F] =	sst s10  }
0x35: {  	s10 =	sld [smem:$0x3F9E];
	_ =	sdelay $0x3  }
0x36: {  	p1 =	seq.s32 s10, $0x1;
	s10 =	sld [smem:$0x3F9F];
	_ =	sdelay $0x3  }
0x37: {  	[smem:$0x3F9F] =	sst s10  }
0x38: {  	s10 =	sld [smem:$0x3FA0]  }
0x39: {  	_ = 	snop;
	(pc) =	sbr.ind lr, $3  }
0x3a: {  	_ = 	snop  }
0x3b: {  	_ = 	snop  }
0x3c: {  	p2 =	seq.s32 s10, $0x1;
	s10 =	sld [smem:$0x3F9F]  }
0x3d: {  	_ =	shalt  }
0x3e: {  	_ =	shalt  }
0x3f: {  	_ =	shalt  }
0x40: {  	_ =	shalt  }
0x41: {  	_ =	shalt  }
0x42: {  	_ =	shalt  }
0x43: {  	_ =	shalt  }
0x44: {  	_ =	shalt  }
0x45: {  	_ =	shalt  }
0x46: {  	_ =	shalt  }
0x47: {  	_ =	shalt  }
0x48: {  	_ =	shalt  }
0x49: {  	_ =	shalt  }
0x4a: {  	_ =	shalt  }
0x4b: {  	_ =	shalt  }
0x4c: {  	_ =	shalt  }
0x4d: {  	_ =	shalt  }
0x4e: {  	_ =	shalt  }
0x4f: {  	_ =	shalt  }
0x50: {  	_ =	shalt  }
0x51: {  	_ =	shalt  }
0x52: {  	_ =	shalt  }
0x53: {  	_ =	shalt  }
0x54: {  	_ =	shalt  }
0x55: {  	_ =	shalt  }
0x56: {  	_ =	shalt  }
0x57: {  	_ =	shalt  }
0x58: {  	_ =	shalt  }
0x59: {  	_ =	shalt  }
0x5a: {  	_ =	shalt  }
0x5b: {  	_ =	shalt  }
0x5c: {  	_ =	shalt  }
0x5d: {  	_ =	shalt  }
0x5e: {  	_ =	shalt  }
0x5f: {  	_ =	shalt  }
0x60: {  	_ =	shalt  }
0x61: {  	_ =	shalt  }
0x62: {  	_ =	shalt  }
0x63: {  	_ =	shalt  }
0x64: {  	_ =	shalt  }
0x65: {  	_ =	shalt  }
0x66: {  	_ =	shalt  }
0x67: {  	_ =	shalt  }
0x68: {  	_ =	shalt  }
0x69: {  	_ =	shalt  }
0x6a: {  	_ =	shalt  }
0x6b: {  	_ =	shalt  }
0x6c: {  	_ =	shalt  }
0x6d: {  	_ =	shalt  }
0x6e: {  	_ =	shalt  }
0x6f: {  	_ =	shalt  }
0x70: {  	_ =	shalt  }
0x71: {  	_ =	shalt  }
0x72: {  	_ =	shalt  }
0x73: {  	_ =	shalt  }
0x74: {  	_ =	shalt  }
0x75: {  	_ =	shalt  }
0x76: {  	_ =	shalt  }
0x77: {  	_ =	shalt  }
0x78: {  	_ =	shalt  }
0x79: {  	_ =	shalt  }
0x7a: {  	_ =	shalt  }
0x7b: {  	_ =	shalt  }
0x7c: {  	_ =	shalt  }
0x7d: {  	_ =	shalt  }
0x7e: {  	_ =	shalt  }
0x7f: {  	_ =	shalt  }
0x80: {  	_ =	shalt  }
0x81: {  	_ =	shalt  }
0x82: {  	_ =	shalt  }
0x83: {  	_ =	shalt  }
0x84: {  	_ =	shalt  }
0x85: {  	_ =	shalt  }
0x86: {  	_ =	shalt  }
0x87: {  	_ =	shalt  }
.Lfunc_end0:
.L_simem_size_0:
called_computation.2_lowered:
.L_overlay_start_0:
0x88: {  	s2 =	sld [smem:$0x3FD9]  }
0x89: {  	s3 =	sld [smem:$0x3FFE];
	_ =	sdelay $0x1  }
0x8a: {  	s1 =	srdreg.scid  }
0x8b: {  	s0 =	sand.u32 $0x1, s1  }
0x8c: {  	s17 =	sshll.u32 s0, $0xA;
	s2 =	sadd.s32 s3, s2  }
0x8d: {  	s2 =	sadd.s32 s2, s17  }
0x8e: {  	[smem:$0x3FAB] =	sst s2  }
0x8f: {  	_ = 	snop  }
0x90: {  	s2 =	sld [smem:$0x3FD0];
	(tm) =	ssettm $0x1  }
0x91: {  	s18 =	sld [smem:$0x3FFB];
	_ =	sdelay $0x3  }
0x92: {  	_ =	strace s18  }
0x93: {  	s3 =	sld [smem:$0x3FFC];
	_ =	sdelay $0x3  }
0x94: {  	_ =	strace s3  }
0x95: {  	s3 =	sld [smem:$0x3FFD];
	_ =	sdelay $0x3  }
0x96: {  	_ =	strace s3  }
0x97: {  	_ =	strace $0x8FFFFFFF  }
0x98: {  	s19 =	sld [smem:$0x3FDB];
	_ =	sdelay $0x1  }
0x99: {  	s4 =	simm.s32 $_scs_section_size  }
0x9a: {  	s5 =	simm.s32 $_size__tile_overlayer_lowered;
	s6 =	simm.s32 $_tile_overlayer_lowered  }
0x9b: {  	s22 =	simm.s32 $0x1BFF;
	s21 =	sshll.u32 s6, $0x1;
	s3 =	sadd.s32 s4, s19  }
0x9c: {  	s7 =	simm.s32 $0x0;
	s20 =	sshll.u32 s5, $0x1;
	s5 =	sadd.s32 s21, s3  }
0x9d: {  	[timem:s7], [sflag:s22] =	dma.local [hbm:s5], s20  }
0x9e: {  	_ =	swait.ge [sflag:s22], s20  }
0x9f: {  	s4 =	ssub.s32 $0x0, s20;
	[sflag:s22] =	ssyncset.done $0x0  }
0xa0: {  	[sflag:s22] =	ssyncadd.s32 s4;
	_ =	sdelay $0x1  }
0xa1: {  	s23 =	simm.s32 $0x1B8B  }
0xa2: {  	_ =	swait.ge [sflag:s23], $0x1  }
0xa3: {  	[sflag:s23] =	ssyncset.done $0x0  }
0xa4: {  	s25 =	simm.s32 $0x1B8E;
	s24 =	sld [smem:$0x3FFE];
	[sflag:s23] =	ssyncadd.s32 $0xFFFFFFFF  }
0xa5: {  	s26 =	simm.s32 $execute0_lowered;
	[smem:$0x3FD2] =	sst s25  }
0xa6: {  	s5 =	sshll.u32 s26, $0x1;
	_ =	strace $0x8000004C;
	[dreg:$0x1] =	wrdreg $0xFFFFFFFF  }
0xa7: {  	s28 =	simm.s32 $_size_execute0_lowered;
	s3 =	sadd.s32 s3, s5;
	[dreg:$0x0] =	wrdreg $0x0  }
0xa8: {  	s5 =	sshll.u32 s28, $0x1;
	[dreg:$0x2] =	wrdreg s3  }
0xa9: {  	[dreg:$0x3] =	wrdreg s5  }
0xaa: {  	[dreg:$0x4] =	wrdreg $0xC0  }
0xab: {  	_ =	task [dreg:s7], $0x5FFFF  }
0xac: {  	[dreg:$0x1] =	wrdreg $0xFFFFFFFF  }
0xad: {  	[dreg:$0x0] =	wrdreg $0x60  }
0xae: {  	[dreg:$0x2] =	wrdreg s24  }
0xaf: {  	[dreg:$0x3] =	wrdreg s2  }
0xb0: {  	[dreg:$0x4] =	wrdreg $0x52000  }
0xb1: {  	[dreg:$0x5] =	wrdreg $0x9  }
0xb2: {  	_ =	task.clear_ibuf [dreg:s7], $0x6FFFF;
	_ =	strace $0x9000004C  }
0xb3: {  	s29 =	simm.s32 $0x9;
	_ =	strace $0x8000004E  }
0xb4: {  	_ =	swait.ge [sflag:s29], $0x1  }
0xb5: {  	[sflag:s29] =	ssyncadd.s32 $0xFFFFFFFF  }
0xb6: {  	_ =	strace $0x9000004E  }
0xb7: {  	_ =	sfence  }
0xb8: {  	s30 =	sld [smem:$0x0];
	_ =	sdelay $0x2  }
0xb9: {  	s31 =	sshll.u32 s1, $0xD;
	s1 =	sshrl.u32 s1, $0x2  }
0xba: {  	s3 =	sand.u32 $0x4000, s31;
	s1 =	sadd.s32 s1, s30  }
0xbb: {  	s0 =	sor.u32 s3, s0;
	s1 =	sshll.u32 s1, $0x11  }
0xbc: {  	s0 =	sor.u32 s1, s0  }
0xbd: {  	s0 =	sadd.s32 $0x8F2B, s0  }
0xbe: {  	[sflag:s0] =	ssyncadd.remote.s32 $0x1  }
0xbf: {  	_ =	sfence.sel $0xFFFF  }
0xc0: {  	[dreg:$0x0] =	wrdreg $0xFFFFFFFF;
	(pc) =	sbr.abs _section_cstart, $3  }
0xc1: {  	[dreg:$0x1] =	wrdreg $0xFFFFFFFF  }
0xc2: {  	_ =	task.clear_ibuf [dreg:s7], $0x2FFFF;
	_ =	strace $0x9FFFFFFF  }
0xc3: {  	(tm) =	ssettm $0x7FFFFFFF  }
tec
execute0_lowered:
.L_overlay_start_1:
0x0: {  	(tag) =	ssettag $0x1  }
0x1: {  	s0 =	rddreg [dreg:$0x0]  }
0x2: {  	s2 =	simm.s32 $0x0;
	s1 =	srdreg.scid;
	s15 =	stileid.u32  }
0x3: {  	s28 =	simm.s32 $0x100;
	s29 =	simm.s32 $0x3;
	s30 =	simm.s32 $0x80  }
0x4: {  	s31 =	simm.s32 $0x50;
	[smem:$0x7FF] =	sst s2;
	s3 =	smul.u32 $0x2710, s15  }
0x5: {  	s1 =	sand.u32 $0x1, s1;
	s4 =	sadd.s32 $0x9200, s0;
	s8 =	smul.u32 $0x280, s15  }
0x6: {  	s5 =	sadd.s32 $0x4200, s0;
	s11 =	sadd.s32 $0x5C400, s0;
	s6 =	ssub.s32 $0x2, s1  }
0x7: {  	s7 =	sshrl.u32 s6, $0x1;
	s3 =	sshrl.u32 s3, $0x3;
	s12 =	sor.u32 $0x50, s8  }
0x8: {  	s21 =	sadd.s32 $0xA0, s8;
	s22 =	sadd.s32 $0xF0, s8;
	s23 =	sadd.s32 $0x140, s8  }
0x9: {  	s6 =	ssub.s32 s6, s7;
	s18 =	sadd.s32 s4, s3;
	s7 =	smul.u32 $0x2800, s1  }
0xa: {  	s24 =	sadd.s32 $0x190, s8;
	s25 =	sadd.s32 $0x1E0, s8;
	[dreg:$0x4] =	wrdreg s18  }
0xb: {  	s9 =	sadd.s32 s7, s8;
	s10 =	sadd.s32 s7, s12;
	s8 =	sadd.s32 $0x230, s8  }
0xc: {  	s20 =	sadd.s32 s7, s21;
	s26 =	sadd.s32 s7, s22;
	s13 =	sadd.s32 s7, s23  }
0xd: {  	s18 =	sadd.s32 s7, s24;
	s21 =	sshll.u32 s21, $0x7;
	s22 =	sshll.u32 s22, $0x7  }
0xe: {  	s23 =	sshll.u32 s23, $0x7;
	s24 =	sshll.u32 s24, $0x7;
	s9 =	sshll.u32 s9, $0x4  }
0xf: {  	s10 =	sshll.u32 s10, $0x4;
	s14 =	sshll.u32 s26, $0x4;
	s16 =	sshll.u32 s13, $0x4  }
0x10: {  	s13 =	sadd.s32 s5, s3;
	s26 =	smul.u32 $0x50000, s15;
	s9 =	sadd.s32 s11, s9  }
0x11: {  	s3 =	simm.s32 $0x1;
	s19 =	sadd.s32 s11, s10;
	[dreg:$0x5] =	wrdreg s9  }
0x12: {  	s17 =	sadd.s32 s11, s16;
	[dreg:$0x6] =	wrdreg s19;
	s9 =	sshll.u32 s20, $0x4  }
0x13: {  	[dreg:$0x9] =	wrdreg s17;
	s19 =	sadd.s32 s7, s25;
	s7 =	sadd.s32 s7, s8  }
0x14: {  	s20 =	smul.u32 $0x4E2, s15;
	s17 =	sadd.s32 $0xE200, s0;
	s25 =	sshll.u32 s25, $0x7  }
0x15: {  	s0 =	simm.s32 $0x2980;
	s9 =	sadd.s32 s11, s9;
	s10 =	sshll.u32 s19, $0x4  }
0x16: {  	s7 =	sshll.u32 s7, $0x4;
	s19 =	smax.u32 s6, $0x1;
	[dreg:$0x7] =	wrdreg s9  }
0x17: {  	s9 =	sadd.s32 s11, s14;
	s10 =	sadd.s32 s11, s10;
	s14 =	rddreg [dreg:$0x2]  }
0x18: {  	s15 =	sadd.s32 s20, s5;
	s16 =	sadd.s32 s20, s4;
	s20 =	sshll.u32 s12, $0x7  }
0x19: {  	s12 =	simm.s32 $0x2900;
	s4 =	simm.s32 $0x2;
	s5 =	simm.s32 $0x0  }
0x1a: {  	[dreg:$0x8] =	wrdreg s9;
	s9 =	sshll.u32 s18, $0x4;
	s20 =	sadd.s32 s20, s14  }
0x1b: {  	s21 =	sadd.s32 s21, s14;
	s22 =	sadd.s32 s22, s14;
	s23 =	sadd.s32 s23, s14  }
0x1c: {  	s24 =	sadd.s32 s24, s14;
	s9 =	sadd.s32 s11, s9;
	s11 =	sadd.s32 s11, s7  }
0x1d: {  	s7 =	sshrl.u32 s26, $0x2;
	[dreg:$0xa] =	wrdreg s9;
	s9 =	smul.u32 $0x2710, s1  }
0x1e: {  	s25 =	sadd.s32 s25, s14;
	s26 =	sshll.u32 s8, $0x7;
	s18 =	sadd.s32 s7, s14  }
0x1f: {  	s26 =	sadd.s32 s26, s14;
	s1 =	simm.s32 $0x2A00;
	_ =	strace $0x8000004D;
	v0 =	vmov s9  }
.LBB2_1:
0x20: {  	s6 =	rddreg [dreg:$0x1]  }
0x21: {  	[tilespmem:s28], [sflag:$0x3] =	stream.linear.gather [hbm4b:s6+s2], $0x2800, $0x38;
	[tilespmem:$0x19200] =	vst v63  }
0x22: {  	_ =	swait.ge [sflag:s29], $0x2800  }
0x23: {  	[sflag:s29] =	ssyncset.done $0x0  }
0x24: {  	[sflag:s29] =	ssyncadd.s32 $0xFFFFD800  }
0x25: {  	[spmem:s18] =	stream.linear.scatter [tilespmem:s28], [sflag:$0x3], $0x2800, $0x38;
	[tilespmem:$0x19200] =	vst v63  }
0x26: {  	_ =	swait.ge [sflag:s29], $0x2800  }
0x27: {  	[sflag:s29] =	ssyncset.done $0x0  }
0x28: {  	[sflag:s29] =	ssyncadd.s32 $0xFFFFD800  }
0x29: {  	[spmem:s20] =	stream.linear.scatter [tilespmem:s28], [sflag:$0x3], $0x2800, $0x38;
	[tilespmem:$0x19200] =	vst v63  }
0x2a: {  	_ =	swait.ge [sflag:s29], $0x2800  }
0x2b: {  	[sflag:s29] =	ssyncset.done $0x0  }
0x2c: {  	[sflag:s29] =	ssyncadd.s32 $0xFFFFD800  }
0x2d: {  	[spmem:s21] =	stream.linear.scatter [tilespmem:s28], [sflag:$0x3], $0x2800, $0x38;
	[tilespmem:$0x19200] =	vst v63  }
0x2e: {  	_ =	swait.ge [sflag:s29], $0x2800  }
0x2f: {  	[sflag:s29] =	ssyncset.done $0x0  }
0x30: {  	[sflag:s29] =	ssyncadd.s32 $0xFFFFD800  }
0x31: {  	[spmem:s22] =	stream.linear.scatter [tilespmem:s28], [sflag:$0x3], $0x2800, $0x38;
	[tilespmem:$0x19200] =	vst v63  }
0x32: {  	_ =	swait.ge [sflag:s29], $0x2800  }
0x33: {  	[sflag:s29] =	ssyncset.done $0x0  }
0x34: {  	[sflag:s29] =	ssyncadd.s32 $0xFFFFD800  }
0x35: {  	[spmem:s23] =	stream.linear.scatter [tilespmem:s28], [sflag:$0x3], $0x2800, $0x38;
	[tilespmem:$0x19200] =	vst v63  }
0x36: {  	_ =	swait.ge [sflag:s29], $0x2800  }
0x37: {  	[sflag:s29] =	ssyncset.done $0x0  }
0x38: {  	[sflag:s29] =	ssyncadd.s32 $0xFFFFD800  }
0x39: {  	[spmem:s24] =	stream.linear.scatter [tilespmem:s28], [sflag:$0x3], $0x2800, $0x38;
	[tilespmem:$0x19200] =	vst v63  }
0x3a: {  	_ =	swait.ge [sflag:s29], $0x2800  }
0x3b: {  	[sflag:s29] =	ssyncset.done $0x0  }
0x3c: {  	[sflag:s29] =	ssyncadd.s32 $0xFFFFD800  }
0x3d: {  	[spmem:s25] =	stream.linear.scatter [tilespmem:s28], [sflag:$0x3], $0x2800, $0x38;
	[tilespmem:$0x19200] =	vst v63  }
0x3e: {  	_ =	swait.ge [sflag:s29], $0x2800  }
0x3f: {  	[sflag:s29] =	ssyncset.done $0x0  }
0x40: {  	[sflag:s29] =	ssyncadd.s32 $0xFFFFD800  }
0x41: {  	[spmem:s26] =	stream.linear.scatter [tilespmem:s28], [sflag:$0x3], $0x2800, $0x38;
	[tilespmem:$0x19200] =	vst v63  }
0x42: {  	_ =	swait.ge [sflag:s29], $0x2800  }
0x43: {  	[sflag:s29] =	ssyncset.done $0x0  }
0x44: {  	[sflag:s29] =	ssyncadd.s32 $0xFFFFD800  }
0x45: {  	[bflag:$0x0] =	sbarrier.arrive $0xFFFF  }
0x46: {  	s8 =	rddreg [dreg:$0x4]  }
0x47: {  	[tilespmem:s2], [sflag:$0x3] =	stream.linear.gather [hbm4b:s8+s2], $0x50, $0x38;
	[tilespmem:$0x19200] =	vst v63  }
0x48: {  	_ =	swait.ge [sflag:s29], $0x50  }
0x49: {  	[sflag:s29] =	ssyncset.done $0x0  }
0x4a: {  	[sflag:s29] =	ssyncadd.s32 $0xFFFFFFB0  }
0x4b: {  	[tilespmem:s30], [sflag:$0x3] =	stream.linear.gather [hbm4b:s13+s2], $0x50, $0x38;
	[tilespmem:$0x19200] =	vst v63  }
0x4c: {  	_ =	swait.ge [sflag:s29], $0x50  }
0x4d: {  	[sflag:s29] =	ssyncset.done $0x0  }
0x4e: {  	[sflag:s29] =	ssyncadd.s32 $0xFFFFFFB0  }
0x4f: {  	v1 =	vld [tilespmem:$0x80]  }
0x50: {  	v2 =	vld [tilespmem:$0x90]  }
0x51: {  	v3 =	vld [tilespmem:$0xA0]  }
0x52: {  	v4 =	vld [tilespmem:$0xB0]  }
0x53: {  	v5 =	vld [tilespmem:$0xC0]  }
0x54: {  	v1 =	vadd.s32 v0, v1  }
0x55: {  	[tilespmem:$0x80] =	vst v1;
	v1 =	vadd.s32 v0, v2  }
0x56: {  	[tilespmem:$0x90] =	vst v1;
	v1 =	vadd.s32 v0, v3  }
0x57: {  	[tilespmem:$0xA0] =	vst v1;
	v1 =	vadd.s32 v0, v4  }
0x58: {  	[tilespmem:$0xB0] =	vst v1;
	v1 =	vadd.s32 v0, v5  }
0x59: {  	s6 =	sadd.s32 $0xFFFFFB28, s16;
	[tilespmem:$0xC0] =	vst v1  }
0x5a: {  	[tilespmem:s28], [sflag:$0x1] =	stream.indirect.gather [hbm4b:s17+s31], $0x80, s30, s31, $0xb8;
	[tilespmem:$0x19200] =	vst v63  }
0x5b: {  	s7 =	sadd.s32 $0x4E2, s6  }
0x5c: {  	[tilespmem:s12], [sflag:$0x3] =	stream.linear.gather [hbm4b:s7+s2], $0x50, $0x38;
	[tilespmem:$0x19200] =	vst v63  }
0x5d: {  	_ =	swait.ge [sflag:s29], $0x50  }
0x5e: {  	s9 =	sadd.s32 $0xFFFFFB28, s15;
	[sflag:s29] =	ssyncset.done $0x0  }
0x5f: {  	s8 =	sadd.s32 $0x4E2, s9;
	[sflag:s29] =	ssyncadd.s32 $0xFFFFFFB0  }
0x60: {  	[tilespmem:s0], [sflag:$0x3] =	stream.linear.gather [hbm4b:s8+s2], $0x50, $0x38;
	[tilespmem:$0x19200] =	vst v63  }
0x61: {  	_ =	swait.ge [sflag:s29], $0x50  }
0x62: {  	[sflag:s29] =	ssyncset.done $0x0  }
0x63: {  	[sflag:s29] =	ssyncadd.s32 $0xFFFFFFB0  }
0x64: {  	v1 =	vld [tilespmem:$0x29C0]  }
0x65: {  	v2 =	vld [tilespmem:$0x29A0]  }
0x66: {  	v3 =	vld [tilespmem:$0x2990]  }
0x67: {  	v60 =	vld [tilespmem:$0x2980]  }
0x68: {  	v61 =	vld [tilespmem:$0x29B0]  }
0x69: {  	v1 =	vadd.s32 v0, v1  }
0x6a: {  	v2 =	vadd.s32 v0, v2;
	[tilespmem:$0x29C0] =	vst v1  }
0x6b: {  	v1 =	vadd.s32 v0, v3;
	[tilespmem:$0x29A0] =	vst v2  }
0x6c: {  	v2 =	vadd.s32 v0, v60;
	[tilespmem:$0x2990] =	vst v1  }
0x6d: {  	[tilespmem:$0x2980] =	vst v2;
	v1 =	vadd.s32 v0, v61  }
0x6e: {  	[tilespmem:$0x29B0] =	vst v1  }
0x6f: {  	[tilespmem:s1], [sflag:$0x2] =	stream.indirect.gather [hbm4b:s17+s31], $0x80, s0, s31, $0xb8;
	[tilespmem:$0x19200] =	vst v63  }
0x70: {  	_ =	swait.ge [sflag:s3], $0x2800  }
0x71: {  	[sflag:s3] =	ssyncset.done $0x0  }
0x72: {  	[sflag:s3] =	ssyncadd.s32 $0xFFFFD800  }
0x73: {  	[spmem:s14] =	stream.indirect.scatter.add.f32 [tilespmem:s28], [sflag:$0x3], $0x80, s2, s31, $0xb8;
	[tilespmem:$0x19200] =	vst v63  }
0x74: {  	_ =	swait.ge [sflag:s29], $0x2800  }
0x75: {  	[sflag:s29] =	ssyncset.done $0x0  }
0x76: {  	s6 =	sadd.s32 $0x4EC, s6;
	[sflag:s29] =	ssyncadd.s32 $0xFFFFD800  }
0x77: {  	[tilespmem:s2], [sflag:$0x3] =	stream.linear.gather [hbm4b:s6+s2], $0x50, $0x38;
	[tilespmem:$0x19200] =	vst v63  }
0x78: {  	_ =	swait.ge [sflag:s29], $0x50  }
0x79: {  	[sflag:s29] =	ssyncset.done $0x0  }
0x7a: {  	s9 =	sadd.s32 $0x4EC, s9;
	[sflag:s29] =	ssyncadd.s32 $0xFFFFFFB0  }
0x7b: {  	[tilespmem:s30], [sflag:$0x3] =	stream.linear.gather [hbm4b:s9+s2], $0x50, $0x38;
	[tilespmem:$0x19200] =	vst v63  }
0x7c: {  	_ =	swait.ge [sflag:s29], $0x50  }
0x7d: {  	[sflag:s29] =	ssyncset.done $0x0  }
0x7e: {  	[sflag:s29] =	ssyncadd.s32 $0xFFFFFFB0  }
0x7f: {  	v1 =	vld [tilespmem:$0xC0]  }
0x80: {  	v2 =	vld [tilespmem:$0xB0]  }
0x81: {  	v3 =	vld [tilespmem:$0x90]  }
0x82: {  	v62 =	vld [tilespmem:$0x80]  }
0x83: {  	v63 =	vld [tilespmem:$0xA0]  }
0x84: {  	v1 =	vadd.s32 v0, v1  }
0x85: {  	v2 =	vadd.s32 v0, v2;
	[tilespmem:$0xC0] =	vst v1  }
0x86: {  	v1 =	vadd.s32 v0, v3;
	[tilespmem:$0xB0] =	vst v2  }
0x87: {  	v2 =	vadd.s32 v0, v62;
	[tilespmem:$0x90] =	vst v1  }
0x88: {  	s6 =	simm.s32 $0xFFFFFB3C;
	[tilespmem:$0x80] =	vst v2;
	v1 =	vadd.s32 v0, v63  }
.LBB2_2:
0x89: {  	p0 =	sne.s32 s6, $0xFFFFFFEC;
	[tilespmem:$0xA0] =	vst v1;
	s8 =	smov.u32 s6;
	s6 =	sadd.s32 $0x14, s6  }
0x8a: {  	[tilespmem:s28], [sflag:$0x1] =	stream.indirect.gather [hbm4b:s17+s31], $0x80, s30, s31, $0xb8;
	[tilespmem:$0x19200] =	vst v63  }
0x8b: {  	_ =	swait.ge [sflag:s4], $0x2800  }
0x8c: {  	[sflag:s4] =	ssyncset.done $0x0  }
0x8d: {  	[sflag:s4] =	ssyncadd.s32 $0xFFFFD800  }
0x8e: {  	[spmem:s14] =	stream.indirect.scatter.add.f32 [tilespmem:s1], [sflag:$0x3], $0x80, s12, s31, $0xb8;
	[tilespmem:$0x19200] =	vst v63  }
0x8f: {  	_ =	swait.ge [sflag:s29], $0x2800  }
0x90: {  	s7 =	sadd.s32 s8, s16;
	[sflag:s29] =	ssyncset.done $0x0  }
0x91: {  	s9 =	sadd.s32 $0x4E2, s7;
	[sflag:s29] =	ssyncadd.s32 $0xFFFFD800  }
0x92: {  	[tilespmem:s12], [sflag:$0x3] =	stream.linear.gather [hbm4b:s9+s2], $0x50, $0x38;
	[tilespmem:$0x19200] =	vst v63  }
0x93: {  	_ =	swait.ge [sflag:s29], $0x50  }
0x94: {  	s8 =	sadd.s32 s8, s15;
	[sflag:s29] =	ssyncset.done $0x0  }
0x95: {  	s9 =	sadd.s32 $0x4E2, s8;
	[sflag:s29] =	ssyncadd.s32 $0xFFFFFFB0  }
0x96: {  	[tilespmem:s0], [sflag:$0x3] =	stream.linear.gather [hbm4b:s9+s2], $0x50, $0x38;
	[tilespmem:$0x19200] =	vst v63  }
0x97: {  	_ =	swait.ge [sflag:s29], $0x50  }
0x98: {  	[sflag:s29] =	ssyncset.done $0x0  }
0x99: {  	[sflag:s29] =	ssyncadd.s32 $0xFFFFFFB0  }
0x9a: {  	v1 =	vld [tilespmem:$0x29C0]  }
0x9b: {  	v2 =	vld [tilespmem:$0x29A0]  }
0x9c: {  	v3 =	vld [tilespmem:$0x2990]  }
0x9d: {  	v4 =	vld [tilespmem:$0x2980]  }
0x9e: {  	v5 =	vld [tilespmem:$0x29B0]  }
0x9f: {  	v1 =	vadd.s32 v0, v1  }
0xa0: {  	v2 =	vadd.s32 v0, v2;
	[tilespmem:$0x29C0] =	vst v1  }
0xa1: {  	v1 =	vadd.s32 v0, v3;
	[tilespmem:$0x29A0] =	vst v2  }
0xa2: {  	v2 =	vadd.s32 v0, v4;
	[tilespmem:$0x2990] =	vst v1  }
0xa3: {  	[tilespmem:$0x2980] =	vst v2;
	v1 =	vadd.s32 v0, v5  }
0xa4: {  	[tilespmem:$0x29B0] =	vst v1  }
0xa5: {  	[tilespmem:s1], [sflag:$0x2] =	stream.indirect.gather [hbm4b:s17+s31], $0x80, s0, s31, $0xb8;
	[tilespmem:$0x19200] =	vst v63  }
0xa6: {  	_ =	swait.ge [sflag:s3], $0x2800  }
0xa7: {  	[sflag:s3] =	ssyncset.done $0x0  }
0xa8: {  	[sflag:s3] =	ssyncadd.s32 $0xFFFFD800  }
0xa9: {  	[spmem:s14] =	stream.indirect.scatter.add.f32 [tilespmem:s28], [sflag:$0x3], $0x80, s2, s31, $0xb8;
	[tilespmem:$0x19200] =	vst v63  }
0xaa: {  	_ =	swait.ge [sflag:s29], $0x2800  }
0xab: {  	[sflag:s29] =	ssyncset.done $0x0  }
0xac: {  	s7 =	sadd.s32 $0x4EC, s7;
	[sflag:s29] =	ssyncadd.s32 $0xFFFFD800  }
0xad: {  	[tilespmem:s2], [sflag:$0x3] =	stream.linear.gather [hbm4b:s7+s2], $0x50, $0x38;
	[tilespmem:$0x19200] =	vst v63  }
0xae: {  	_ =	swait.ge [sflag:s29], $0x50  }
0xaf: {  	[sflag:s29] =	ssyncset.done $0x0  }
0xb0: {  	s7 =	sadd.s32 $0x4EC, s8;
	[sflag:s29] =	ssyncadd.s32 $0xFFFFFFB0  }
0xb1: {  	[tilespmem:s30], [sflag:$0x3] =	stream.linear.gather [hbm4b:s7+s2], $0x50, $0x38;
	[tilespmem:$0x19200] =	vst v63  }
0xb2: {  	_ =	swait.ge [sflag:s29], $0x50  }
0xb3: {  	[sflag:s29] =	ssyncset.done $0x0  }
0xb4: {  	[sflag:s29] =	ssyncadd.s32 $0xFFFFFFB0  }
0xb5: {  	v1 =	vld [tilespmem:$0xC0]  }
0xb6: {  	v2 =	vld [tilespmem:$0xB0]  }
0xb7: {  	v3 =	vld [tilespmem:$0x90]  }
0xb8: {  	v4 =	vld [tilespmem:$0x80]  }
0xb9: {  	v5 =	vld [tilespmem:$0xA0]  }
.Ltmp0:
0xba: {  	v1 =	vadd.s32 v0, v1;
	(pc) =	sbr.rel @p0 .LBB2_2-.Ltmp0, $4  }
0xbb: {  	v2 =	vadd.s32 v0, v2;
	[tilespmem:$0xC0] =	vst v1  }
0xbc: {  	v1 =	vadd.s32 v0, v3;
	[tilespmem:$0xB0] =	vst v2  }
0xbd: {  	v2 =	vadd.s32 v0, v4;
	[tilespmem:$0x90] =	vst v1  }
0xbe: {  	[tilespmem:$0x80] =	vst v2;
	v1 =	vadd.s32 v0, v5  }
0xbf: {  	[tilespmem:$0xA0] =	vst v1  }
0xc0: {  	[tilespmem:s28], [sflag:$0x1] =	stream.indirect.gather [hbm4b:s17+s31], $0x80, s30, s31, $0xb8;
	[tilespmem:$0x19200] =	vst v63  }
0xc1: {  	_ =	swait.ge [sflag:s4], $0x2800  }
0xc2: {  	[sflag:s4] =	ssyncset.done $0x0  }
0xc3: {  	[sflag:s4] =	ssyncadd.s32 $0xFFFFD800  }
0xc4: {  	[spmem:s14] =	stream.indirect.scatter.add.f32 [tilespmem:s1], [sflag:$0x3], $0x80, s12, s31, $0xb8;
	[tilespmem:$0x19200] =	vst v63  }
0xc5: {  	_ =	swait.ge [sflag:s29], $0x2800  }
0xc6: {  	[sflag:s29] =	ssyncset.done $0x0  }
0xc7: {  	[sflag:s29] =	ssyncadd.s32 $0xFFFFD800  }
0xc8: {  	_ =	swait.ge [sflag:s3], $0x2800  }
0xc9: {  	[sflag:s3] =	ssyncset.done $0x0  }
0xca: {  	[sflag:s3] =	ssyncadd.s32 $0xFFFFD800  }
0xcb: {  	[spmem:s14] =	stream.indirect.scatter.add.f32 [tilespmem:s28], [sflag:$0x3], $0x80, s2, s31, $0xb8;
	[tilespmem:$0x19200] =	vst v63  }
0xcc: {  	_ =	swait.ge [sflag:s29], $0x2800  }
0xcd: {  	[sflag:s29] =	ssyncset.done $0x0  }
0xce: {  	[sflag:s29] =	ssyncadd.s32 $0xFFFFD800  }
0xcf: {  	[bflag:$0x0] =	sbarrier.arrive $0xFFFF  }
0xd0: {  	[tilespmem:s28], [sflag:$0x3] =	stream.linear.gather [spmem:s18], $0x2800, $0x38;
	[tilespmem:$0x19200] =	vst v63  }
0xd1: {  	_ =	swait.ge [sflag:s29], $0x2800  }
0xd2: {  	[sflag:s29] =	ssyncset.done $0x0  }
0xd3: {  	s6 =	rddreg [dreg:$0x5];
	[sflag:s29] =	ssyncadd.s32 $0xFFFFD800  }
0xd4: {  	[hbm4b:s6+s2] =	stream.linear.scatter [tilespmem:s28], [sflag:$0x3], $0x2800, $0x38;
	[tilespmem:$0x19200] =	vst v63  }
0xd5: {  	_ =	swait.ge [sflag:s29], $0x2800  }
0xd6: {  	[sflag:s29] =	ssyncset.done $0x0  }
0xd7: {  	[sflag:s29] =	ssyncadd.s32 $0xFFFFD800  }
0xd8: {  	[tilespmem:s28], [sflag:$0x3] =	stream.linear.gather [spmem:s20], $0x2800, $0x38;
	[tilespmem:$0x19200] =	vst v63  }
0xd9: {  	_ =	swait.ge [sflag:s29], $0x2800  }
0xda: {  	[sflag:s29] =	ssyncset.done $0x0  }
0xdb: {  	s8 =	rddreg [dreg:$0x6];
	[sflag:s29] =	ssyncadd.s32 $0xFFFFD800  }
0xdc: {  	[hbm4b:s8+s2] =	stream.linear.scatter [tilespmem:s28], [sflag:$0x3], $0x2800, $0x38;
	[tilespmem:$0x19200] =	vst v63  }
0xdd: {  	_ =	swait.ge [sflag:s29], $0x2800  }
0xde: {  	[sflag:s29] =	ssyncset.done $0x0  }
0xdf: {  	[sflag:s29] =	ssyncadd.s32 $0xFFFFD800  }
0xe0: {  	[tilespmem:s28], [sflag:$0x3] =	stream.linear.gather [spmem:s21], $0x2800, $0x38;
	[tilespmem:$0x19200] =	vst v63  }
0xe1: {  	_ =	swait.ge [sflag:s29], $0x2800  }
0xe2: {  	[sflag:s29] =	ssyncset.done $0x0  }
0xe3: {  	s9 =	rddreg [dreg:$0x7];
	[sflag:s29] =	ssyncadd.s32 $0xFFFFD800  }
0xe4: {  	[hbm4b:s9+s2] =	stream.linear.scatter [tilespmem:s28], [sflag:$0x3], $0x2800, $0x38;
	[tilespmem:$0x19200] =	vst v63  }
0xe5: {  	_ =	swait.ge [sflag:s29], $0x2800  }
0xe6: {  	[sflag:s29] =	ssyncset.done $0x0  }
0xe7: {  	[sflag:s29] =	ssyncadd.s32 $0xFFFFD800  }
0xe8: {  	[tilespmem:s28], [sflag:$0x3] =	stream.linear.gather [spmem:s22], $0x2800, $0x38;
	[tilespmem:$0x19200] =	vst v63  }
0xe9: {  	_ =	swait.ge [sflag:s29], $0x2800  }
0xea: {  	[sflag:s29] =	ssyncset.done $0x0  }
0xeb: {  	s7 =	rddreg [dreg:$0x8];
	[sflag:s29] =	ssyncadd.s32 $0xFFFFD800  }
0xec: {  	[hbm4b:s7+s2] =	stream.linear.scatter [tilespmem:s28], [sflag:$0x3], $0x2800, $0x38;
	[tilespmem:$0x19200] =	vst v63  }
0xed: {  	_ =	swait.ge [sflag:s29], $0x2800  }
0xee: {  	[sflag:s29] =	ssyncset.done $0x0  }
0xef: {  	[sflag:s29] =	ssyncadd.s32 $0xFFFFD800  }
0xf0: {  	[tilespmem:s28], [sflag:$0x3] =	stream.linear.gather [spmem:s23], $0x2800, $0x38;
	[tilespmem:$0x19200] =	vst v63  }
0xf1: {  	_ =	swait.ge [sflag:s29], $0x2800  }
0xf2: {  	[sflag:s29] =	ssyncset.done $0x0  }
0xf3: {  	s8 =	rddreg [dreg:$0x9];
	[sflag:s29] =	ssyncadd.s32 $0xFFFFD800  }
0xf4: {  	[hbm4b:s8+s2] =	stream.linear.scatter [tilespmem:s28], [sflag:$0x3], $0x2800, $0x38;
	[tilespmem:$0x19200] =	vst v63  }
0xf5: {  	_ =	swait.ge [sflag:s29], $0x2800  }
0xf6: {  	[sflag:s29] =	ssyncset.done $0x0  }
0xf7: {  	[sflag:s29] =	ssyncadd.s32 $0xFFFFD800  }
0xf8: {  	[tilespmem:s28], [sflag:$0x3] =	stream.linear.gather [spmem:s24], $0x2800, $0x38;
	[tilespmem:$0x19200] =	vst v63  }
0xf9: {  	_ =	swait.ge [sflag:s29], $0x2800  }
0xfa: {  	[sflag:s29] =	ssyncset.done $0x0  }
0xfb: {  	s9 =	rddreg [dreg:$0xa];
	[sflag:s29] =	ssyncadd.s32 $0xFFFFD800  }
0xfc: {  	[hbm4b:s9+s2] =	stream.linear.scatter [tilespmem:s28], [sflag:$0x3], $0x2800, $0x38;
	[tilespmem:$0x19200] =	vst v63  }
0xfd: {  	_ =	swait.ge [sflag:s29], $0x2800  }
0xfe: {  	[sflag:s29] =	ssyncset.done $0x0  }
0xff: {  	[sflag:s29] =	ssyncadd.s32 $0xFFFFD800  }
0x100: {  	[tilespmem:s28], [sflag:$0x3] =	stream.linear.gather [spmem:s25], $0x2800, $0x38;
	[tilespmem:$0x19200] =	vst v63  }
0x101: {  	_ =	swait.ge [sflag:s29], $0x2800  }
0x102: {  	[sflag:s29] =	ssyncset.done $0x0  }
0x103: {  	[sflag:s29] =	ssyncadd.s32 $0xFFFFD800  }
0x104: {  	[hbm4b:s10+s2] =	stream.linear.scatter [tilespmem:s28], [sflag:$0x3], $0x2800, $0x38;
	[tilespmem:$0x19200] =	vst v63  }
0x105: {  	_ =	swait.ge [sflag:s29], $0x2800  }
0x106: {  	[sflag:s29] =	ssyncset.done $0x0  }
0x107: {  	[sflag:s29] =	ssyncadd.s32 $0xFFFFD800  }
0x108: {  	[tilespmem:s28], [sflag:$0x3] =	stream.linear.gather [spmem:s26], $0x2800, $0x38;
	[tilespmem:$0x19200] =	vst v63  }
0x109: {  	s5 =	sadd.s32 $0x1, s5;
	_ =	swait.ge [sflag:s29], $0x2800  }
0x10a: {  	p0 =	sne.s32 s5, s19;
	[sflag:s29] =	ssyncset.done $0x0  }
.Ltmp1:
0x10b: {  	[sflag:s29] =	ssyncadd.s32 $0xFFFFD800;
	(pc) =	sbr.rel @p0 .LBB2_1-.Ltmp1, $4  }
0x10c: {  	[hbm4b:s11+s2] =	stream.linear.scatter [tilespmem:s28], [sflag:$0x3], $0x2800, $0x38;
	[tilespmem:$0x19200] =	vst v63  }
0x10d: {  	_ =	swait.ge [sflag:s29], $0x2800  }
0x10e: {  	[sflag:s29] =	ssyncset.done $0x0  }
0x10f: {  	[sflag:s29] =	ssyncadd.s32 $0xFFFFD800  }
0x110: {  	_ =	sfence.sel $0x180000  }
0x111: {  	[bflag:$0x0] =	sbarrier.arrive $0xFFFF  }
0x112: {  	_ =	strace $0x9000004D  }
0x113: {  	s0 =	stileid.u32;
	[bflag:$0x2] =	sbarrier.arrive $0xFFFF  }
0x114: {  	p0 =	sne.s32 s0, $0x0;
	s0 =	rddreg [dreg:$0x3]  }
0x115: {  	s0 =	sadd.s32 @!p0 $0x100000, s0  }
0x116: {  	[sflag:s0] =	ssyncadd.tile.s32 @!p0 $0x1;
	_ =	shalt  }
.Lfunc_end2:
_tile_overlayer_lowered:
.L_overlay_start_2:
0x117: {  	(tag) =	ssettag $0x2  }
0x118: {  	s0 =	rddreg [dreg:$0x0];
	s2 =	stileid.u32  }
0x119: {  	s1 =	rddreg [dreg:$0x1];
	p0 =	sne.s32 s2, $0x0  }
0x11a: {  	s3 =	rddreg [dreg:$0x2];
	[bflag:$0x3] =	sbarrier.arrive $0xFFFF;
	s2 =	simm.s32 @!p0 $0x1C03  }
0x11b: {  	[timem:s3], [sflag:s2] =	dma.local @!p0 [hbm:s0], s1  }
0x11c: {  	s0 =	simm.s32 @!p0 $0x3  }
0x11d: {  	_ =	swait.ge @!p0 [sflag:s0], s1  }
0x11e: {  	s1 =	ssub.s32 @!p0 $0x0, s1;
	[sflag:s0] =	ssyncset.done @!p0 $0x0  }
0x11f: {  	[sflag:s0] =	ssyncadd.s32 @!p0 s1  }
0x120: {  	[bflag:$0x3] =	sbarrier.arrive $0xFFFF  }
0x121: {  	_ =	shalt  }

// kernel: kernel.19.cloned.1.call-start
scs
__scs_entry_jumppad:
0x0: {  	(pc) =	sbr.rel $0x88, $3  }
0x1: {  	(tag) =	ssettag $0x0;
	lr =	simm.s32 $0x1  }
0x2: {  	[smem:$0x3F84] =	sst lr;
	_ =	strace $0xD0000000  }
0x3: {  	_ = 	snop  }
0x4: {  	_ = 	snop  }
0x5: {  	_ = 	snop  }
0x6: {  	_ = 	snop  }
0x7: {  	_ = 	snop  }
__scs_overlays_trampoline_lowered:
0x8: {  	[smem:$0x3F93] =	sst s0  }
0x9: {  	[smem:$0x3F94] =	sst s1  }
0xa: {  	[smem:$0x3F95] =	sst s2  }
0xb: {  	[smem:$0x3F96] =	sst s3  }
0xc: {  	[smem:$0x3F97] =	sst s4  }
0xd: {  	[smem:$0x3F98] =	sst s5  }
0xe: {  	[smem:$0x3F99] =	sst s6  }
0xf: {  	[smem:$0x3F9A] =	sst s7  }
0x10: {  	[smem:$0x3F9B] =	sst s8  }
0x11: {  	[smem:$0x3F9C] =	sst s9;
	s0 =	simm.s32 @!p0 $0x0  }
0x12: {  	s1 =	sld [smem:$0x3F82];
	s0 =	simm.s32 @p0 $0x1  }
0x13: {  	[smem:$0x3F9D] =	sst s0;
	s0 =	simm.s32 @!p1 $0x0  }
0x14: {  	s2 =	sld [smem:$0x3F81];
	s0 =	simm.s32 @p1 $0x1  }
0x15: {  	[smem:$0x3F9E] =	sst s0;
	s0 =	simm.s32 @!p2 $0x0  }
0x16: {  	s3 =	sld [smem:$0x3FDB];
	s0 =	simm.s32 @p2 $0x1  }
0x17: {  	s4 =	simm.s32 $0x1BF5;
	[smem:$0x3FA0] =	sst s0  }
0x18: {  	s0 =	sld [smem:$0x3F83];
	_ =	swait.ge [sflag:s4], $0x0  }
0x19: {  	s7 =	sld [smem:$0x3F84]  }
0x1a: {  	s8 =	sadd.s32 $0xFFFFE003, lr  }
0x1b: {  	s9 =	sadd.s32 $0xFFFFFEF7, lr;
	s5 =	simm.s32 $0xFFFFFFFF;
	p2 =	slt.u32 s8, $0xFFFFF086  }
0x1c: {  	p1 =	slt.u32 s9, $0xF7A;
	s5 =	simm.s32 @!p2 $0x0  }
0x1d: {  	s5 =	simm.s32 @p1 $0x1;
	p0 =	seq.s32 s7, s2  }
0x1e: {  	s7 =	smul.u32 @!p0 $0xF7A, s2;
	p2 =	seq.s32 @!p0 s5, $0x0  }
0x1f: {  	s9 =	smul.u32 $0xF7A, s1;
	s8 =	simm.s32 @!p0 $0x1BF5;
	p2 =	por !p2, p0  }
0x20: {  	[sflag:s8] =	ssyncset.s32 @!p0 $0xFFFFF086;
	s6 =	sadd.s32 @!p0 s3, s7;
	s7 =	simm.s32 @!p0 $0x108  }
0x21: {  	s3 =	sadd.s32 s3, s9;
	s6 =	sadd.s32 @!p0 $0x88, s6;
	s7 =	simm.s32 @p2 $0x1082  }
0x22: {  	[simem:s7], [sflag:s8] =	dma.local @!p0 [hbm:s6], $0xF7A  }
0x23: {  	s9 =	sor.u32 $0xD0000000, s2;
	s6 =	simm.s32 $0x108;
	_ =	swait.ge @!p0 [sflag:s8], $0x0  }
0x24: {  	s3 =	sadd.s32 $0x88, s3;
	s6 =	simm.s32 @!p1 $0x1082;
	[sflag:s4] =	ssyncset.s32 $0xFFFFF086  }
0x25: {  	[simem:s6], [sflag:s4] =	dma.local [hbm:s3], $0xF7A  }
0x26: {  	[smem:$0x3F84] =	sst s1;
	(tag) =	ssettag s2;
	_ =	strace s9  }
0x27: {  	s1 =	sld [smem:$0x3F94]  }
0x28: {  	s2 =	sld [smem:$0x3F95]  }
0x29: {  	s4 =	sld [smem:$0x3F97]  }
0x2a: {  	p0 =	seq.s32 s5, $0x0;
	s5 =	sld [smem:$0x3F98]  }
0x2b: {  	s6 =	sld [smem:$0x3F99]  }
0x2c: {  	s7 =	sld [smem:$0x3F9A]  }
0x2d: {  	s3 =	simm.s32 $0x108;
	s8 =	sld [smem:$0x3F9B]  }
0x2e: {  	s3 =	simm.s32 @!p0 $0x1082;
	s9 =	sld [smem:$0x3F9C]  }
0x2f: {  	lr =	sadd.s32 s0, s3;
	s0 =	sld [smem:$0x3F93]  }
0x30: {  	s3 =	sld [smem:$0x3F96]  }
0x31: {  	[smem:$0x3F9F] =	sst s10  }
0x32: {  	s10 =	sld [smem:$0x3F9D];
	_ =	sdelay $0x3  }
0x33: {  	p0 =	seq.s32 s10, $0x1;
	s10 =	sld [smem:$0x3F9F];
	_ =	sdelay $0x3  }
0x34: {  	[smem:$0x3F9F] =	sst s10  }
0x35: {  	s10 =	sld [smem:$0x3F9E];
	_ =	sdelay $0x3  }
0x36: {  	p1 =	seq.s32 s10, $0x1;
	s10 =	sld [smem:$0x3F9F];
	_ =	sdelay $0x3  }
0x37: {  	[smem:$0x3F9F] =	sst s10  }
0x38: {  	s10 =	sld [smem:$0x3FA0]  }
0x39: {  	_ = 	snop;
	(pc) =	sbr.ind lr, $3  }
0x3a: {  	_ = 	snop  }
0x3b: {  	_ = 	snop  }
0x3c: {  	p2 =	seq.s32 s10, $0x1;
	s10 =	sld [smem:$0x3F9F]  }
0x3d: {  	_ =	shalt  }
0x3e: {  	_ =	shalt  }
0x3f: {  	_ =	shalt  }
0x40: {  	_ =	shalt  }
0x41: {  	_ =	shalt  }
0x42: {  	_ =	shalt  }
0x43: {  	_ =	shalt  }
0x44: {  	_ =	shalt  }
0x45: {  	_ =	shalt  }
0x46: {  	_ =	shalt  }
0x47: {  	_ =	shalt  }
0x48: {  	_ =	shalt  }
0x49: {  	_ =	shalt  }
0x4a: {  	_ =	shalt  }
0x4b: {  	_ =	shalt  }
0x4c: {  	_ =	shalt  }
0x4d: {  	_ =	shalt  }
0x4e: {  	_ =	shalt  }
0x4f: {  	_ =	shalt  }
0x50: {  	_ =	shalt  }
0x51: {  	_ =	shalt  }
0x52: {  	_ =	shalt  }
0x53: {  	_ =	shalt  }
0x54: {  	_ =	shalt  }
0x55: {  	_ =	shalt  }
0x56: {  	_ =	shalt  }
0x57: {  	_ =	shalt  }
0x58: {  	_ =	shalt  }
0x59: {  	_ =	shalt  }
0x5a: {  	_ =	shalt  }
0x5b: {  	_ =	shalt  }
0x5c: {  	_ =	shalt  }
0x5d: {  	_ =	shalt  }
0x5e: {  	_ =	shalt  }
0x5f: {  	_ =	shalt  }
0x60: {  	_ =	shalt  }
0x61: {  	_ =	shalt  }
0x62: {  	_ =	shalt  }
0x63: {  	_ =	shalt  }
0x64: {  	_ =	shalt  }
0x65: {  	_ =	shalt  }
0x66: {  	_ =	shalt  }
0x67: {  	_ =	shalt  }
0x68: {  	_ =	shalt  }
0x69: {  	_ =	shalt  }
0x6a: {  	_ =	shalt  }
0x6b: {  	_ =	shalt  }
0x6c: {  	_ =	shalt  }
0x6d: {  	_ =	shalt  }
0x6e: {  	_ =	shalt  }
0x6f: {  	_ =	shalt  }
0x70: {  	_ =	shalt  }
0x71: {  	_ =	shalt  }
0x72: {  	_ =	shalt  }
0x73: {  	_ =	shalt  }
0x74: {  	_ =	shalt  }
0x75: {  	_ =	shalt  }
0x76: {  	_ =	shalt  }
0x77: {  	_ =	shalt  }
0x78: {  	_ =	shalt  }
0x79: {  	_ =	shalt  }
0x7a: {  	_ =	shalt  }
0x7b: {  	_ =	shalt  }
0x7c: {  	_ =	shalt  }
0x7d: {  	_ =	shalt  }
0x7e: {  	_ =	shalt  }
0x7f: {  	_ =	shalt  }
0x80: {  	_ =	shalt  }
0x81: {  	_ =	shalt  }
0x82: {  	_ =	shalt  }
0x83: {  	_ =	shalt  }
0x84: {  	_ =	shalt  }
0x85: {  	_ =	shalt  }
0x86: {  	_ =	shalt  }
0x87: {  	_ =	shalt  }
.Lfunc_end0:
.L_simem_size_0:
called_computation.3_lowered:
.L_overlay_start_0:
0x88: {  	s2 =	sld [smem:$0x3FD9]  }
0x89: {  	s3 =	sld [smem:$0x3FFE];
	_ =	sdelay $0x1  }
0x8a: {  	s1 =	srdreg.scid  }
0x8b: {  	s0 =	sand.u32 $0x1, s1  }
0x8c: {  	s17 =	sshll.u32 s0, $0xA;
	s2 =	sadd.s32 s3, s2  }
0x8d: {  	s2 =	sadd.s32 s2, s17  }
0x8e: {  	[smem:$0x3FAB] =	sst s2  }
0x8f: {  	_ = 	snop  }
0x90: {  	s2 =	sld [smem:$0x3FC7];
	(tm) =	ssettm $0x1  }
0x91: {  	s18 =	sld [smem:$0x3FFB];
	_ =	sdelay $0x3  }
0x92: {  	_ =	strace s18  }
0x93: {  	s3 =	sld [smem:$0x3FFC];
	_ =	sdelay $0x3  }
0x94: {  	_ =	strace s3  }
0x95: {  	s3 =	sld [smem:$0x3FFD];
	_ =	sdelay $0x3  }
0x96: {  	_ =	strace s3  }
0x97: {  	_ =	strace $0x8FFFFFFF  }
0x98: {  	s19 =	sld [smem:$0x3FDB];
	_ =	sdelay $0x1  }
0x99: {  	s4 =	simm.s32 $_scs_section_size  }
0x9a: {  	s5 =	simm.s32 $_size__tile_overlayer_lowered;
	s6 =	simm.s32 $_tile_overlayer_lowered  }
0x9b: {  	s22 =	simm.s32 $0x1BFF;
	s21 =	sshll.u32 s6, $0x1;
	s3 =	sadd.s32 s4, s19  }
0x9c: {  	s7 =	simm.s32 $0x0;
	s20 =	sshll.u32 s5, $0x1;
	s5 =	sadd.s32 s21, s3  }
0x9d: {  	[timem:s7], [sflag:s22] =	dma.local [hbm:s5], s20  }
0x9e: {  	_ =	swait.ge [sflag:s22], s20  }
0x9f: {  	s4 =	ssub.s32 $0x0, s20;
	[sflag:s22] =	ssyncset.done $0x0  }
0xa0: {  	[sflag:s22] =	ssyncadd.s32 s4;
	_ =	sdelay $0x1  }
0xa1: {  	s23 =	simm.s32 $0x1B8B  }
0xa2: {  	_ =	swait.ge [sflag:s23], $0x1  }
0xa3: {  	[sflag:s23] =	ssyncset.done $0x0  }
0xa4: {  	s25 =	simm.s32 $0x1B8E;
	s24 =	sld [smem:$0x3FFE];
	[sflag:s23] =	ssyncadd.s32 $0xFFFFFFFF  }
0xa5: {  	s26 =	simm.s32 $execute0_lowered;
	[smem:$0x3FD2] =	sst s25  }
0xa6: {  	s5 =	sshll.u32 s26, $0x1;
	_ =	strace $0x8000004F;
	[dreg:$0x1] =	wrdreg $0xFFFFFFFF  }
0xa7: {  	s28 =	simm.s32 $_size_execute0_lowered;
	s3 =	sadd.s32 s3, s5;
	[dreg:$0x0] =	wrdreg $0x0  }
0xa8: {  	s5 =	sshll.u32 s28, $0x1;
	[dreg:$0x2] =	wrdreg s3  }
0xa9: {  	[dreg:$0x3] =	wrdreg s5  }
0xaa: {  	[dreg:$0x4] =	wrdreg $0xC0  }
0xab: {  	_ =	task [dreg:s7], $0x5FFFF  }
0xac: {  	[dreg:$0x1] =	wrdreg $0xFFFFFFFF  }
0xad: {  	[dreg:$0x0] =	wrdreg $0x60  }
0xae: {  	[dreg:$0x2] =	wrdreg s24  }
0xaf: {  	[dreg:$0x3] =	wrdreg s2  }
0xb0: {  	[dreg:$0x4] =	wrdreg $0x9  }
0xb1: {  	_ =	task.clear_ibuf [dreg:s7], $0x5FFFF;
	_ =	strace $0x9000004F  }
0xb2: {  	s29 =	simm.s32 $0x9;
	_ =	strace $0x80000051  }
0xb3: {  	_ =	swait.ge [sflag:s29], $0x1  }
0xb4: {  	[sflag:s29] =	ssyncadd.s32 $0xFFFFFFFF  }
0xb5: {  	_ =	strace $0x90000051  }
0xb6: {  	_ =	sfence  }
0xb7: {  	s30 =	sld [smem:$0x0];
	_ =	sdelay $0x2  }
0xb8: {  	s31 =	sshll.u32 s1, $0xD;
	s1 =	sshrl.u32 s1, $0x2  }
0xb9: {  	s3 =	sand.u32 $0x4000, s31;
	s1 =	sadd.s32 s1, s30  }
0xba: {  	s0 =	sor.u32 s3, s0;
	s1 =	sshll.u32 s1, $0x11  }
0xbb: {  	s0 =	sor.u32 s1, s0  }
0xbc: {  	s0 =	sadd.s32 $0x8F2B, s0  }
0xbd: {  	[sflag:s0] =	ssyncadd.remote.s32 $0x1  }
0xbe: {  	_ =	sfence.sel $0xFFFF  }
0xbf: {  	[dreg:$0x0] =	wrdreg $0xFFFFFFFF;
	(pc) =	sbr.abs _section_cstart, $3  }
0xc0: {  	[dreg:$0x1] =	wrdreg $0xFFFFFFFF  }
0xc1: {  	_ =	task.clear_ibuf [dreg:s7], $0x2FFFF;
	_ =	strace $0x9FFFFFFF  }
0xc2: {  	(tm) =	ssettm $0x7FFFFFFF  }
0xc3: {  	_ =	shalt  }
tec
execute0_lowered:
.L_overlay_start_1:
0x0: {  	(tag) =	ssettag $0x1  }
0x1: {  	s4 =	rddreg [dreg:$0x0]  }
0x2: {  	s5 =	rddreg [dreg:$0x1]  }
0x3: {  	s0 =	rddreg [dreg:$0x2];
	s2 =	simm.s32 $0x0;
	s3 =	srdreg.scid  }
0x4: {  	s1 =	stileid.u32;
	s10 =	simm.s32 $0x1080;
	s11 =	simm.s32 $0x1880  }
0x5: {  	s12 =	simm.s32 $0x2080;
	s13 =	simm.s32 $0x2880;
	s14 =	simm.s32 $0x3080  }
0x6: {  	s15 =	simm.s32 $0x3880;
	s16 =	simm.s32 $0x1;
	s6 =	sand.u32 $0x1, s3  }
0x7: {  	[smem:$0x7FF] =	sst s2;
	s7 =	sshll.u32 s1, $0x7;
	s8 =	sshll.u32 s6, $0x6  }
0x8: {  	s3 =	sadd.s32 $0x4200, s4;
	s6 =	ssub.s32 $0x2, s6;
	s7 =	sor.u32 s8, s7  }
0x9: {  	_ =	strace $0x80000050;
	s9 =	sshrl.u32 s6, $0x1;
	s8 =	sshll.u32 s7, $0x5  }
0xa: {  	v2 =	vlaneseq.u32;
	s7 =	sshrl.u32 s7, $0x3;
	s6 =	ssub.s32 s6, s9;
	s9 =	simm.s32 $0x880  }
0xb: {  	vm0 =	vmmov $0xffff;
	v1 =	vshrl.u32 v2, $0x3;
	s8 =	sadd.s32 s8, s4;
	s4 =	sadd.s32 s5, s7;
	s6 =	smax.u32 s6, $0x1  }
0xc: {  	v0 =	vand.u32 $0x7, v2;
	v2 =	vor.u32 $0x8, v2;
	v1 =	vmul.u32 $0x8, v1;
	s7 =	simm.s32 $0x2;
	s5 =	sadd.s32 $0x52400, s8;
	s8 =	simm.s32 $0x80  }
.LBB2_1:
0xd: {  	[tilespmem:s2], [sflag:$0x2] =	stream.linear.gather [hbm4b:s4+s2], $0x40, $0x38;
	[tilespmem:$0x4080] =	vst v63  }
0xe: {  	_ =	swait.ge [sflag:s7], $0x40  }
0xf: {  	[sflag:s7] =	ssyncset.done $0x0  }
0x10: {  	[sflag:s7] =	ssyncadd.s32 $0xFFFFFFC0  }
0x11: {  	v3 =	vld [tilespmem:$0x0];
	_ =	sdelay $0x4  }
0x12: {  	v4 =	vshll.u32 v3, $0x1  }
0x13: {  	v3 =	vand.u32 $0x7, v3;
	v4 =	vand.u32 $0xFFFFFFF0, v4  }
0x14: {  	v3 =	vor.u32 v3, v4  }
0x15: {  	v4 =	vperm.xlane v3, v0;
	_ =	sdelay $0x1  }
0x16: {  	v3 =	vperm.xlane v3, v2;
	v4 =	vadd.s32 v1, v4;
	_ =	sdelay $0x1  }
0x17: {  	v3 =	vadd.s32 v1, v3;
	_ =	sdelay $0x2  }
0x18: {  	[tilespmem:s8], [sflag:$0x1] =	stream.indirect_vreg.gather [hbm4b:s3+s2], $0x80, v4, vm0, $0xb8;
	[tilespmem:$0x4080] =	vst v63  }
0x19: {  	_ = 	snop  }
0x1a: {  	[tilespmem:s9], [sflag:$0x1] =	stream.indirect_vreg.gather [hbm4b:s3+s2], $0x80, v3, vm0, $0xb8;
	[tilespmem:$0x4080] =	vst v63  }
0x1b: {  	v3 =	vld [tilespmem:$0x10];
	_ =	sdelay $0x4  }
0x1c: {  	v61 =	vshll.u32 v3, $0x1  }
0x1d: {  	v3 =	vand.u32 $0x7, v3;
	v4 =	vand.u32 $0xFFFFFFF0, v61  }
0x1e: {  	v3 =	vor.u32 v3, v4  }
0x1f: {  	v4 =	vperm.xlane v3, v0;
	_ =	sdelay $0x1  }
0x20: {  	v3 =	vperm.xlane v3, v2;
	v4 =	vadd.s32 v1, v4;
	_ =	sdelay $0x1  }
0x21: {  	v3 =	vadd.s32 v1, v3;
	_ =	sdelay $0x2  }
0x22: {  	[tilespmem:s10], [sflag:$0x1] =	stream.indirect_vreg.gather [hbm4b:s3+s2], $0x80, v4, vm0, $0xb8;
	[tilespmem:$0x4080] =	vst v63  }
0x23: {  	_ = 	snop  }
0x24: {  	[tilespmem:s11], [sflag:$0x1] =	stream.indirect_vreg.gather [hbm4b:s3+s2], $0x80, v3, vm0, $0xb8;
	[tilespmem:$0x4080] =	vst v63  }
0x25: {  	v3 =	vld [tilespmem:$0x20];
	_ =	sdelay $0x4  }
0x26: {  	v62 =	vshll.u32 v3, $0x1  }
0x27: {  	v3 =	vand.u32 $0x7, v3;
	v4 =	vand.u32 $0xFFFFFFF0, v62  }
0x28: {  	v3 =	vor.u32 v3, v4  }
0x29: {  	v4 =	vperm.xlane v3, v0;
	_ =	sdelay $0x1  }
0x2a: {  	v3 =	vperm.xlane v3, v2;
	v4 =	vadd.s32 v1, v4;
	_ =	sdelay $0x1  }
0x2b: {  	v3 =	vadd.s32 v1, v3;
	_ =	sdelay $0x2  }
0x2c: {  	[tilespmem:s12], [sflag:$0x1] =	stream.indirect_vreg.gather [hbm4b:s3+s2], $0x80, v4, vm0, $0xb8;
	[tilespmem:$0x4080] =	vst v63  }
0x2d: {  	_ = 	snop  }
0x2e: {  	[tilespmem:s13], [sflag:$0x1] =	stream.indirect_vreg.gather [hbm4b:s3+s2], $0x80, v3, vm0, $0xb8;
	[tilespmem:$0x4080] =	vst v63  }
0x2f: {  	v3 =	vld [tilespmem:$0x30];
	_ =	sdelay $0x4  }
0x30: {  	v63 =	vshll.u32 v3, $0x1  }
0x31: {  	v3 =	vand.u32 $0x7, v3;
	v4 =	vand.u32 $0xFFFFFFF0, v63  }
0x32: {  	v3 =	vor.u32 v3, v4  }
0x33: {  	v4 =	vperm.xlane v3, v0;
	_ =	sdelay $0x1  }
0x34: {  	v3 =	vperm.xlane v3, v2;
	v4 =	vadd.s32 v1, v4;
	_ =	sdelay $0x1  }
0x35: {  	v3 =	vadd.s32 v1, v3;
	_ =	sdelay $0x2  }
0x36: {  	[tilespmem:s14], [sflag:$0x1] =	stream.indirect_vreg.gather [hbm4b:s3+s2], $0x80, v4, vm0, $0xb8;
	[tilespmem:$0x4080] =	vst v63  }
0x37: {  	_ = 	snop  }
0x38: {  	[tilespmem:s15], [sflag:$0x1] =	stream.indirect_vreg.gather [hbm4b:s3+s2], $0x80, v3, vm0, $0xb8;
	[tilespmem:$0x4080] =	vst v63  }
0x39: {  	_ =	swait.ge [sflag:s16], $0x4000  }
0x3a: {  	p0 =	sne.s32 s6, $0x1;
	[sflag:s16] =	ssyncset.done $0x0  }
.Ltmp0:
0x3b: {  	[sflag:s16] =	ssyncadd.s32 $0xFFFFC000;
	(pc) =	sbr.rel @p0 .LBB2_1-.Ltmp0, $4  }
0x3c: {  	[hbm4b:s5+s2] =	stream.linear.scatter [tilespmem:s8], [sflag:$0x2], $0x4000, $0x38;
	[tilespmem:$0x4080] =	vst v63  }
0x3d: {  	_ =	swait.ge [sflag:s7], $0x4000  }
0x3e: {  	[sflag:s7] =	ssyncset.done $0x0  }
0x3f: {  	s6 =	sadd.s32 $0xFFFFFFFF, s6;
	[sflag:s7] =	ssyncadd.s32 $0xFFFFC000  }
0x40: {  	_ =	sfence.sel $0x180000  }
0x41: {  	[bflag:$0x0] =	sbarrier.arrive $0xFFFF  }
0x42: {  	p0 =	sne.s32 s1, $0x0;
	_ =	strace $0x90000050  }
0x43: {  	s0 =	sadd.s32 @!p0 $0x100000, s0;
	[bflag:$0x2] =	sbarrier.arrive $0xFFFF  }
0x44: {  	[sflag:s0] =	ssyncadd.tile.s32 @!p0 $0x1;
	_ =	shalt  }
.Lfunc_end2:
_tile_overlayer_lowered:
.L_overlay_start_2:
0x45: {  	(tag) =	ssettag $0x2  }
0x46: {  	s0 =	rddreg [dreg:$0x0];
	s2 =	stileid.u32  }
0x47: {  	s1 =	rddreg [dreg:$0x1];
	p0 =	sne.s32 s2, $0x0  }
0x48: {  	s3 =	rddreg [dreg:$0x2];
	[bflag:$0x3] =	sbarrier.arrive $0xFFFF;
	s2 =	simm.s32 @!p0 $0x1C02  }
0x49: {  	[timem:s3], [sflag:s2] =	dma.local @!p0 [hbm:s0], s1  }
0x4a: {  	s0 =	simm.s32 @!p0 $0x2  }
0x4b: {  	_ =	swait.ge @!p0 [sflag:s0], s1  }
0x4c: {  	s1 =	ssub.s32 @!p0 $0x0, s1;
	[sflag:s0] =	ssyncset.done @!p0 $0x0  }
0x4d: {  	[sflag:s0] =	ssyncadd.s32 @!p0 s1  }
0x4e: {  	[bflag:$0x3] =	sbarrier.arrive $0xFFFF  }
0x4f: {  	_ =	shalt  }

</sc_bundles>
